<compile_context>
chip_gen: v7x
topology: tpu7x:2x2x1
jax: 0.10.2.dev20260603
libtpu: 0.0.44.dev20260713+nightly
codegen_flags: <defaults>
</compile_context>

<pallas_src>
import functools

import jax
import jax.numpy as jnp
from jax import lax
from jax.experimental import pallas as pl
from jax.experimental.pallas import tpu as pltpu
from jax.experimental.pallas import tpu_sc as plsc

_D = 768
_E = 8
_H = 3072
_T = 2048
_S = 2
_R = _T * _S
_TT = 256
_NT = _R // _TT

_NW = 32
_CHUNK = _T // _NW


def _silu(x):
    return x / (1.0 + jnp.exp(-x))


def _routing_body(x_ref, wg_ref, xg0_ref, xg1_ref, pos0_ref, pos1_ref,
                  offs_ref):
    x = x_ref[...]
    logits = jnp.dot(x, wg_ref[...], preferred_element_type=jnp.float32)
    iota = lax.broadcasted_iota(jnp.int32, logits.shape, 1)
    m1 = jnp.max(logits, axis=1, keepdims=True)
    oh1 = logits == m1
    idx1 = jnp.min(jnp.where(oh1, iota, _E), axis=1, keepdims=True)
    oh1 = iota == idx1
    neg = jnp.float32(-3.0e38)
    logits2 = jnp.where(oh1, neg, logits)
    m2 = jnp.max(logits2, axis=1, keepdims=True)
    idx2 = jnp.min(jnp.where(logits2 == m2, iota, _E), axis=1, keepdims=True)
    oh2 = iota == idx2
    z = jnp.exp(m2 - m1)
    g1 = 1.0 / (1.0 + z)
    g2 = z / (1.0 + z)

    m = oh1.astype(jnp.float32) + oh2.astype(jnp.float32)
    r_iota = lax.broadcasted_iota(jnp.int32, (_T, _T), 0)
    c_iota = lax.broadcasted_iota(jnp.int32, (_T, _T), 1)
    tril = (r_iota > c_iota).astype(jnp.float32)
    rank = jnp.dot(tril, m, preferred_element_type=jnp.float32)
    counts = jnp.sum(m, axis=0, keepdims=True)
    c16 = jnp.concatenate([counts, jnp.zeros((1, 16 - _E), jnp.float32)],
                          axis=1)
    s = jnp.concatenate([jnp.zeros((1, 1), jnp.float32), c16[:, :15]],
                        axis=1)
    for k in (1, 2, 4, 8):
        s = s + jnp.concatenate(
            [jnp.zeros((1, k), jnp.float32), s[:, :16 - k]], axis=1)
    offs = s

    off8 = offs[:, :_E]
    o1 = jnp.sum(jnp.where(oh1, off8, 0.0), axis=1, keepdims=True)
    o2 = jnp.sum(jnp.where(oh2, off8, 0.0), axis=1, keepdims=True)
    r1 = jnp.sum(jnp.where(oh1, rank, 0.0), axis=1, keepdims=True)
    r2 = jnp.sum(jnp.where(oh2, rank, 0.0), axis=1, keepdims=True)
    pos0_ref[...] = (o1 + r1).astype(jnp.int32)
    pos1_ref[...] = (o2 + r2).astype(jnp.int32)
    xg0_ref[...] = x * g1
    xg1_ref[...] = x * g2
    offs_ref[...] = offs.astype(jnp.int32)


def _routing(x2, wg):
    return pl.pallas_call(
        _routing_body,
        out_shape=(
            jax.ShapeDtypeStruct((_T, _D), jnp.float32),
            jax.ShapeDtypeStruct((_T, _D), jnp.float32),
            jax.ShapeDtypeStruct((_T, 1), jnp.int32),
            jax.ShapeDtypeStruct((_T, 1), jnp.int32),
            jax.ShapeDtypeStruct((1, 16), jnp.int32),
        ),
    )(x2, wg)


def _sc_mesh():
    return plsc.VectorSubcoreMesh(core_axis_name="c", subcore_axis_name="s")


def _dispatch_body(xg0, xg1, pos0, pos1, xs_out, idx0_v, idx1_v,
                   rows0_v, rows1_v, sem_a, sem_b, sem_c, sem_d):
    wid = lax.axis_index("s") * 2 + lax.axis_index("c")
    base = wid * _CHUNK
    sl = pl.ds(base, _CHUNK)
    pltpu.sync_copy(pos0.at[sl], idx0_v)
    pltpu.sync_copy(pos1.at[sl], idx1_v)
    ca = pltpu.async_copy(xg0.at[sl], rows0_v, sem_a)
    cb = pltpu.async_copy(xg1.at[sl], rows1_v, sem_b)
    ca.wait()
    cc = pltpu.async_copy(rows0_v, xs_out.at[idx0_v], sem_c)
    cb.wait()
    cd = pltpu.async_copy(rows1_v, xs_out.at[idx1_v], sem_d)
    cc.wait()
    cd.wait()


def _dispatch(xg0, xg1, pos0, pos1):
    k = functools.partial(
        pl.kernel,
        mesh=_sc_mesh(),
        out_type=jax.ShapeDtypeStruct((_R, _D), jnp.float32),
        scratch_types=[
            pltpu.VMEM((_CHUNK,), jnp.int32),
            pltpu.VMEM((_CHUNK,), jnp.int32),
            pltpu.VMEM((_CHUNK, _D), jnp.float32),
            pltpu.VMEM((_CHUNK, _D), jnp.float32),
            pltpu.SemaphoreType.DMA,
            pltpu.SemaphoreType.DMA,
            pltpu.SemaphoreType.DMA,
            pltpu.SemaphoreType.DMA,
        ],
    )(_dispatch_body)
    return k(xg0, xg1, pos0, pos1)


_SUB = 32


def _combine_body(x, y, pos0, pos1, out, idx0_v, idx1_v, a_v, b_v, x_v,
                  sem_a, sem_b, sem_x):
    wid = lax.axis_index("s") * 2 + lax.axis_index("c")
    base = wid * _CHUNK

    def addrow(i, carry):
        def col(c, carry2):
            sl = pl.ds(c * 16, 16)
            a_v[i, sl] = a_v[i, sl] + b_v[i, sl] + x_v[i, sl]
            return carry2

        lax.fori_loop(0, _D // 16, col, 0, unroll=4)
        return carry

    for s in range(_CHUNK // _SUB):
        b2 = base + s * _SUB
        sl = pl.ds(b2, _SUB)
        pltpu.sync_copy(pos0.at[sl], idx0_v)
        pltpu.sync_copy(pos1.at[sl], idx1_v)
        ca = pltpu.async_copy(y.at[idx0_v], a_v, sem_a)
        cb = pltpu.async_copy(y.at[idx1_v], b_v, sem_b)
        cx = pltpu.async_copy(x.at[sl], x_v, sem_x)
        ca.wait()
        cb.wait()
        cx.wait()
        lax.fori_loop(0, _SUB, addrow, 0)
        pltpu.sync_copy(a_v, out.at[sl])


def _combine(x2, y, pos0, pos1):
    k = functools.partial(
        pl.kernel,
        mesh=_sc_mesh(),
        out_type=jax.ShapeDtypeStruct((_T, _D), jnp.float32),
        scratch_types=[
            pltpu.VMEM((_SUB,), jnp.int32),
            pltpu.VMEM((_SUB,), jnp.int32),
            pltpu.VMEM((_SUB, _D), jnp.float32),
            pltpu.VMEM((_SUB, _D), jnp.float32),
            pltpu.VMEM((_SUB, _D), jnp.float32),
            pltpu.SemaphoreType.DMA,
            pltpu.SemaphoreType.DMA,
            pltpu.SemaphoreType.DMA,
        ],
    )(_combine_body)
    return k(x2, y, pos0, pos1)


_HB = 512
_NHC = _H // _HB


def _ffn_body(offs_ref, xs_ref, w1_hbm, w3_hbm, w2_hbm, out_ref,
              w1b, w3b, w2b, sem):
    e = pl.program_id(0)

    def issue(ei, hi, slot):
        hs = pl.ds(hi * _HB, _HB)
        pltpu.make_async_copy(w1_hbm.at[ei, :, hs], w1b.at[slot],
                              sem.at[slot]).start()
        pltpu.make_async_copy(w3_hbm.at[ei, :, hs], w3b.at[slot],
                              sem.at[slot]).start()
        pltpu.make_async_copy(w2_hbm.at[ei, hs, :], w2b.at[slot],
                              sem.at[slot]).start()

    def drain(ei, hi, slot):
        hs = pl.ds(hi * _HB, _HB)
        pltpu.make_async_copy(w1_hbm.at[ei, :, hs], w1b.at[slot],
                              sem.at[slot]).wait()
        pltpu.make_async_copy(w3_hbm.at[ei, :, hs], w3b.at[slot],
                              sem.at[slot]).wait()
        pltpu.make_async_copy(w2_hbm.at[ei, hs, :], w2b.at[slot],
                              sem.at[slot]).wait()

    @pl.when(e == 0)
    def _():
        out_ref[...] = jnp.zeros_like(out_ref)
        issue(0, 0, 0)

    start_e = offs_ref[0, e]
    end_e = offs_ref[0, e + 1]
    t_lo = start_e // _TT
    t_hi = (end_e + _TT - 1) // _TT
    riota0 = lax.broadcasted_iota(jnp.int32, (_TT, 1), 0)

    for h in range(_NHC):
        slot = h % 2
        nslot = (h + 1) % 2
        if h + 1 < _NHC:
            issue(e, h + 1, nslot)
        else:
            @pl.when(e + 1 < _E)
            def _():
                issue(e + 1, 0, nslot)
        drain(e, h, slot)

        @pl.when(start_e < end_e)
        def _():
            def tbody(t, carry):
                rows = pl.ds(t * _TT, _TT)
                x = xs_ref[rows, :]
                riota = t * _TT + riota0
                valid = (riota >= start_e) & (riota < end_e)
                xb = jnp.where(valid, x, 0.0)
                h1 = jnp.dot(xb, w1b[slot],
                             preferred_element_type=jnp.float32)
                h3 = jnp.dot(xb, w3b[slot],
                             preferred_element_type=jnp.float32)
                hh = _silu(h1) * h3
                y = jnp.dot(hh, w2b[slot],
                            preferred_element_type=jnp.float32)
                out_ref[rows, :] += y
                return carry

            lax.fori_loop(t_lo, t_hi, tbody, 0)


def _grouped_ffn(offs, xs, w1, w3, w2):
    grid_spec = pltpu.PrefetchScalarGridSpec(
        num_scalar_prefetch=1,
        grid=(_E,),
        in_specs=[
            pl.BlockSpec((_R, _D), lambda e, o: (0, 0)),
            pl.BlockSpec(memory_space=pl.ANY),
            pl.BlockSpec(memory_space=pl.ANY),
            pl.BlockSpec(memory_space=pl.ANY),
        ],
        out_specs=pl.BlockSpec((_R, _D), lambda e, o: (0, 0)),
        scratch_shapes=[
            pltpu.VMEM((2, _D, _HB), jnp.float32),
            pltpu.VMEM((2, _D, _HB), jnp.float32),
            pltpu.VMEM((2, _HB, _D), jnp.float32),
            pltpu.SemaphoreType.DMA((2,)),
        ],
    )
    return pl.pallas_call(
        _ffn_body,
        grid_spec=grid_spec,
        out_shape=jax.ShapeDtypeStruct((_R, _D), jnp.float32),
        compiler_params=pltpu.CompilerParams(
            dimension_semantics=("arbitrary",),
        ),
    )(offs, xs, w1, w3, w2)


def kernel(X, Wg, W1, W2, W3):
    x2 = X.reshape(_T, _D)

    xg0, xg1, pos0, pos1, offs = _routing(x2, Wg)
    p0 = pos0.reshape(_R // 2)
    p1 = pos1.reshape(_R // 2)

    xs = _dispatch(xg0, xg1, p0, p1)
    y = _grouped_ffn(offs, xs, W1, W3, W2)
    out = _combine(x2, y, p0, p1)
    return out.reshape(X.shape)

# --- scband reference (transcript-rebuilt; emitter-appended) ---
"""Pipeline reference for scband-sparse-mo-e-expert-parallelism-46523085750483 (READ-ONLY COPY).

The authoritative reference and input builder live on the scoring server;
editing this copy changes nothing except your own understanding.
"""

import jax, jax.numpy as jnp
import numpy as np

HIDDENS = 768
NUM_EXPERTS = 8
SLOTS = 2
FFN_MULT = 4
B, T = 1, 2048


def setup_inputs(seed: int = 0) -> dict:
    key = jax.random.key(seed)
    k1, k2, k3, k4, k5 = jax.random.split(key, 5)
    D = HIDDENS
    H = FFN_MULT * D
    X = jax.random.normal(k1, (B, T, D), dtype=jnp.float32)
    Wg = jax.random.normal(k2, (D, NUM_EXPERTS), dtype=jnp.float32) / np.sqrt(D)
    W1 = jax.random.normal(k3, (NUM_EXPERTS, D, H), dtype=jnp.float32) / np.sqrt(D)
    W3 = jax.random.normal(k4, (NUM_EXPERTS, D, H), dtype=jnp.float32) / np.sqrt(D)
    W2 = jax.random.normal(k5, (NUM_EXPERTS, H, D), dtype=jnp.float32) / np.sqrt(H)
    return {"X": X, "Wg": Wg, "W1": W1, "W2": W2, "W3": W3}


def reference(X, Wg, W1, W2, W3):
    # gate
    logits = jnp.einsum('btd,de->bte', X, Wg)  # [B,T,E]
    topk_val, topk_idx = jax.lax.top_k(logits, SLOTS)  # [B,T,slots]
    gates = jax.nn.softmax(topk_val, axis=-1)  # [B,T,slots]
    # Original torch code scales the expert INPUT by the gate weight,
    # runs FFN_LLaMa (SwiGLU) per expert on routed tokens, and adds to residual.
    # Dense-masked equivalent: SwiGLU(0) == 0 (no biases), so feeding zeroed
    # non-routed tokens through each expert gives identical math.
    out = X
    for e in range(NUM_EXPERTS):
        mask = (topk_idx == e).astype(X.dtype)  # [B,T,slots], experts distinct per token
        combine = jnp.sum(mask * gates, axis=-1)  # [B,T]
        xs = X * combine[..., None]
        h = jax.nn.silu(jnp.einsum('btd,dh->bth', xs, W1[e])) * jnp.einsum('btd,dh->bth', xs, W3[e])
        out = out + jnp.einsum('bth,hd->btd', h, W2[e])
    return out

if __name__ == "__main__":
    import jax
    _d = setup_inputs()
    print(jax.jit(kernel)(*tuple(_d.values())))

</pallas_src>

<mosaic_0001>
#map = affine_map<(d0, d1) -> (0, 0)>
#map1 = affine_map<(d0, d1) -> (0)>
module attributes {stable_mosaic.version = 14 : i64} {
  func.func @_dispatch_body(%arg0: i32, %arg1: i32, %arg2: memref<2048x768xf32, #tpu.memory_space<hbm>>, %arg3: memref<2048x768xf32, #tpu.memory_space<hbm>>, %arg4: memref<2048xi32, #tpu.memory_space<hbm>>, %arg5: memref<2048xi32, #tpu.memory_space<hbm>>, %arg6: memref<4096x768xf32, #tpu.memory_space<hbm>>, %arg7: memref<64xi32, #tpu.memory_space<vmem>>, %arg8: memref<64xi32, #tpu.memory_space<vmem>>, %arg9: memref<64x768xf32, #tpu.memory_space<vmem>>, %arg10: memref<64x768xf32, #tpu.memory_space<vmem>>, %arg11: memref<!tpu.dma_semaphore, #tpu.memory_space<semaphore_mem>>, %arg12: memref<!tpu.dma_semaphore, #tpu.memory_space<semaphore_mem>>, %arg13: memref<!tpu.dma_semaphore, #tpu.memory_space<semaphore_mem>>, %arg14: memref<!tpu.dma_semaphore, #tpu.memory_space<semaphore_mem>>) attributes {dimension_semantics = [#tpu.dimension_semantics<core_parallel>, #tpu.dimension_semantics<subcore_parallel>], iteration_bounds = array<i64: 2, 16>, scalar_prefetch = 0 : i64, scratch_operands = 8 : i64, tpu.core_type = #tpu.core_type<sc_vector_subcore>, window_params = [{transform_indices = #map}, {transform_indices = #map}, {transform_indices = #map1}, {transform_indices = #map1}, {transform_indices = #map}]} {
    %mul3A = arith.constant 2 : i32
    %mul3A_0 = arith.muli %arg1, %mul3A : i32
    %add3A = arith.addi %mul3A_0, %arg0 : i32
    %mul3A_1 = arith.constant 64 : i32
    %mul3A_2 = arith.muli %add3A, %mul3A_1 : i32
    "tpu.region"() ({
      %run_scoped3A = tpu.sem_alloc : memref<!tpu.dma_semaphore, #tpu.memory_space<semaphore_mem>>
      %dma_start3A_29 = tpu.memref_slice %arg4[%mul3A_2] : memref<2048xi32, #tpu.memory_space<hbm>> -> memref<64xi32, #tpu.memory_space<hbm>>
      %dma_start3A_30 = tpu.memref_slice %arg4[%mul3A_2] : memref<2048xi32, #tpu.memory_space<hbm>> -> memref<64xi32, #tpu.memory_space<hbm>>
      tpu.enqueue_dma source(%dma_start3A_30 : memref<64xi32, #tpu.memory_space<hbm>>) target(%arg7 : memref<64xi32, #tpu.memory_space<vmem>>) target_semaphore(%run_scoped3A : memref<!tpu.dma_semaphore, #tpu.memory_space<semaphore_mem>>)
      %dma_wait3A_31 = tpu.memref_slice %arg4[%mul3A_2] : memref<2048xi32, #tpu.memory_space<hbm>> -> memref<64xi32, #tpu.memory_space<hbm>>
      %dma_wait3A_32 = tpu.memref_slice %arg4[%mul3A_2] : memref<2048xi32, #tpu.memory_space<hbm>> -> memref<64xi32, #tpu.memory_space<hbm>>
      tpu.wait_dma2 semaphore(%run_scoped3A : memref<!tpu.dma_semaphore, #tpu.memory_space<semaphore_mem>>) src(%dma_wait3A_32 : memref<64xi32, #tpu.memory_space<hbm>>) dst(%arg7 : memref<64xi32, #tpu.memory_space<vmem>>)
      tpu.yield
    }) : () -> ()
    "tpu.region"() ({
      %run_scoped3A = tpu.sem_alloc : memref<!tpu.dma_semaphore, #tpu.memory_space<semaphore_mem>>
      %dma_start3A_29 = tpu.memref_slice %arg5[%mul3A_2] : memref<2048xi32, #tpu.memory_space<hbm>> -> memref<64xi32, #tpu.memory_space<hbm>>
      %dma_start3A_30 = tpu.memref_slice %arg5[%mul3A_2] : memref<2048xi32, #tpu.memory_space<hbm>> -> memref<64xi32, #tpu.memory_space<hbm>>
      tpu.enqueue_dma source(%dma_start3A_30 : memref<64xi32, #tpu.memory_space<hbm>>) target(%arg8 : memref<64xi32, #tpu.memory_space<vmem>>) target_semaphore(%run_scoped3A : memref<!tpu.dma_semaphore, #tpu.memory_space<semaphore_mem>>)
      %dma_wait3A_31 = tpu.memref_slice %arg5[%mul3A_2] : memref<2048xi32, #tpu.memory_space<hbm>> -> memref<64xi32, #tpu.memory_space<hbm>>
      %dma_wait3A_32 = tpu.memref_slice %arg5[%mul3A_2] : memref<2048xi32, #tpu.memory_space<hbm>> -> memref<64xi32, #tpu.memory_space<hbm>>
      tpu.wait_dma2 semaphore(%run_scoped3A : memref<!tpu.dma_semaphore, #tpu.memory_space<semaphore_mem>>) src(%dma_wait3A_32 : memref<64xi32, #tpu.memory_space<hbm>>) dst(%arg8 : memref<64xi32, #tpu.memory_space<vmem>>)
      tpu.yield
    }) : () -> ()
    %dma_start3A = arith.constant 0 : i32
    %dma_start3A_3 = tpu.memref_slice %arg2[%mul3A_2, %dma_start3A] : memref<2048x768xf32, #tpu.memory_space<hbm>> -> memref<64x768xf32, #tpu.memory_space<hbm>>
    %dma_start3A_4 = arith.constant 0 : i32
    %dma_start3A_5 = tpu.memref_slice %arg2[%mul3A_2, %dma_start3A_4] : memref<2048x768xf32, #tpu.memory_space<hbm>> -> memref<64x768xf32, #tpu.memory_space<hbm>>
    tpu.enqueue_dma source(%dma_start3A_5 : memref<64x768xf32, #tpu.memory_space<hbm>>) target(%arg9 : memref<64x768xf32, #tpu.memory_space<vmem>>) target_semaphore(%arg11 : memref<!tpu.dma_semaphore, #tpu.memory_space<semaphore_mem>>)
    %dma_start3A_6 = arith.constant 0 : i32
    %dma_start3A_7 = tpu.memref_slice %arg3[%mul3A_2, %dma_start3A_6] : memref<2048x768xf32, #tpu.memory_space<hbm>> -> memref<64x768xf32, #tpu.memory_space<hbm>>
    %dma_start3A_8 = arith.constant 0 : i32
    %dma_start3A_9 = tpu.memref_slice %arg3[%mul3A_2, %dma_start3A_8] : memref<2048x768xf32, #tpu.memory_space<hbm>> -> memref<64x768xf32, #tpu.memory_space<hbm>>
    tpu.enqueue_dma source(%dma_start3A_9 : memref<64x768xf32, #tpu.memory_space<hbm>>) target(%arg10 : memref<64x768xf32, #tpu.memory_space<vmem>>) target_semaphore(%arg12 : memref<!tpu.dma_semaphore, #tpu.memory_space<semaphore_mem>>)
    %dma_wait3A = arith.constant 0 : i32
    %dma_wait3A_10 = tpu.memref_slice %arg2[%mul3A_2, %dma_wait3A] : memref<2048x768xf32, #tpu.memory_space<hbm>> -> memref<64x768xf32, #tpu.memory_space<hbm>>
    %dma_wait3A_11 = arith.constant 0 : i32
    %dma_wait3A_12 = tpu.memref_slice %arg2[%mul3A_2, %dma_wait3A_11] : memref<2048x768xf32, #tpu.memory_space<hbm>> -> memref<64x768xf32, #tpu.memory_space<hbm>>
    tpu.wait_dma2 semaphore(%arg11 : memref<!tpu.dma_semaphore, #tpu.memory_space<semaphore_mem>>) src(%dma_wait3A_12 : memref<64x768xf32, #tpu.memory_space<hbm>>) dst(%arg9 : memref<64x768xf32, #tpu.memory_space<vmem>>)
    %dma_start3A_13 = arith.constant 0 : i32
    %dma_start3A_14 = arith.constant 0 : i32
    %dma_start3A_15 = tpu.memref_slice %arg6[%dma_start3A_13, %dma_start3A_14] : memref<4096x768xf32, #tpu.memory_space<hbm>> -> memref<4096x768xf32, #tpu.memory_space<hbm>>
    tpu.enqueue_indirect_dma source(%arg9 : memref<64x768xf32, #tpu.memory_space<vmem>>) target(%dma_start3A_15 : memref<4096x768xf32, #tpu.memory_space<hbm>>) offsets(%arg7 : memref<64xi32, #tpu.memory_space<vmem>>) semaphore(%arg13 : memref<!tpu.dma_semaphore, #tpu.memory_space<semaphore_mem>>)
    %dma_wait3A_16 = arith.constant 0 : i32
    %dma_wait3A_17 = tpu.memref_slice %arg3[%mul3A_2, %dma_wait3A_16] : memref<2048x768xf32, #tpu.memory_space<hbm>> -> memref<64x768xf32, #tpu.memory_space<hbm>>
    %dma_wait3A_18 = arith.constant 0 : i32
    %dma_wait3A_19 = tpu.memref_slice %arg3[%mul3A_2, %dma_wait3A_18] : memref<2048x768xf32, #tpu.memory_space<hbm>> -> memref<64x768xf32, #tpu.memory_space<hbm>>
    tpu.wait_dma2 semaphore(%arg12 : memref<!tpu.dma_semaphore, #tpu.memory_space<semaphore_mem>>) src(%dma_wait3A_19 : memref<64x768xf32, #tpu.memory_space<hbm>>) dst(%arg10 : memref<64x768xf32, #tpu.memory_space<vmem>>)
    %dma_start3A_20 = arith.constant 0 : i32
    %dma_start3A_21 = arith.constant 0 : i32
    %dma_start3A_22 = tpu.memref_slice %arg6[%dma_start3A_20, %dma_start3A_21] : memref<4096x768xf32, #tpu.memory_space<hbm>> -> memref<4096x768xf32, #tpu.memory_space<hbm>>
    tpu.enqueue_indirect_dma source(%arg10 : memref<64x768xf32, #tpu.memory_space<vmem>>) target(%dma_start3A_22 : memref<4096x768xf32, #tpu.memory_space<hbm>>) offsets(%arg8 : memref<64xi32, #tpu.memory_space<vmem>>) semaphore(%arg14 : memref<!tpu.dma_semaphore, #tpu.memory_space<semaphore_mem>>)
    %dma_wait3A_23 = arith.constant 0 : i32
    %dma_wait3A_24 = arith.constant 0 : i32
    %dma_wait3A_25 = tpu.memref_slice %arg6[%dma_wait3A_23, %dma_wait3A_24] : memref<4096x768xf32, #tpu.memory_space<hbm>> -> memref<4096x768xf32, #tpu.memory_space<hbm>>
    tpu.wait_indirect_dma semaphore(%arg13 : memref<!tpu.dma_semaphore, #tpu.memory_space<semaphore_mem>>) src(%arg9 : memref<64x768xf32, #tpu.memory_space<vmem>>) dst(%dma_wait3A_25 : memref<4096x768xf32, #tpu.memory_space<hbm>>)
    %dma_wait3A_26 = arith.constant 0 : i32
    %dma_wait3A_27 = arith.constant 0 : i32
    %dma_wait3A_28 = tpu.memref_slice %arg6[%dma_wait3A_26, %dma_wait3A_27] : memref<4096x768xf32, #tpu.memory_space<hbm>> -> memref<4096x768xf32, #tpu.memory_space<hbm>>
    tpu.wait_indirect_dma semaphore(%arg14 : memref<!tpu.dma_semaphore, #tpu.memory_space<semaphore_mem>>) src(%arg10 : memref<64x768xf32, #tpu.memory_space<vmem>>) dst(%dma_wait3A_28 : memref<4096x768xf32, #tpu.memory_space<hbm>>)
    return
  }
}

#map = affine_map<(d0, d1) -> (0, 0)>
#map1 = affine_map<(d0, d1) -> (0)>
module attributes {stable_mosaic.version = 14 : i64} {
  func.func @_combine_body(%arg0: i32, %arg1: i32, %arg2: memref<2048x768xf32, #tpu.memory_space<hbm>>, %arg3: memref<4096x768xf32, #tpu.memory_space<hbm>>, %arg4: memref<2048xi32, #tpu.memory_space<hbm>>, %arg5: memref<2048xi32, #tpu.memory_space<hbm>>, %arg6: memref<2048x768xf32, #tpu.memory_space<hbm>>, %arg7: memref<32xi32, #tpu.memory_space<vmem>>, %arg8: memref<32xi32, #tpu.memory_space<vmem>>, %arg9: memref<32x768xf32, #tpu.memory_space<vmem>>, %arg10: memref<32x768xf32, #tpu.memory_space<vmem>>, %arg11: memref<32x768xf32, #tpu.memory_space<vmem>>, %arg12: memref<!tpu.dma_semaphore, #tpu.memory_space<semaphore_mem>>, %arg13: memref<!tpu.dma_semaphore, #tpu.memory_space<semaphore_mem>>, %arg14: memref<!tpu.dma_semaphore, #tpu.memory_space<semaphore_mem>>) attributes {dimension_semantics = [#tpu.dimension_semantics<core_parallel>, #tpu.dimension_semantics<subcore_parallel>], iteration_bounds = array<i64: 2, 16>, scalar_prefetch = 0 : i64, scratch_operands = 8 : i64, tpu.core_type = #tpu.core_type<sc_vector_subcore>, window_params = [{transform_indices = #map}, {transform_indices = #map}, {transform_indices = #map1}, {transform_indices = #map1}, {transform_indices = #map}]} {
    %mul3A = arith.constant 2 : i32
    %mul3A_0 = arith.muli %arg1, %mul3A : i32
    %add3A = arith.addi %mul3A_0, %arg0 : i32
    %mul3A_1 = arith.constant 64 : i32
    %mul3A_2 = arith.muli %add3A, %mul3A_1 : i32
    %add3A_3 = arith.constant 0 : i32
    %add3A_4 = arith.addi %mul3A_2, %add3A_3 : i32
    "tpu.region"() ({
      %run_scoped3A = tpu.sem_alloc : memref<!tpu.dma_semaphore, #tpu.memory_space<semaphore_mem>>
      %dma_start3A_56 = tpu.memref_slice %arg4[%add3A_4] : memref<2048xi32, #tpu.memory_space<hbm>> -> memref<32xi32, #tpu.memory_space<hbm>>
      %dma_start3A_57 = tpu.memref_slice %arg4[%add3A_4] : memref<2048xi32, #tpu.memory_space<hbm>> -> memref<32xi32, #tpu.memory_space<hbm>>
      tpu.enqueue_dma source(%dma_start3A_57 : memref<32xi32, #tpu.memory_space<hbm>>) target(%arg7 : memref<32xi32, #tpu.memory_space<vmem>>) target_semaphore(%run_scoped3A : memref<!tpu.dma_semaphore, #tpu.memory_space<semaphore_mem>>)
      %dma_wait3A_58 = tpu.memref_slice %arg4[%add3A_4] : memref<2048xi32, #tpu.memory_space<hbm>> -> memref<32xi32, #tpu.memory_space<hbm>>
      %dma_wait3A_59 = tpu.memref_slice %arg4[%add3A_4] : memref<2048xi32, #tpu.memory_space<hbm>> -> memref<32xi32, #tpu.memory_space<hbm>>
      tpu.wait_dma2 semaphore(%run_scoped3A : memref<!tpu.dma_semaphore, #tpu.memory_space<semaphore_mem>>) src(%dma_wait3A_59 : memref<32xi32, #tpu.memory_space<hbm>>) dst(%arg7 : memref<32xi32, #tpu.memory_space<vmem>>)
      tpu.yield
    }) : () -> ()
    "tpu.region"() ({
      %run_scoped3A = tpu.sem_alloc : memref<!tpu.dma_semaphore, #tpu.memory_space<semaphore_mem>>
      %dma_start3A_56 = tpu.memref_slice %arg5[%add3A_4] : memref<2048xi32, #tpu.memory_space<hbm>> -> memref<32xi32, #tpu.memory_space<hbm>>
      %dma_start3A_57 = tpu.memref_slice %arg5[%add3A_4] : memref<2048xi32, #tpu.memory_space<hbm>> -> memref<32xi32, #tpu.memory_space<hbm>>
      tpu.enqueue_dma source(%dma_start3A_57 : memref<32xi32, #tpu.memory_space<hbm>>) target(%arg8 : memref<32xi32, #tpu.memory_space<vmem>>) target_semaphore(%run_scoped3A : memref<!tpu.dma_semaphore, #tpu.memory_space<semaphore_mem>>)
      %dma_wait3A_58 = tpu.memref_slice %arg5[%add3A_4] : memref<2048xi32, #tpu.memory_space<hbm>> -> memref<32xi32, #tpu.memory_space<hbm>>
      %dma_wait3A_59 = tpu.memref_slice %arg5[%add3A_4] : memref<2048xi32, #tpu.memory_space<hbm>> -> memref<32xi32, #tpu.memory_space<hbm>>
      tpu.wait_dma2 semaphore(%run_scoped3A : memref<!tpu.dma_semaphore, #tpu.memory_space<semaphore_mem>>) src(%dma_wait3A_59 : memref<32xi32, #tpu.memory_space<hbm>>) dst(%arg8 : memref<32xi32, #tpu.memory_space<vmem>>)
      tpu.yield
    }) : () -> ()
    %dma_start3A = arith.constant 0 : i32
    %dma_start3A_5 = arith.constant 0 : i32
    %dma_start3A_6 = tpu.memref_slice %arg3[%dma_start3A, %dma_start3A_5] : memref<4096x768xf32, #tpu.memory_space<hbm>> -> memref<4096x768xf32, #tpu.memory_space<hbm>>
    tpu.enqueue_indirect_dma source(%dma_start3A_6 : memref<4096x768xf32, #tpu.memory_space<hbm>>) target(%arg9 : memref<32x768xf32, #tpu.memory_space<vmem>>) offsets(%arg7 : memref<32xi32, #tpu.memory_space<vmem>>) semaphore(%arg12 : memref<!tpu.dma_semaphore, #tpu.memory_space<semaphore_mem>>)
    %dma_start3A_7 = arith.constant 0 : i32
    %dma_start3A_8 = arith.constant 0 : i32
    %dma_start3A_9 = tpu.memref_slice %arg3[%dma_start3A_7, %dma_start3A_8] : memref<4096x768xf32, #tpu.memory_space<hbm>> -> memref<4096x768xf32, #tpu.memory_space<hbm>>
    tpu.enqueue_indirect_dma source(%dma_start3A_9 : memref<4096x768xf32, #tpu.memory_space<hbm>>) target(%arg10 : memref<32x768xf32, #tpu.memory_space<vmem>>) offsets(%arg8 : memref<32xi32, #tpu.memory_space<vmem>>) semaphore(%arg13 : memref<!tpu.dma_semaphore, #tpu.memory_space<semaphore_mem>>)
    %dma_start3A_10 = arith.constant 0 : i32
    %dma_start3A_11 = tpu.memref_slice %arg2[%add3A_4, %dma_start3A_10] : memref<2048x768xf32, #tpu.memory_space<hbm>> -> memref<32x768xf32, #tpu.memory_space<hbm>>
    %dma_start3A_12 = arith.constant 0 : i32
    %dma_start3A_13 = tpu.memref_slice %arg2[%add3A_4, %dma_start3A_12] : memref<2048x768xf32, #tpu.memory_space<hbm>> -> memref<32x768xf32, #tpu.memory_space<hbm>>
    tpu.enqueue_dma source(%dma_start3A_13 : memref<32x768xf32, #tpu.memory_space<hbm>>) target(%arg11 : memref<32x768xf32, #tpu.memory_space<vmem>>) target_semaphore(%arg14 : memref<!tpu.dma_semaphore, #tpu.memory_space<semaphore_mem>>)
    %dma_wait3A = arith.constant 0 : i32
    %dma_wait3A_14 = arith.constant 0 : i32
    %dma_wait3A_15 = tpu.memref_slice %arg3[%dma_wait3A, %dma_wait3A_14] : memref<4096x768xf32, #tpu.memory_space<hbm>> -> memref<4096x768xf32, #tpu.memory_space<hbm>>
    tpu.wait_indirect_dma semaphore(%arg12 : memref<!tpu.dma_semaphore, #tpu.memory_space<semaphore_mem>>) src(%dma_wait3A_15 : memref<4096x768xf32, #tpu.memory_space<hbm>>) dst(%arg9 : memref<32x768xf32, #tpu.memory_space<vmem>>)
    %dma_wait3A_16 = arith.constant 0 : i32
    %dma_wait3A_17 = arith.constant 0 : i32
    %dma_wait3A_18 = tpu.memref_slice %arg3[%dma_wait3A_16, %dma_wait3A_17] : memref<4096x768xf32, #tpu.memory_space<hbm>> -> memref<4096x768xf32, #tpu.memory_space<hbm>>
    tpu.wait_indirect_dma semaphore(%arg13 : memref<!tpu.dma_semaphore, #tpu.memory_space<semaphore_mem>>) src(%dma_wait3A_18 : memref<4096x768xf32, #tpu.memory_space<hbm>>) dst(%arg10 : memref<32x768xf32, #tpu.memory_space<vmem>>)
    %dma_wait3A_19 = arith.constant 0 : i32
    %dma_wait3A_20 = tpu.memref_slice %arg2[%add3A_4, %dma_wait3A_19] : memref<2048x768xf32, #tpu.memory_space<hbm>> -> memref<32x768xf32, #tpu.memory_space<hbm>>
    %dma_wait3A_21 = arith.constant 0 : i32
    %dma_wait3A_22 = tpu.memref_slice %arg2[%add3A_4, %dma_wait3A_21] : memref<2048x768xf32, #tpu.memory_space<hbm>> -> memref<32x768xf32, #tpu.memory_space<hbm>>
    tpu.wait_dma2 semaphore(%arg14 : memref<!tpu.dma_semaphore, #tpu.memory_space<semaphore_mem>>) src(%dma_wait3A_22 : memref<32x768xf32, #tpu.memory_space<hbm>>) dst(%arg11 : memref<32x768xf32, #tpu.memory_space<vmem>>)
    %scan3A = arith.constant 0 : i32
    %scan3A_23 = arith.constant 0 : i32
    %scan3A_24 = arith.constant 32 : i32
    %scan3A_25 = arith.addi %scan3A_23, %scan3A_24 : i32
    %scan3A_26 = arith.constant 1 : i32
    scf.for %scan3A_56 = %scan3A_23 to %scan3A_25 step %scan3A_26  : i32 {
      %scan3A_57 = arith.constant 0 : i32
      %scan3A_58 = arith.constant 0 : i32
      %scan3A_59 = arith.constant 48 : i32
      %scan3A_60 = arith.addi %scan3A_58, %scan3A_59 : i32
      %scan3A_61 = arith.constant 4 : i32
      scf.for %scan3A_63 = %scan3A_58 to %scan3A_60 step %scan3A_61  : i32 {
        %mul3A_64 = arith.constant 16 : i32
        %mul3A_65 = arith.muli %scan3A_63, %mul3A_64 : i32
        %get3A = arith.index_cast %scan3A_56 : i32 to index
        %get3A_66 = arith.index_cast %mul3A_65 : i32 to index
        %get3A_67 = tpu.vector_load %arg9[%get3A, %get3A_66] {strides = array<i32>} : memref<32x768xf32, #tpu.memory_space<vmem>>, vector<1x16xf32>,
        %get3A_68 = vector.shape_cast %get3A_67 : vector<1x16xf32> to vector<16xf32>
        %get3A_69 = arith.index_cast %scan3A_56 : i32 to index
        %get3A_70 = arith.index_cast %mul3A_65 : i32 to index
        %get3A_71 = tpu.vector_load %arg10[%get3A_69, %get3A_70] {strides = array<i32>} : memref<32x768xf32, #tpu.memory_space<vmem>>, vector<1x16xf32>,
        %get3A_72 = vector.shape_cast %get3A_71 : vector<1x16xf32> to vector<16xf32>
        %add3A_73 = arith.addf %get3A_68, %get3A_72 : vector<16xf32>
        %get3A_74 = arith.index_cast %scan3A_56 : i32 to index
        %get3A_75 = arith.index_cast %mul3A_65 : i32 to index
        %get3A_76 = tpu.vector_load %arg11[%get3A_74, %get3A_75] {strides = array<i32>} : memref<32x768xf32, #tpu.memory_space<vmem>>, vector<1x16xf32>,
        %get3A_77 = vector.shape_cast %get3A_76 : vector<1x16xf32> to vector<16xf32>
        %add3A_78 = arith.addf %add3A_73, %get3A_77 : vector<16xf32>
        %swap3A = arith.index_cast %scan3A_56 : i32 to index
        %swap3A_79 = arith.index_cast %mul3A_65 : i32 to index
        %swap3A_80 = tpu.vector_load %arg9[%swap3A, %swap3A_79] {strides = array<i32>} : memref<32x768xf32, #tpu.memory_space<vmem>>, vector<1x16xf32>,
        %swap3A_81 = vector.shape_cast %swap3A_80 : vector<1x16xf32> to vector<16xf32>
        %swap3A_82 = vector.shape_cast %add3A_78 : vector<16xf32> to vector<1x16xf32>
        tpu.vector_store %arg9[%swap3A, %swap3A_79], %swap3A_82 {strides = array<i32>} : memref<32x768xf32, #tpu.memory_space<vmem>>, vector<1x16xf32>,
        %scan3A_83 = arith.constant 1 : i32
        %scan3A_84 = arith.addi %scan3A_63, %scan3A_83 : i32
        %mul3A_85 = arith.constant 16 : i32
        %mul3A_86 = arith.muli %scan3A_84, %mul3A_85 : i32
        %get3A_87 = arith.index_cast %scan3A_56 : i32 to index
        %get3A_88 = arith.index_cast %mul3A_86 : i32 to index
        %get3A_89 = tpu.vector_load %arg9[%get3A_87, %get3A_88] {strides = array<i32>} : memref<32x768xf32, #tpu.memory_space<vmem>>, vector<1x16xf32>,
        %get3A_90 = vector.shape_cast %get3A_89 : vector<1x16xf32> to vector<16xf32>
        %get3A_91 = arith.index_cast %scan3A_56 : i32 to index
        %get3A_92 = arith.index_cast %mul3A_86 : i32 to index
        %get3A_93 = tpu.vector_load %arg10[%get3A_91, %get3A_92] {strides = array<i32>} : memref<32x768xf32, #tpu.memory_space<vmem>>, vector<1x16xf32>,
        %get3A_94 = vector.shape_cast %get3A_93 : vector<1x16xf32> to vector<16xf32>
        %add3A_95 = arith.addf %get3A_90, %get3A_94 : vector<16xf32>
        %get3A_96 = arith.index_cast %scan3A_56 : i32 to index
        %get3A_97 = arith.index_cast %mul3A_86 : i32 to index
        %get3A_98 = tpu.vector_load %arg11[%get3A_96, %get3A_97] {strides = array<i32>} : memref<32x768xf32, #tpu.memory_space<vmem>>, vector<1x16xf32>,
        %get3A_99 = vector.shape_cast %get3A_98 : vector<1x16xf32> to vector<16xf32>
        %add3A_100 = arith.addf %add3A_95, %get3A_99 : vector<16xf32>
        %swap3A_101 = arith.index_cast %scan3A_56 : i32 to index
        %swap3A_102 = arith.index_cast %mul3A_86 : i32 to index
        %swap3A_103 = tpu.vector_load %arg9[%swap3A_101, %swap3A_102] {strides = array<i32>} : memref<32x768xf32, #tpu.memory_space<vmem>>, vector<1x16xf32>,
        %swap3A_104 = vector.shape_cast %swap3A_103 : vector<1x16xf32> to vector<16xf32>
        %swap3A_105 = vector.shape_cast %add3A_100 : vector<16xf32> to vector<1x16xf32>
        tpu.vector_store %arg9[%swap3A_101, %swap3A_102], %swap3A_105 {strides = array<i32>} : memref<32x768xf32, #tpu.memory_space<vmem>>, vector<1x16xf32>,
        %scan3A_106 = arith.constant 2 : i32
        %scan3A_107 = arith.addi %scan3A_63, %scan3A_106 : i32
        %mul3A_108 = arith.constant 16 : i32
        %mul3A_109 = arith.muli %scan3A_107, %mul3A_108 : i32
        %get3A_110 = arith.index_cast %scan3A_56 : i32 to index
        %get3A_111 = arith.index_cast %mul3A_109 : i32 to index
        %get3A_112 = tpu.vector_load %arg9[%get3A_110, %get3A_111] {strides = array<i32>} : memref<32x768xf32, #tpu.memory_space<vmem>>, vector<1x16xf32>,
        %get3A_113 = vector.shape_cast %get3A_112 : vector<1x16xf32> to vector<16xf32>
        %get3A_114 = arith.index_cast %scan3A_56 : i32 to index
        %get3A_115 = arith.index_cast %mul3A_109 : i32 to index
        %get3A_116 = tpu.vector_load %arg10[%get3A_114, %get3A_115] {strides = array<i32>} : memref<32x768xf32, #tpu.memory_space<vmem>>, vector<1x16xf32>,
        %get3A_117 = vector.shape_cast %get3A_116 : vector<1x16xf32> to vector<16xf32>
        %add3A_118 = arith.addf %get3A_113, %get3A_117 : vector<16xf32>
        %get3A_119 = arith.index_cast %scan3A_56 : i32 to index
        %get3A_120 = arith.index_cast %mul3A_109 : i32 to index
        %get3A_121 = tpu.vector_load %arg11[%get3A_119, %get3A_120] {strides = array<i32>} : memref<32x768xf32, #tpu.memory_space<vmem>>, vector<1x16xf32>,
        %get3A_122 = vector.shape_cast %get3A_121 : vector<1x16xf32> to vector<16xf32>
        %add3A_123 = arith.addf %add3A_118, %get3A_122 : vector<16xf32>
        %swap3A_124 = arith.index_cast %scan3A_56 : i32 to index
        %swap3A_125 = arith.index_cast %mul3A_109 : i32 to index
        %swap3A_126 = tpu.vector_load %arg9[%swap3A_124, %swap3A_125] {strides = array<i32>} : memref<32x768xf32, #tpu.memory_space<vmem>>, vector<1x16xf32>,
        %swap3A_127 = vector.shape_cast %swap3A_126 : vector<1x16xf32> to vector<16xf32>
        %swap3A_128 = vector.shape_cast %add3A_123 : vector<16xf32> to vector<1x16xf32>
        tpu.vector_store %arg9[%swap3A_124, %swap3A_125], %swap3A_128 {strides = array<i32>} : memref<32x768xf32, #tpu.memory_space<vmem>>, vector<1x16xf32>,
        %scan3A_129 = arith.constant 3 : i32
        %scan3A_130 = arith.addi %scan3A_63, %scan3A_129 : i32
        %mul3A_131 = arith.constant 16 : i32
        %mul3A_132 = arith.muli %scan3A_130, %mul3A_131 : i32
        %get3A_133 = arith.index_cast %scan3A_56 : i32 to index
        %get3A_134 = arith.index_cast %mul3A_132 : i32 to index
        %get3A_135 = tpu.vector_load %arg9[%get3A_133, %get3A_134] {strides = array<i32>} : memref<32x768xf32, #tpu.memory_space<vmem>>, vector<1x16xf32>,
        %get3A_136 = vector.shape_cast %get3A_135 : vector<1x16xf32> to vector<16xf32>
        %get3A_137 = arith.index_cast %scan3A_56 : i32 to index
        %get3A_138 = arith.index_cast %mul3A_132 : i32 to index
        %get3A_139 = tpu.vector_load %arg10[%get3A_137, %get3A_138] {strides = array<i32>} : memref<32x768xf32, #tpu.memory_space<vmem>>, vector<1x16xf32>,
        %get3A_140 = vector.shape_cast %get3A_139 : vector<1x16xf32> to vector<16xf32>
        %add3A_141 = arith.addf %get3A_136, %get3A_140 : vector<16xf32>
        %get3A_142 = arith.index_cast %scan3A_56 : i32 to index
        %get3A_143 = arith.index_cast %mul3A_132 : i32 to index
        %get3A_144 = tpu.vector_load %arg11[%get3A_142, %get3A_143] {strides = array<i32>} : memref<32x768xf32, #tpu.memory_space<vmem>>, vector<1x16xf32>,
        %get3A_145 = vector.shape_cast %get3A_144 : vector<1x16xf32> to vector<16xf32>
        %add3A_146 = arith.addf %add3A_141, %get3A_145 : vector<16xf32>
        %swap3A_147 = arith.index_cast %scan3A_56 : i32 to index
        %swap3A_148 = arith.index_cast %mul3A_132 : i32 to index
        %swap3A_149 = tpu.vector_load %arg9[%swap3A_147, %swap3A_148] {strides = array<i32>} : memref<32x768xf32, #tpu.memory_space<vmem>>, vector<1x16xf32>,
        %swap3A_150 = vector.shape_cast %swap3A_149 : vector<1x16xf32> to vector<16xf32>
        %swap3A_151 = vector.shape_cast %add3A_146 : vector<16xf32> to vector<1x16xf32>
        tpu.vector_store %arg9[%swap3A_147, %swap3A_148], %swap3A_151 {strides = array<i32>} : memref<32x768xf32, #tpu.memory_space<vmem>>, vector<1x16xf32>,
      }
      %scan3A_62 = arith.constant 48 : i32
    }
    %scan3A_27 = arith.constant 32 : i32
    "tpu.region"() ({
      %run_scoped3A = tpu.sem_alloc : memref<!tpu.dma_semaphore, #tpu.memory_space<semaphore_mem>>
      %dma_start3A_56 = arith.constant 0 : i32
      %dma_start3A_57 = tpu.memref_slice %arg6[%add3A_4, %dma_start3A_56] : memref<2048x768xf32, #tpu.memory_space<hbm>> -> memref<32x768xf32, #tpu.memory_space<hbm>>
      %dma_start3A_58 = arith.constant 0 : i32
      %dma_start3A_59 = tpu.memref_slice %arg6[%add3A_4, %dma_start3A_58] : memref<2048x768xf32, #tpu.memory_space<hbm>> -> memref<32x768xf32, #tpu.memory_space<hbm>>
      tpu.enqueue_dma source(%arg9 : memref<32x768xf32, #tpu.memory_space<vmem>>) target(%dma_start3A_59 : memref<32x768xf32, #tpu.memory_space<hbm>>) target_semaphore(%run_scoped3A : memref<!tpu.dma_semaphore, #tpu.memory_space<semaphore_mem>>)
      %dma_wait3A_60 = arith.constant 0 : i32
      %dma_wait3A_61 = tpu.memref_slice %arg6[%add3A_4, %dma_wait3A_60] : memref<2048x768xf32, #tpu.memory_space<hbm>> -> memref<32x768xf32, #tpu.memory_space<hbm>>
      %dma_wait3A_62 = arith.constant 0 : i32
      %dma_wait3A_63 = tpu.memref_slice %arg6[%add3A_4, %dma_wait3A_62] : memref<2048x768xf32, #tpu.memory_space<hbm>> -> memref<32x768xf32, #tpu.memory_space<hbm>>
      tpu.wait_dma2 semaphore(%run_scoped3A : memref<!tpu.dma_semaphore, #tpu.memory_space<semaphore_mem>>) src(%arg9 : memref<32x768xf32, #tpu.memory_space<vmem>>) dst(%dma_wait3A_63 : memref<32x768xf32, #tpu.memory_space<hbm>>)
      tpu.yield
    }) : () -> ()
    %add3A_28 = arith.constant 32 : i32
    %add3A_29 = arith.addi %mul3A_2, %add3A_28 : i32
    "tpu.region"() ({
      %run_scoped3A = tpu.sem_alloc : memref<!tpu.dma_semaphore, #tpu.memory_space<semaphore_mem>>
      %dma_start3A_56 = tpu.memref_slice %arg4[%add3A_29] : memref<2048xi32, #tpu.memory_space<hbm>> -> memref<32xi32, #tpu.memory_space<hbm>>
      %dma_start3A_57 = tpu.memref_slice %arg4[%add3A_29] : memref<2048xi32, #tpu.memory_space<hbm>> -> memref<32xi32, #tpu.memory_space<hbm>>
      tpu.enqueue_dma source(%dma_start3A_57 : memref<32xi32, #tpu.memory_space<hbm>>) target(%arg7 : memref<32xi32, #tpu.memory_space<vmem>>) target_semaphore(%run_scoped3A : memref<!tpu.dma_semaphore, #tpu.memory_space<semaphore_mem>>)
      %dma_wait3A_58 = tpu.memref_slice %arg4[%add3A_29] : memref<2048xi32, #tpu.memory_space<hbm>> -> memref<32xi32, #tpu.memory_space<hbm>>
      %dma_wait3A_59 = tpu.memref_slice %arg4[%add3A_29] : memref<2048xi32, #tpu.memory_space<hbm>> -> memref<32xi32, #tpu.memory_space<hbm>>
      tpu.wait_dma2 semaphore(%run_scoped3A : memref<!tpu.dma_semaphore, #tpu.memory_space<semaphore_mem>>) src(%dma_wait3A_59 : memref<32xi32, #tpu.memory_space<hbm>>) dst(%arg7 : memref<32xi32, #tpu.memory_space<vmem>>)
      tpu.yield
    }) : () -> ()
    "tpu.region"() ({
      %run_scoped3A = tpu.sem_alloc : memref<!tpu.dma_semaphore, #tpu.memory_space<semaphore_mem>>
      %dma_start3A_56 = tpu.memref_slice %arg5[%add3A_29] : memref<2048xi32, #tpu.memory_space<hbm>> -> memref<32xi32, #tpu.memory_space<hbm>>
      %dma_start3A_57 = tpu.memref_slice %arg5[%add3A_29] : memref<2048xi32, #tpu.memory_space<hbm>> -> memref<32xi32, #tpu.memory_space<hbm>>
      tpu.enqueue_dma source(%dma_start3A_57 : memref<32xi32, #tpu.memory_space<hbm>>) target(%arg8 : memref<32xi32, #tpu.memory_space<vmem>>) target_semaphore(%run_scoped3A : memref<!tpu.dma_semaphore, #tpu.memory_space<semaphore_mem>>)
      %dma_wait3A_58 = tpu.memref_slice %arg5[%add3A_29] : memref<2048xi32, #tpu.memory_space<hbm>> -> memref<32xi32, #tpu.memory_space<hbm>>
      %dma_wait3A_59 = tpu.memref_slice %arg5[%add3A_29] : memref<2048xi32, #tpu.memory_space<hbm>> -> memref<32xi32, #tpu.memory_space<hbm>>
      tpu.wait_dma2 semaphore(%run_scoped3A : memref<!tpu.dma_semaphore, #tpu.memory_space<semaphore_mem>>) src(%dma_wait3A_59 : memref<32xi32, #tpu.memory_space<hbm>>) dst(%arg8 : memref<32xi32, #tpu.memory_space<vmem>>)
      tpu.yield
    }) : () -> ()
    %dma_start3A_30 = arith.constant 0 : i32
    %dma_start3A_31 = arith.constant 0 : i32
    %dma_start3A_32 = tpu.memref_slice %arg3[%dma_start3A_30, %dma_start3A_31] : memref<4096x768xf32, #tpu.memory_space<hbm>> -> memref<4096x768xf32, #tpu.memory_space<hbm>>
    tpu.enqueue_indirect_dma source(%dma_start3A_32 : memref<4096x768xf32, #tpu.memory_space<hbm>>) target(%arg9 : memref<32x768xf32, #tpu.memory_space<vmem>>) offsets(%arg7 : memref<32xi32, #tpu.memory_space<vmem>>) semaphore(%arg12 : memref<!tpu.dma_semaphore, #tpu.memory_space<semaphore_mem>>)
    %dma_start3A_33 = arith.constant 0 : i32
    %dma_start3A_34 = arith.constant 0 : i32
    %dma_start3A_35 = tpu.memref_slice %arg3[%dma_start3A_33, %dma_start3A_34] : memref<4096x768xf32, #tpu.memory_space<hbm>> -> memref<4096x768xf32, #tpu.memory_space<hbm>>
    tpu.enqueue_indirect_dma source(%dma_start3A_35 : memref<4096x768xf32, #tpu.memory_space<hbm>>) target(%arg10 : memref<32x768xf32, #tpu.memory_space<vmem>>) offsets(%arg8 : memref<32xi32, #tpu.memory_space<vmem>>) semaphore(%arg13 : memref<!tpu.dma_semaphore, #tpu.memory_space<semaphore_mem>>)
    %dma_start3A_36 = arith.constant 0 : i32
    %dma_start3A_37 = tpu.memref_slice %arg2[%add3A_29, %dma_start3A_36] : memref<2048x768xf32, #tpu.memory_space<hbm>> -> memref<32x768xf32, #tpu.memory_space<hbm>>
    %dma_start3A_38 = arith.constant 0 : i32
    %dma_start3A_39 = tpu.memref_slice %arg2[%add3A_29, %dma_start3A_38] : memref<2048x768xf32, #tpu.memory_space<hbm>> -> memref<32x768xf32, #tpu.memory_space<hbm>>
    tpu.enqueue_dma source(%dma_start3A_39 : memref<32x768xf32, #tpu.memory_space<hbm>>) target(%arg11 : memref<32x768xf32, #tpu.memory_space<vmem>>) target_semaphore(%arg14 : memref<!tpu.dma_semaphore, #tpu.memory_space<semaphore_mem>>)
    %dma_wait3A_40 = arith.constant 0 : i32
    %dma_wait3A_41 = arith.constant 0 : i32
    %dma_wait3A_42 = tpu.memref_slice %arg3[%dma_wait3A_40, %dma_wait3A_41] : memref<4096x768xf32, #tpu.memory_space<hbm>> -> memref<4096x768xf32, #tpu.memory_space<hbm>>
    tpu.wait_indirect_dma semaphore(%arg12 : memref<!tpu.dma_semaphore, #tpu.memory_space<semaphore_mem>>) src(%dma_wait3A_42 : memref<4096x768xf32, #tpu.memory_space<hbm>>) dst(%arg9 : memref<32x768xf32, #tpu.memory_space<vmem>>)
    %dma_wait3A_43 = arith.constant 0 : i32
    %dma_wait3A_44 = arith.constant 0 : i32
    %dma_wait3A_45 = tpu.memref_slice %arg3[%dma_wait3A_43, %dma_wait3A_44] : memref<4096x768xf32, #tpu.memory_space<hbm>> -> memref<4096x768xf32, #tpu.memory_space<hbm>>
    tpu.wait_indirect_dma semaphore(%arg13 : memref<!tpu.dma_semaphore, #tpu.memory_space<semaphore_mem>>) src(%dma_wait3A_45 : memref<4096x768xf32, #tpu.memory_space<hbm>>) dst(%arg10 : memref<32x768xf32, #tpu.memory_space<vmem>>)
    %dma_wait3A_46 = arith.constant 0 : i32
    %dma_wait3A_47 = tpu.memref_slice %arg2[%add3A_29, %dma_wait3A_46] : memref<2048x768xf32, #tpu.memory_space<hbm>> -> memref<32x768xf32, #tpu.memory_space<hbm>>
    %dma_wait3A_48 = arith.constant 0 : i32
    %dma_wait3A_49 = tpu.memref_slice %arg2[%add3A_29, %dma_wait3A_48] : memref<2048x768xf32, #tpu.memory_space<hbm>> -> memref<32x768xf32, #tpu.memory_space<hbm>>
    tpu.wait_dma2 semaphore(%arg14 : memref<!tpu.dma_semaphore, #tpu.memory_space<semaphore_mem>>) src(%dma_wait3A_49 : memref<32x768xf32, #tpu.memory_space<hbm>>) dst(%arg11 : memref<32x768xf32, #tpu.memory_space<vmem>>)
    %scan3A_50 = arith.constant 0 : i32
    %scan3A_51 = arith.constant 0 : i32
    %scan3A_52 = arith.constant 32 : i32
    %scan3A_53 = arith.addi %scan3A_51, %scan3A_52 : i32
    %scan3A_54 = arith.constant 1 : i32
    scf.for %scan3A_56 = %scan3A_51 to %scan3A_53 step %scan3A_54  : i32 {
      %scan3A_57 = arith.constant 0 : i32
      %scan3A_58 = arith.constant 0 : i32
      %scan3A_59 = arith.constant 48 : i32
      %scan3A_60 = arith.addi %scan3A_58, %scan3A_59 : i32
      %scan3A_61 = arith.constant 4 : i32
      scf.for %scan3A_63 = %scan3A_58 to %scan3A_60 step %scan3A_61  : i32 {
        %mul3A_64 = arith.constant 16 : i32
        %mul3A_65 = arith.muli %scan3A_63, %mul3A_64 : i32
        %get3A = arith.index_cast %scan3A_56 : i32 to index
        %get3A_66 = arith.index_cast %mul3A_65 : i32 to index
        %get3A_67 = tpu.vector_load %arg9[%get3A, %get3A_66] {strides = array<i32>} : memref<32x768xf32, #tpu.memory_space<vmem>>, vector<1x16xf32>,
        %get3A_68 = vector.shape_cast %get3A_67 : vector<1x16xf32> to vector<16xf32>
        %get3A_69 = arith.index_cast %scan3A_56 : i32 to index
        %get3A_70 = arith.index_cast %mul3A_65 : i32 to index
        %get3A_71 = tpu.vector_load %arg10[%get3A_69, %get3A_70] {strides = array<i32>} : memref<32x768xf32, #tpu.memory_space<vmem>>, vector<1x16xf32>,
        %get3A_72 = vector.shape_cast %get3A_71 : vector<1x16xf32> to vector<16xf32>
        %add3A_73 = arith.addf %get3A_68, %get3A_72 : vector<16xf32>
        %get3A_74 = arith.index_cast %scan3A_56 : i32 to index
        %get3A_75 = arith.index_cast %mul3A_65 : i32 to index
        %get3A_76 = tpu.vector_load %arg11[%get3A_74, %get3A_75] {strides = array<i32>} : memref<32x768xf32, #tpu.memory_space<vmem>>, vector<1x16xf32>,
        %get3A_77 = vector.shape_cast %get3A_76 : vector<1x16xf32> to vector<16xf32>
        %add3A_78 = arith.addf %add3A_73, %get3A_77 : vector<16xf32>
        %swap3A = arith.index_cast %scan3A_56 : i32 to index
        %swap3A_79 = arith.index_cast %mul3A_65 : i32 to index
        %swap3A_80 = tpu.vector_load %arg9[%swap3A, %swap3A_79] {strides = array<i32>} : memref<32x768xf32, #tpu.memory_space<vmem>>, vector<1x16xf32>,
        %swap3A_81 = vector.shape_cast %swap3A_80 : vector<1x16xf32> to vector<16xf32>
        %swap3A_82 = vector.shape_cast %add3A_78 : vector<16xf32> to vector<1x16xf32>
        tpu.vector_store %arg9[%swap3A, %swap3A_79], %swap3A_82 {strides = array<i32>} : memref<32x768xf32, #tpu.memory_space<vmem>>, vector<1x16xf32>,
        %scan3A_83 = arith.constant 1 : i32
        %scan3A_84 = arith.addi %scan3A_63, %scan3A_83 : i32
        %mul3A_85 = arith.constant 16 : i32
        %mul3A_86 = arith.muli %scan3A_84, %mul3A_85 : i32
        %get3A_87 = arith.index_cast %scan3A_56 : i32 to index
        %get3A_88 = arith.index_cast %mul3A_86 : i32 to index
        %get3A_89 = tpu.vector_load %arg9[%get3A_87, %get3A_88] {strides = array<i32>} : memref<32x768xf32, #tpu.memory_space<vmem>>, vector<1x16xf32>,
        %get3A_90 = vector.shape_cast %get3A_89 : vector<1x16xf32> to vector<16xf32>
        %get3A_91 = arith.index_cast %scan3A_56 : i32 to index
        %get3A_92 = arith.index_cast %mul3A_86 : i32 to index
        %get3A_93 = tpu.vector_load %arg10[%get3A_91, %get3A_92] {strides = array<i32>} : memref<32x768xf32, #tpu.memory_space<vmem>>, vector<1x16xf32>,
        %get3A_94 = vector.shape_cast %get3A_93 : vector<1x16xf32> to vector<16xf32>
        %add3A_95 = arith.addf %get3A_90, %get3A_94 : vector<16xf32>
        %get3A_96 = arith.index_cast %scan3A_56 : i32 to index
        %get3A_97 = arith.index_cast %mul3A_86 : i32 to index
        %get3A_98 = tpu.vector_load %arg11[%get3A_96, %get3A_97] {strides = array<i32>} : memref<32x768xf32, #tpu.memory_space<vmem>>, vector<1x16xf32>,
        %get3A_99 = vector.shape_cast %get3A_98 : vector<1x16xf32> to vector<16xf32>
        %add3A_100 = arith.addf %add3A_95, %get3A_99 : vector<16xf32>
        %swap3A_101 = arith.index_cast %scan3A_56 : i32 to index
        %swap3A_102 = arith.index_cast %mul3A_86 : i32 to index
        %swap3A_103 = tpu.vector_load %arg9[%swap3A_101, %swap3A_102] {strides = array<i32>} : memref<32x768xf32, #tpu.memory_space<vmem>>, vector<1x16xf32>,
        %swap3A_104 = vector.shape_cast %swap3A_103 : vector<1x16xf32> to vector<16xf32>
        %swap3A_105 = vector.shape_cast %add3A_100 : vector<16xf32> to vector<1x16xf32>
        tpu.vector_store %arg9[%swap3A_101, %swap3A_102], %swap3A_105 {strides = array<i32>} : memref<32x768xf32, #tpu.memory_space<vmem>>, vector<1x16xf32>,
        %scan3A_106 = arith.constant 2 : i32
        %scan3A_107 = arith.addi %scan3A_63, %scan3A_106 : i32
        %mul3A_108 = arith.constant 16 : i32
        %mul3A_109 = arith.muli %scan3A_107, %mul3A_108 : i32
        %get3A_110 = arith.index_cast %scan3A_56 : i32 to index
        %get3A_111 = arith.index_cast %mul3A_109 : i32 to index
        %get3A_112 = tpu.vector_load %arg9[%get3A_110, %get3A_111] {strides = array<i32>} : memref<32x768xf32, #tpu.memory_space<vmem>>, vector<1x16xf32>,
        %get3A_113 = vector.shape_cast %get3A_112 : vector<1x16xf32> to vector<16xf32>
        %get3A_114 = arith.index_cast %scan3A_56 : i32 to index
        %get3A_115 = arith.index_cast %mul3A_109 : i32 to index
        %get3A_116 = tpu.vector_load %arg10[%get3A_114, %get3A_115] {strides = array<i32>} : memref<32x768xf32, #tpu.memory_space<vmem>>, vector<1x16xf32>,
        %get3A_117 = vector.shape_cast %get3A_116 : vector<1x16xf32> to vector<16xf32>
        %add3A_118 = arith.addf %get3A_113, %get3A_117 : vector<16xf32>
        %get3A_119 = arith.index_cast %scan3A_56 : i32 to index
        %get3A_120 = arith.index_cast %mul3A_109 : i32 to index
        %get3A_121 = tpu.vector_load %arg11[%get3A_119, %get3A_120] {strides = array<i32>} : memref<32x768xf32, #tpu.memory_space<vmem>>, vector<1x16xf32>,
        %get3A_122 = vector.shape_cast %get3A_121 : vector<1x16xf32> to vector<16xf32>
        %add3A_123 = arith.addf %add3A_118, %get3A_122 : vector<16xf32>
        %swap3A_124 = arith.index_cast %scan3A_56 : i32 to index
        %swap3A_125 = arith.index_cast %mul3A_109 : i32 to index
        %swap3A_126 = tpu.vector_load %arg9[%swap3A_124, %swap3A_125] {strides = array<i32>} : memref<32x768xf32, #tpu.memory_space<vmem>>, vector<1x16xf32>,
        %swap3A_127 = vector.shape_cast %swap3A_126 : vector<1x16xf32> to vector<16xf32>
        %swap3A_128 = vector.shape_cast %add3A_123 : vector<16xf32> to vector<1x16xf32>
        tpu.vector_store %arg9[%swap3A_124, %swap3A_125], %swap3A_128 {strides = array<i32>} : memref<32x768xf32, #tpu.memory_space<vmem>>, vector<1x16xf32>,
        %scan3A_129 = arith.constant 3 : i32
        %scan3A_130 = arith.addi %scan3A_63, %scan3A_129 : i32
        %mul3A_131 = arith.constant 16 : i32
        %mul3A_132 = arith.muli %scan3A_130, %mul3A_131 : i32
        %get3A_133 = arith.index_cast %scan3A_56 : i32 to index
        %get3A_134 = arith.index_cast %mul3A_132 : i32 to index
        %get3A_135 = tpu.vector_load %arg9[%get3A_133, %get3A_134] {strides = array<i32>} : memref<32x768xf32, #tpu.memory_space<vmem>>, vector<1x16xf32>,
        %get3A_136 = vector.shape_cast %get3A_135 : vector<1x16xf32> to vector<16xf32>
        %get3A_137 = arith.index_cast %scan3A_56 : i32 to index
        %get3A_138 = arith.index_cast %mul3A_132 : i32 to index
        %get3A_139 = tpu.vector_load %arg10[%get3A_137, %get3A_138] {strides = array<i32>} : memref<32x768xf32, #tpu.memory_space<vmem>>, vector<1x16xf32>,
        %get3A_140 = vector.shape_cast %get3A_139 : vector<1x16xf32> to vector<16xf32>
        %add3A_141 = arith.addf %get3A_136, %get3A_140 : vector<16xf32>
        %get3A_142 = arith.index_cast %scan3A_56 : i32 to index
        %get3A_143 = arith.index_cast %mul3A_132 : i32 to index
        %get3A_144 = tpu.vector_load %arg11[%get3A_142, %get3A_143] {strides = array<i32>} : memref<32x768xf32, #tpu.memory_space<vmem>>, vector<1x16xf32>,
        %get3A_145 = vector.shape_cast %get3A_144 : vector<1x16xf32> to vector<16xf32>
        %add3A_146 = arith.addf %add3A_141, %get3A_145 : vector<16xf32>
        %swap3A_147 = arith.index_cast %scan3A_56 : i32 to index
        %swap3A_148 = arith.index_cast %mul3A_132 : i32 to index
        %swap3A_149 = tpu.vector_load %arg9[%swap3A_147, %swap3A_148] {strides = array<i32>} : memref<32x768xf32, #tpu.memory_space<vmem>>, vector<1x16xf32>,
        %swap3A_150 = vector.shape_cast %swap3A_149 : vector<1x16xf32> to vector<16xf32>
        %swap3A_151 = vector.shape_cast %add3A_146 : vector<16xf32> to vector<1x16xf32>
        tpu.vector_store %arg9[%swap3A_147, %swap3A_148], %swap3A_151 {strides = array<i32>} : memref<32x768xf32, #tpu.memory_space<vmem>>, vector<1x16xf32>,
      }
      %scan3A_62 = arith.constant 48 : i32
    }
    %scan3A_55 = arith.constant 32 : i32
    "tpu.region"() ({
      %run_scoped3A = tpu.sem_alloc : memref<!tpu.dma_semaphore, #tpu.memory_space<semaphore_mem>>
      %dma_start3A_56 = arith.constant 0 : i32
      %dma_start3A_57 = tpu.memref_slice %arg6[%add3A_29, %dma_start3A_56] : memref<2048x768xf32, #tpu.memory_space<hbm>> -> memref<32x768xf32, #tpu.memory_space<hbm>>
      %dma_start3A_58 = arith.constant 0 : i32
      %dma_start3A_59 = tpu.memref_slice %arg6[%add3A_29, %dma_start3A_58] : memref<2048x768xf32, #tpu.memory_space<hbm>> -> memref<32x768xf32, #tpu.memory_space<hbm>>
      tpu.enqueue_dma source(%arg9 : memref<32x768xf32, #tpu.memory_space<vmem>>) target(%dma_start3A_59 : memref<32x768xf32, #tpu.memory_space<hbm>>) target_semaphore(%run_scoped3A : memref<!tpu.dma_semaphore, #tpu.memory_space<semaphore_mem>>)
      %dma_wait3A_60 = arith.constant 0 : i32
      %dma_wait3A_61 = tpu.memref_slice %arg6[%add3A_29, %dma_wait3A_60] : memref<2048x768xf32, #tpu.memory_space<hbm>> -> memref<32x768xf32, #tpu.memory_space<hbm>>
      %dma_wait3A_62 = arith.constant 0 : i32
      %dma_wait3A_63 = tpu.memref_slice %arg6[%add3A_29, %dma_wait3A_62] : memref<2048x768xf32, #tpu.memory_space<hbm>> -> memref<32x768xf32, #tpu.memory_space<hbm>>
      tpu.wait_dma2 semaphore(%run_scoped3A : memref<!tpu.dma_semaphore, #tpu.memory_space<semaphore_mem>>) src(%arg9 : memref<32x768xf32, #tpu.memory_space<vmem>>) dst(%dma_wait3A_63 : memref<32x768xf32, #tpu.memory_space<hbm>>)
      tpu.yield
    }) : () -> ()
    return
  }
}

module attributes {stable_mosaic.version = 14 : i64} {
  func.func @_routing_body(%arg0: memref<2048x768xf32, #tpu.memory_space<vmem>>, %arg1: memref<768x8xf32, #tpu.memory_space<vmem>>, %arg2: memref<2048x768xf32, #tpu.memory_space<vmem>>, %arg3: memref<2048x768xf32, #tpu.memory_space<vmem>>, %arg4: memref<2048x1xi32, #tpu.memory_space<vmem>>, %arg5: memref<2048x1xi32, #tpu.memory_space<vmem>>, %arg6: memref<1x16xi32, #tpu.memory_space<vmem>>) attributes {dimension_semantics = [], scalar_prefetch = 0 : i64, scratch_operands = 0 : i64, tpu.core_type = #tpu.core_type<tc>} {
    %get3A = arith.constant 0 : index
    %get3A_0 = arith.constant 0 : index
    %get3A_1 = vector.load %arg0[%get3A, %get3A_0] : memref<2048x768xf32, #tpu.memory_space<vmem>>, vector<2048x768xf32>
    %get3A_2 = arith.constant 0 : index
    %get3A_3 = arith.constant 0 : index
    %get3A_4 = vector.load %arg1[%get3A_2, %get3A_3] : memref<768x8xf32, #tpu.memory_space<vmem>>, vector<768x8xf32>
    %dot_general3A = arith.constant dense<0.000000e+00> : vector<2048x8xf32>
    %dot_general3A_5 = tpu.matmul %get3A_1, %get3A_4, %dot_general3A {dimension_numbers = #tpu.dot_dimension_numbers<[1], [0], [0], [1], [0, 0, 1, 1], [], []>, transpose_lhs_hint = false} : vector<2048x768xf32>, vector<768x8xf32>, vector<2048x8xf32> -> vector<2048x8xf32>
    %iota3A = tpu.iota {dimensions = array<i32: 1>} : vector<2048x8xi32>
    %reduce_max3A = arith.constant dense<0xFF800000> : vector<2048xf32>
    %reduce_max3A_6 = vector.multi_reduction <maximumf>, %dot_general3A_5, %reduce_max3A [1] : vector<2048x8xf32> to vector<2048xf32>
    %broadcast_in_dim3A = vector.shape_cast %reduce_max3A_6 : vector<2048xf32> to vector<2048x1xf32>
    %eq3A = vector.broadcast %broadcast_in_dim3A : vector<2048x1xf32> to vector<2048x8xf32>
    %eq3A_7 = arith.cmpf oeq, %dot_general3A_5, %eq3A : vector<2048x8xf32>
    %jit3A = arith.constant 8 : i32
    %broadcast_in_dim3A_8 = vector.broadcast %jit3A : i32 to vector<2048x8xi32>
    %select_n3A = arith.select %eq3A_7, %iota3A, %broadcast_in_dim3A_8 : vector<2048x8xi1>, vector<2048x8xi32>
    %reduce_min3A = arith.constant dense<2147483647> : vector<2048xi32>
    %reduce_min3A_9 = vector.multi_reduction <minsi>, %select_n3A, %reduce_min3A [1] : vector<2048x8xi32> to vector<2048xi32>
    %broadcast_in_dim3A_10 = vector.shape_cast %reduce_min3A_9 : vector<2048xi32> to vector<2048x1xi32>
    %eq3A_11 = vector.broadcast %broadcast_in_dim3A_10 : vector<2048x1xi32> to vector<2048x8xi32>
    %eq3A_12 = arith.cmpi eq, %iota3A, %eq3A_11 : vector<2048x8xi32>
    %jit3A_13 = arith.constant -3.000000e+38 : f32
    %broadcast_in_dim3A_14 = vector.broadcast %jit3A_13 : f32 to vector<2048x8xf32>
    %select_n3A_15 = arith.select %eq3A_12, %broadcast_in_dim3A_14, %dot_general3A_5 : vector<2048x8xi1>, vector<2048x8xf32>
    %reduce_max3A_16 = arith.constant dense<0xFF800000> : vector<2048xf32>
    %reduce_max3A_17 = vector.multi_reduction <maximumf>, %select_n3A_15, %reduce_max3A_16 [1] : vector<2048x8xf32> to vector<2048xf32>
    %broadcast_in_dim3A_18 = vector.shape_cast %reduce_max3A_17 : vector<2048xf32> to vector<2048x1xf32>
    %eq3A_19 = vector.broadcast %broadcast_in_dim3A_18 : vector<2048x1xf32> to vector<2048x8xf32>
    %eq3A_20 = arith.cmpf oeq, %select_n3A_15, %eq3A_19 : vector<2048x8xf32>
    %jit3A_21 = arith.constant 8 : i32
    %broadcast_in_dim3A_22 = vector.broadcast %jit3A_21 : i32 to vector<2048x8xi32>
    %select_n3A_23 = arith.select %eq3A_20, %iota3A, %broadcast_in_dim3A_22 : vector<2048x8xi1>, vector<2048x8xi32>
    %reduce_min3A_24 = arith.constant dense<2147483647> : vector<2048xi32>
    %reduce_min3A_25 = vector.multi_reduction <minsi>, %select_n3A_23, %reduce_min3A_24 [1] : vector<2048x8xi32> to vector<2048xi32>
    %broadcast_in_dim3A_26 = vector.shape_cast %reduce_min3A_25 : vector<2048xi32> to vector<2048x1xi32>
    %eq3A_27 = vector.broadcast %broadcast_in_dim3A_26 : vector<2048x1xi32> to vector<2048x8xi32>
    %eq3A_28 = arith.cmpi eq, %iota3A, %eq3A_27 : vector<2048x8xi32>
    %sub3A = arith.subf %broadcast_in_dim3A_18, %broadcast_in_dim3A : vector<2048x1xf32>
    %exp3A = math.exp %sub3A : vector<2048x1xf32>
    %add3A = arith.constant 1.000000e+00 : f32
    %add3A_29 = vector.broadcast %add3A : f32 to vector<2048x1xf32>
    %add3A_30 = arith.addf %add3A_29, %exp3A : vector<2048x1xf32>
    %div3A = arith.constant 1.000000e+00 : f32
    %div3A_31 = vector.broadcast %div3A : f32 to vector<2048x1xf32>
    %div3A_32 = arith.divf %div3A_31, %add3A_30 : vector<2048x1xf32>
    %add3A_33 = arith.constant 1.000000e+00 : f32
    %add3A_34 = vector.broadcast %add3A_33 : f32 to vector<2048x1xf32>
    %add3A_35 = arith.addf %add3A_34, %exp3A : vector<2048x1xf32>
    %div3A_36 = arith.divf %exp3A, %add3A_35 : vector<2048x1xf32>
    %convert_element_type3A = arith.extui %eq3A_12 : vector<2048x8xi1> to vector<2048x8xi32>
    %convert_element_type3A_37 = arith.sitofp %convert_element_type3A : vector<2048x8xi32> to vector<2048x8xf32>
    %convert_element_type3A_38 = arith.extui %eq3A_28 : vector<2048x8xi1> to vector<2048x8xi32>
    %convert_element_type3A_39 = arith.sitofp %convert_element_type3A_38 : vector<2048x8xi32> to vector<2048x8xf32>
    %add3A_40 = arith.addf %convert_element_type3A_37, %convert_element_type3A_39 : vector<2048x8xf32>
    %iota3A_41 = tpu.iota {dimensions = array<i32: 0>} : vector<2048x2048xi32>
    %iota3A_42 = tpu.iota {dimensions = array<i32: 1>} : vector<2048x2048xi32>
    %gt3A = arith.cmpi sgt, %iota3A_41, %iota3A_42 : vector<2048x2048xi32>
    %convert_element_type3A_43 = arith.extui %gt3A : vector<2048x2048xi1> to vector<2048x2048xi32>
    %convert_element_type3A_44 = arith.sitofp %convert_element_type3A_43 : vector<2048x2048xi32> to vector<2048x2048xf32>
    %dot_general3A_45 = arith.constant dense<0.000000e+00> : vector<2048x8xf32>
    %dot_general3A_46 = tpu.matmul %convert_element_type3A_44, %add3A_40, %dot_general3A_45 {dimension_numbers = #tpu.dot_dimension_numbers<[1], [0], [0], [1], [0, 0, 1, 1], [], []>, transpose_lhs_hint = false} : vector<2048x2048xf32>, vector<2048x8xf32>, vector<2048x8xf32> -> vector<2048x8xf32>
    %reduce_sum3A = arith.constant dense<0.000000e+00> : vector<8xf32>
    %reduce_sum3A_47 = vector.multi_reduction <add>, %add3A_40, %reduce_sum3A [0] : vector<2048x8xf32> to vector<8xf32>
    %broadcast_in_dim3A_48 = vector.shape_cast %reduce_sum3A_47 : vector<8xf32> to vector<1x8xf32>
    %broadcast_in_dim3A_49 = arith.constant 0.000000e+00 : f32
    %broadcast_in_dim3A_50 = vector.broadcast %broadcast_in_dim3A_49 : f32 to vector<1x8xf32>
    %concatenate3A = tpu.concatenate %broadcast_in_dim3A_48, %broadcast_in_dim3A_50 in 1 : vector<1x8xf32>, vector<1x8xf32> -> vector<1x16xf32>
    %broadcast_in_dim3A_51 = arith.constant 0.000000e+00 : f32
    %broadcast_in_dim3A_52 = vector.broadcast %broadcast_in_dim3A_51 : f32 to vector<1x1xf32>
    %slice3A = vector.extract_strided_slice %concatenate3A {offsets = [0, 0], sizes = [1, 15], strides = [1, 1]} : vector<1x16xf32> to vector<1x15xf32>
    %concatenate3A_53 = tpu.concatenate %broadcast_in_dim3A_52, %slice3A in 1 : vector<1x1xf32>, vector<1x15xf32> -> vector<1x16xf32>
    %broadcast_in_dim3A_54 = arith.constant 0.000000e+00 : f32
    %broadcast_in_dim3A_55 = vector.broadcast %broadcast_in_dim3A_54 : f32 to vector<1x1xf32>
    %slice3A_56 = vector.extract_strided_slice %concatenate3A_53 {offsets = [0, 0], sizes = [1, 15], strides = [1, 1]} : vector<1x16xf32> to vector<1x15xf32>
    %concatenate3A_57 = tpu.concatenate %broadcast_in_dim3A_55, %slice3A_56 in 1 : vector<1x1xf32>, vector<1x15xf32> -> vector<1x16xf32>
    %add3A_58 = arith.addf %concatenate3A_53, %concatenate3A_57 : vector<1x16xf32>
    %broadcast_in_dim3A_59 = arith.constant 0.000000e+00 : f32
    %broadcast_in_dim3A_60 = vector.broadcast %broadcast_in_dim3A_59 : f32 to vector<1x2xf32>
    %slice3A_61 = vector.extract_strided_slice %add3A_58 {offsets = [0, 0], sizes = [1, 14], strides = [1, 1]} : vector<1x16xf32> to vector<1x14xf32>
    %concatenate3A_62 = tpu.concatenate %broadcast_in_dim3A_60, %slice3A_61 in 1 : vector<1x2xf32>, vector<1x14xf32> -> vector<1x16xf32>
    %add3A_63 = arith.addf %add3A_58, %concatenate3A_62 : vector<1x16xf32>
    %broadcast_in_dim3A_64 = arith.constant 0.000000e+00 : f32
    %broadcast_in_dim3A_65 = vector.broadcast %broadcast_in_dim3A_64 : f32 to vector<1x4xf32>
    %slice3A_66 = vector.extract_strided_slice %add3A_63 {offsets = [0, 0], sizes = [1, 12], strides = [1, 1]} : vector<1x16xf32> to vector<1x12xf32>
    %concatenate3A_67 = tpu.concatenate %broadcast_in_dim3A_65, %slice3A_66 in 1 : vector<1x4xf32>, vector<1x12xf32> -> vector<1x16xf32>
    %add3A_68 = arith.addf %add3A_63, %concatenate3A_67 : vector<1x16xf32>
    %broadcast_in_dim3A_69 = arith.constant 0.000000e+00 : f32
    %broadcast_in_dim3A_70 = vector.broadcast %broadcast_in_dim3A_69 : f32 to vector<1x8xf32>
    %slice3A_71 = vector.extract_strided_slice %add3A_68 {offsets = [0, 0], sizes = [1, 8], strides = [1, 1]} : vector<1x16xf32> to vector<1x8xf32>
    %concatenate3A_72 = tpu.concatenate %broadcast_in_dim3A_70, %slice3A_71 in 1 : vector<1x8xf32>, vector<1x8xf32> -> vector<1x16xf32>
    %add3A_73 = arith.addf %add3A_68, %concatenate3A_72 : vector<1x16xf32>
    %slice3A_74 = vector.extract_strided_slice %add3A_73 {offsets = [0, 0], sizes = [1, 8], strides = [1, 1]} : vector<1x16xf32> to vector<1x8xf32>
    %jit3A_75 = arith.constant 0.000000e+00 : f32
    %broadcast_in_dim3A_76 = vector.shape_cast %slice3A_74 : vector<1x8xf32> to vector<1x8xf32>
    %broadcast_in_dim3A_77 = vector.broadcast %broadcast_in_dim3A_76 : vector<1x8xf32> to vector<2048x8xf32>
    %broadcast_in_dim3A_78 = vector.broadcast %jit3A_75 : f32 to vector<2048x8xf32>
    %select_n3A_79 = arith.select %eq3A_12, %broadcast_in_dim3A_77, %broadcast_in_dim3A_78 : vector<2048x8xi1>, vector<2048x8xf32>
    %reduce_sum3A_80 = arith.constant dense<0.000000e+00> : vector<2048xf32>
    %reduce_sum3A_81 = vector.multi_reduction <add>, %select_n3A_79, %reduce_sum3A_80 [1] : vector<2048x8xf32> to vector<2048xf32>
    %broadcast_in_dim3A_82 = vector.shape_cast %reduce_sum3A_81 : vector<2048xf32> to vector<2048x1xf32>
    %jit3A_83 = arith.constant 0.000000e+00 : f32
    %broadcast_in_dim3A_84 = vector.shape_cast %slice3A_74 : vector<1x8xf32> to vector<1x8xf32>
    %broadcast_in_dim3A_85 = vector.broadcast %broadcast_in_dim3A_84 : vector<1x8xf32> to vector<2048x8xf32>
    %broadcast_in_dim3A_86 = vector.broadcast %jit3A_83 : f32 to vector<2048x8xf32>
    %select_n3A_87 = arith.select %eq3A_28, %broadcast_in_dim3A_85, %broadcast_in_dim3A_86 : vector<2048x8xi1>, vector<2048x8xf32>
    %reduce_sum3A_88 = arith.constant dense<0.000000e+00> : vector<2048xf32>
    %reduce_sum3A_89 = vector.multi_reduction <add>, %select_n3A_87, %reduce_sum3A_88 [1] : vector<2048x8xf32> to vector<2048xf32>
    %broadcast_in_dim3A_90 = vector.shape_cast %reduce_sum3A_89 : vector<2048xf32> to vector<2048x1xf32>
    %jit3A_91 = arith.constant 0.000000e+00 : f32
    %broadcast_in_dim3A_92 = vector.broadcast %jit3A_91 : f32 to vector<2048x8xf32>
    %select_n3A_93 = arith.select %eq3A_12, %dot_general3A_46, %broadcast_in_dim3A_92 : vector<2048x8xi1>, vector<2048x8xf32>
    %reduce_sum3A_94 = arith.constant dense<0.000000e+00> : vector<2048xf32>
    %reduce_sum3A_95 = vector.multi_reduction <add>, %select_n3A_93, %reduce_sum3A_94 [1] : vector<2048x8xf32> to vector<2048xf32>
    %broadcast_in_dim3A_96 = vector.shape_cast %reduce_sum3A_95 : vector<2048xf32> to vector<2048x1xf32>
    %jit3A_97 = arith.constant 0.000000e+00 : f32
    %broadcast_in_dim3A_98 = vector.broadcast %jit3A_97 : f32 to vector<2048x8xf32>
    %select_n3A_99 = arith.select %eq3A_28, %dot_general3A_46, %broadcast_in_dim3A_98 : vector<2048x8xi1>, vector<2048x8xf32>
    %reduce_sum3A_100 = arith.constant dense<0.000000e+00> : vector<2048xf32>
    %reduce_sum3A_101 = vector.multi_reduction <add>, %select_n3A_99, %reduce_sum3A_100 [1] : vector<2048x8xf32> to vector<2048xf32>
    %broadcast_in_dim3A_102 = vector.shape_cast %reduce_sum3A_101 : vector<2048xf32> to vector<2048x1xf32>
    %add3A_103 = arith.addf %broadcast_in_dim3A_82, %broadcast_in_dim3A_96 : vector<2048x1xf32>
    %convert_element_type3A_104 = arith.fptosi %add3A_103 : vector<2048x1xf32> to vector<2048x1xi32>
    %swap3A = arith.constant 0 : index
    %swap3A_105 = arith.constant 0 : index
    %swap3A_106 = vector.load %arg4[%swap3A, %swap3A_105] : memref<2048x1xi32, #tpu.memory_space<vmem>>, vector<2048x1xi32>
    tpu.vector_store %arg4[%swap3A, %swap3A_105], %convert_element_type3A_104 {strides = array<i32>} : memref<2048x1xi32, #tpu.memory_space<vmem>>, vector<2048x1xi32>,
    %add3A_107 = arith.addf %broadcast_in_dim3A_90, %broadcast_in_dim3A_102 : vector<2048x1xf32>
    %convert_element_type3A_108 = arith.fptosi %add3A_107 : vector<2048x1xf32> to vector<2048x1xi32>
    %swap3A_109 = arith.constant 0 : index
    %swap3A_110 = arith.constant 0 : index
    %swap3A_111 = vector.load %arg5[%swap3A_109, %swap3A_110] : memref<2048x1xi32, #tpu.memory_space<vmem>>, vector<2048x1xi32>
    tpu.vector_store %arg5[%swap3A_109, %swap3A_110], %convert_element_type3A_108 {strides = array<i32>} : memref<2048x1xi32, #tpu.memory_space<vmem>>, vector<2048x1xi32>,
    %mul3A = vector.broadcast %div3A_32 : vector<2048x1xf32> to vector<2048x768xf32>
    %mul3A_112 = arith.mulf %get3A_1, %mul3A : vector<2048x768xf32>
    %swap3A_113 = arith.constant 0 : index
    %swap3A_114 = arith.constant 0 : index
    %swap3A_115 = vector.load %arg2[%swap3A_113, %swap3A_114] : memref<2048x768xf32, #tpu.memory_space<vmem>>, vector<2048x768xf32>
    tpu.vector_store %arg2[%swap3A_113, %swap3A_114], %mul3A_112 {strides = array<i32>} : memref<2048x768xf32, #tpu.memory_space<vmem>>, vector<2048x768xf32>,
    %mul3A_116 = vector.broadcast %div3A_36 : vector<2048x1xf32> to vector<2048x768xf32>
    %mul3A_117 = arith.mulf %get3A_1, %mul3A_116 : vector<2048x768xf32>
    %swap3A_118 = arith.constant 0 : index
    %swap3A_119 = arith.constant 0 : index
    %swap3A_120 = vector.load %arg3[%swap3A_118, %swap3A_119] : memref<2048x768xf32, #tpu.memory_space<vmem>>, vector<2048x768xf32>
    tpu.vector_store %arg3[%swap3A_118, %swap3A_119], %mul3A_117 {strides = array<i32>} : memref<2048x768xf32, #tpu.memory_space<vmem>>, vector<2048x768xf32>,
    %convert_element_type3A_121 = arith.fptosi %add3A_73 : vector<1x16xf32> to vector<1x16xi32>
    %swap3A_122 = arith.constant 0 : index
    %swap3A_123 = arith.constant 0 : index
    %swap3A_124 = vector.load %arg6[%swap3A_122, %swap3A_123] : memref<1x16xi32, #tpu.memory_space<vmem>>, vector<1x16xi32>
    tpu.vector_store %arg6[%swap3A_122, %swap3A_123], %convert_element_type3A_121 {strides = array<i32>} : memref<1x16xi32, #tpu.memory_space<vmem>>, vector<1x16xi32>,
    return
  }
}

module attributes {stable_mosaic.version = 14 : i64} {
  func.func @_ffn_body(%arg0: i32, %arg1: memref<1x16xi32, #tpu.memory_space<smem>>, %arg2: memref<4096x768xf32, #tpu.memory_space<vmem>>, %arg3: memref<8x768x3072xf32, #tpu.memory_space<any>>, %arg4: memref<8x768x3072xf32, #tpu.memory_space<any>>, %arg5: memref<8x3072x768xf32, #tpu.memory_space<any>>, %arg6: memref<4096x768xf32, #tpu.memory_space<vmem>>, %arg7: memref<2x768x512xf32, #tpu.memory_space<vmem>>, %arg8: memref<2x768x512xf32, #tpu.memory_space<vmem>>, %arg9: memref<2x512x768xf32, #tpu.memory_space<vmem>>, %arg10: memref<2x!tpu.dma_semaphore, #tpu.memory_space<semaphore_mem>>) attributes {dimension_semantics = [#tpu.dimension_semantics<arbitrary>], iteration_bounds = array<i64: 8>, scalar_prefetch = 1 : i64, scratch_operands = 4 : i64, tpu.core_type = #tpu.core_type<tc>, window_params = [{pipeline_mode = #tpu.pipeline_mode<synchronous>, transform_indices = @transform_0, window_bounds = array<i64: 4096, 768>}, {}, {}, {}, {pipeline_mode = #tpu.pipeline_mode<synchronous>, transform_indices = @transform_4, window_bounds = array<i64: 4096, 768>}]} {
    %eq3A = arith.constant 0 : i32
    %eq3A_0 = arith.cmpi eq, %arg0, %eq3A : i32
    %convert_element_type3A = arith.extui %eq3A_0 : i1 to i32
    %cond3A = arith.constant 0 : i32
    %cond3A_1 = arith.cmpi ne, %convert_element_type3A, %cond3A : i32
    scf.if %cond3A_1 {
      %broadcast_in_dim3A = arith.constant 0.000000e+00 : f32
      %broadcast_in_dim3A_476 = vector.broadcast %broadcast_in_dim3A : f32 to vector<4096x768xf32>
      %swap3A = arith.constant 0 : index
      %swap3A_477 = arith.constant 0 : index
      %swap3A_478 = vector.load %arg6[%swap3A, %swap3A_477] : memref<4096x768xf32, #tpu.memory_space<vmem>>, vector<4096x768xf32>
      tpu.vector_store %arg6[%swap3A, %swap3A_477], %broadcast_in_dim3A_476 {strides = array<i32>} : memref<4096x768xf32, #tpu.memory_space<vmem>>, vector<4096x768xf32>,
      %dma_start3A_479 = arith.constant 0 : i32
      %dma_start3A_480 = arith.constant 0 : i32
      %dma_start3A_481 = arith.constant 0 : i32
      %dma_start3A_482 = tpu.memref_slice %arg10[%dma_start3A_481] : memref<2x!tpu.dma_semaphore, #tpu.memory_space<semaphore_mem>> -> memref<1x!tpu.dma_semaphore, #tpu.memory_space<semaphore_mem>>
      %dma_start3A_483 = tpu.memref_squeeze %dma_start3A_482 : memref<1x!tpu.dma_semaphore, #tpu.memory_space<semaphore_mem>> -> memref<!tpu.dma_semaphore, #tpu.memory_space<semaphore_mem>>
      %dma_start3A_484 = arith.constant 0 : i32
      %dma_start3A_485 = arith.constant 0 : i32
      %dma_start3A_486 = tpu.memref_slice %arg7[%dma_start3A_480, %dma_start3A_484, %dma_start3A_485] : memref<2x768x512xf32, #tpu.memory_space<vmem>> -> memref<1x768x512xf32, #tpu.memory_space<vmem>>
      %dma_start3A_487 = tpu.memref_squeeze %dma_start3A_486 : memref<1x768x512xf32, #tpu.memory_space<vmem>> -> memref<768x512xf32, #tpu.memory_space<vmem>>
      %dma_start3A_488 = arith.constant 0 : i32
      %dma_start3A_489 = arith.constant 0 : i32
      %dma_start3A_490 = tpu.memref_slice %arg3[%dma_start3A_479, %dma_start3A_488, %dma_start3A_489] : memref<8x768x3072xf32, #tpu.memory_space<any>> -> memref<1x768x512xf32, #tpu.memory_space<any>>
      %dma_start3A_491 = tpu.memref_squeeze %dma_start3A_490 : memref<1x768x512xf32, #tpu.memory_space<any>> -> memref<768x512xf32, #tpu.memory_space<any>>
      tpu.enqueue_dma source(%dma_start3A_491 : memref<768x512xf32, #tpu.memory_space<any>>) target(%dma_start3A_487 : memref<768x512xf32, #tpu.memory_space<vmem>>) target_semaphore(%dma_start3A_483 : memref<!tpu.dma_semaphore, #tpu.memory_space<semaphore_mem>>)
      %dma_start3A_492 = arith.constant 0 : i32
      %dma_start3A_493 = arith.constant 0 : i32
      %dma_start3A_494 = arith.constant 0 : i32
      %dma_start3A_495 = tpu.memref_slice %arg10[%dma_start3A_494] : memref<2x!tpu.dma_semaphore, #tpu.memory_space<semaphore_mem>> -> memref<1x!tpu.dma_semaphore, #tpu.memory_space<semaphore_mem>>
      %dma_start3A_496 = tpu.memref_squeeze %dma_start3A_495 : memref<1x!tpu.dma_semaphore, #tpu.memory_space<semaphore_mem>> -> memref<!tpu.dma_semaphore, #tpu.memory_space<semaphore_mem>>
      %dma_start3A_497 = arith.constant 0 : i32
      %dma_start3A_498 = arith.constant 0 : i32
      %dma_start3A_499 = tpu.memref_slice %arg8[%dma_start3A_493, %dma_start3A_497, %dma_start3A_498] : memref<2x768x512xf32, #tpu.memory_space<vmem>> -> memref<1x768x512xf32, #tpu.memory_space<vmem>>
      %dma_start3A_500 = tpu.memref_squeeze %dma_start3A_499 : memref<1x768x512xf32, #tpu.memory_space<vmem>> -> memref<768x512xf32, #tpu.memory_space<vmem>>
      %dma_start3A_501 = arith.constant 0 : i32
      %dma_start3A_502 = arith.constant 0 : i32
      %dma_start3A_503 = tpu.memref_slice %arg4[%dma_start3A_492, %dma_start3A_501, %dma_start3A_502] : memref<8x768x3072xf32, #tpu.memory_space<any>> -> memref<1x768x512xf32, #tpu.memory_space<any>>
      %dma_start3A_504 = tpu.memref_squeeze %dma_start3A_503 : memref<1x768x512xf32, #tpu.memory_space<any>> -> memref<768x512xf32, #tpu.memory_space<any>>
      tpu.enqueue_dma source(%dma_start3A_504 : memref<768x512xf32, #tpu.memory_space<any>>) target(%dma_start3A_500 : memref<768x512xf32, #tpu.memory_space<vmem>>) target_semaphore(%dma_start3A_496 : memref<!tpu.dma_semaphore, #tpu.memory_space<semaphore_mem>>)
      %dma_start3A_505 = arith.constant 0 : i32
      %dma_start3A_506 = arith.constant 0 : i32
      %dma_start3A_507 = arith.constant 0 : i32
      %dma_start3A_508 = tpu.memref_slice %arg10[%dma_start3A_507] : memref<2x!tpu.dma_semaphore, #tpu.memory_space<semaphore_mem>> -> memref<1x!tpu.dma_semaphore, #tpu.memory_space<semaphore_mem>>
      %dma_start3A_509 = tpu.memref_squeeze %dma_start3A_508 : memref<1x!tpu.dma_semaphore, #tpu.memory_space<semaphore_mem>> -> memref<!tpu.dma_semaphore, #tpu.memory_space<semaphore_mem>>
      %dma_start3A_510 = arith.constant 0 : i32
      %dma_start3A_511 = arith.constant 0 : i32
      %dma_start3A_512 = tpu.memref_slice %arg9[%dma_start3A_506, %dma_start3A_510, %dma_start3A_511] : memref<2x512x768xf32, #tpu.memory_space<vmem>> -> memref<1x512x768xf32, #tpu.memory_space<vmem>>
      %dma_start3A_513 = tpu.memref_squeeze %dma_start3A_512 : memref<1x512x768xf32, #tpu.memory_space<vmem>> -> memref<512x768xf32, #tpu.memory_space<vmem>>
      %dma_start3A_514 = arith.constant 0 : i32
      %dma_start3A_515 = arith.constant 0 : i32
      %dma_start3A_516 = tpu.memref_slice %arg5[%dma_start3A_505, %dma_start3A_514, %dma_start3A_515] : memref<8x3072x768xf32, #tpu.memory_space<any>> -> memref<1x512x768xf32, #tpu.memory_space<any>>
      %dma_start3A_517 = tpu.memref_squeeze %dma_start3A_516 : memref<1x512x768xf32, #tpu.memory_space<any>> -> memref<512x768xf32, #tpu.memory_space<any>>
      tpu.enqueue_dma source(%dma_start3A_517 : memref<512x768xf32, #tpu.memory_space<any>>) target(%dma_start3A_513 : memref<512x768xf32, #tpu.memory_space<vmem>>) target_semaphore(%dma_start3A_509 : memref<!tpu.dma_semaphore, #tpu.memory_space<semaphore_mem>>)
    } else {
    }
    %get3A = arith.constant 0 : index
    %get3A_2 = arith.index_cast %arg0 : i32 to index
    %get3A_3 = memref.load %arg1[%get3A, %get3A_2] : memref<1x16xi32, #tpu.memory_space<smem>>
    %add3A = arith.constant 1 : i32
    %add3A_4 = arith.addi %arg0, %add3A : i32
    %get3A_5 = arith.constant 0 : index
    %get3A_6 = arith.index_cast %add3A_4 : i32 to index
    %get3A_7 = memref.load %arg1[%get3A_5, %get3A_6] : memref<1x16xi32, #tpu.memory_space<smem>>
    %jit3A = arith.constant 256 : i32
    %div3A = arith.divsi %get3A_3, %jit3A : i32
    %sign3A = arith.constant 0 : i32
    %sign3A_8 = arith.cmpi sgt, %get3A_3, %sign3A : i32
    %sign3A_9 = arith.extui %sign3A_8 : i1 to i32
    %sign3A_10 = arith.constant 0 : i32
    %sign3A_11 = arith.cmpi slt, %get3A_3, %sign3A_10 : i32
    %sign3A_12 = arith.extui %sign3A_11 : i1 to i32
    %sign3A_13 = arith.subi %sign3A_9, %sign3A_12 : i32
    %sign3A_14 = arith.constant 0 : i32
    %sign3A_15 = arith.cmpi sgt, %jit3A, %sign3A_14 : i32
    %sign3A_16 = arith.extui %sign3A_15 : i1 to i32
    %sign3A_17 = arith.constant 0 : i32
    %sign3A_18 = arith.cmpi slt, %jit3A, %sign3A_17 : i32
    %sign3A_19 = arith.extui %sign3A_18 : i1 to i32
    %sign3A_20 = arith.subi %sign3A_16, %sign3A_19 : i32
    %ne3A = arith.cmpi ne, %sign3A_13, %sign3A_20 : i32
    %rem3A = arith.remsi %get3A_3, %jit3A : i32
    %ne3A_21 = arith.constant 0 : i32
    %ne3A_22 = arith.cmpi ne, %rem3A, %ne3A_21 : i32
    %and3A = arith.andi %ne3A, %ne3A_22 : i1
    %sub3A = arith.constant 1 : i32
    %sub3A_23 = arith.subi %div3A, %sub3A : i32
    %select_n3A = arith.select %and3A, %sub3A_23, %div3A : i32
    %add3A_24 = arith.constant 256 : i32
    %add3A_25 = arith.addi %get3A_7, %add3A_24 : i32
    %sub3A_26 = arith.constant 1 : i32
    %sub3A_27 = arith.subi %add3A_25, %sub3A_26 : i32
    %jit3A_28 = arith.constant 256 : i32
    %div3A_29 = arith.divsi %sub3A_27, %jit3A_28 : i32
    %sign3A_30 = arith.constant 0 : i32
    %sign3A_31 = arith.cmpi sgt, %sub3A_27, %sign3A_30 : i32
    %sign3A_32 = arith.extui %sign3A_31 : i1 to i32
    %sign3A_33 = arith.constant 0 : i32
    %sign3A_34 = arith.cmpi slt, %sub3A_27, %sign3A_33 : i32
    %sign3A_35 = arith.extui %sign3A_34 : i1 to i32
    %sign3A_36 = arith.subi %sign3A_32, %sign3A_35 : i32
    %sign3A_37 = arith.constant 0 : i32
    %sign3A_38 = arith.cmpi sgt, %jit3A_28, %sign3A_37 : i32
    %sign3A_39 = arith.extui %sign3A_38 : i1 to i32
    %sign3A_40 = arith.constant 0 : i32
    %sign3A_41 = arith.cmpi slt, %jit3A_28, %sign3A_40 : i32
    %sign3A_42 = arith.extui %sign3A_41 : i1 to i32
    %sign3A_43 = arith.subi %sign3A_39, %sign3A_42 : i32
    %ne3A_44 = arith.cmpi ne, %sign3A_36, %sign3A_43 : i32
    %rem3A_45 = arith.remsi %sub3A_27, %jit3A_28 : i32
    %ne3A_46 = arith.constant 0 : i32
    %ne3A_47 = arith.cmpi ne, %rem3A_45, %ne3A_46 : i32
    %and3A_48 = arith.andi %ne3A_44, %ne3A_47 : i1
    %sub3A_49 = arith.constant 1 : i32
    %sub3A_50 = arith.subi %div3A_29, %sub3A_49 : i32
    %select_n3A_51 = arith.select %and3A_48, %sub3A_50, %div3A_29 : i32
    %iota3A = tpu.iota {dimensions = array<i32: 0>} : vector<256x1xi32>
    %dma_start3A = arith.constant 1 : i32
    %dma_start3A_52 = arith.constant 1 : i32
    %dma_start3A_53 = tpu.memref_slice %arg10[%dma_start3A_52] : memref<2x!tpu.dma_semaphore, #tpu.memory_space<semaphore_mem>> -> memref<1x!tpu.dma_semaphore, #tpu.memory_space<semaphore_mem>>
    %dma_start3A_54 = tpu.memref_squeeze %dma_start3A_53 : memref<1x!tpu.dma_semaphore, #tpu.memory_space<semaphore_mem>> -> memref<!tpu.dma_semaphore, #tpu.memory_space<semaphore_mem>>
    %dma_start3A_55 = arith.constant 0 : i32
    %dma_start3A_56 = arith.constant 0 : i32
    %dma_start3A_57 = tpu.memref_slice %arg7[%dma_start3A, %dma_start3A_55, %dma_start3A_56] : memref<2x768x512xf32, #tpu.memory_space<vmem>> -> memref<1x768x512xf32, #tpu.memory_space<vmem>>
    %dma_start3A_58 = tpu.memref_squeeze %dma_start3A_57 : memref<1x768x512xf32, #tpu.memory_space<vmem>> -> memref<768x512xf32, #tpu.memory_space<vmem>>
    %dma_start3A_59 = arith.constant 0 : i32
    %dma_start3A_60 = arith.constant 512 : i32
    %dma_start3A_61 = tpu.memref_slice %arg3[%arg0, %dma_start3A_59, %dma_start3A_60] : memref<8x768x3072xf32, #tpu.memory_space<any>> -> memref<1x768x512xf32, #tpu.memory_space<any>>
    %dma_start3A_62 = tpu.memref_squeeze %dma_start3A_61 : memref<1x768x512xf32, #tpu.memory_space<any>> -> memref<768x512xf32, #tpu.memory_space<any>>
    tpu.enqueue_dma source(%dma_start3A_62 : memref<768x512xf32, #tpu.memory_space<any>>) target(%dma_start3A_58 : memref<768x512xf32, #tpu.memory_space<vmem>>) target_semaphore(%dma_start3A_54 : memref<!tpu.dma_semaphore, #tpu.memory_space<semaphore_mem>>)
    %dma_start3A_63 = arith.constant 1 : i32
    %dma_start3A_64 = arith.constant 1 : i32
    %dma_start3A_65 = tpu.memref_slice %arg10[%dma_start3A_64] : memref<2x!tpu.dma_semaphore, #tpu.memory_space<semaphore_mem>> -> memref<1x!tpu.dma_semaphore, #tpu.memory_space<semaphore_mem>>
    %dma_start3A_66 = tpu.memref_squeeze %dma_start3A_65 : memref<1x!tpu.dma_semaphore, #tpu.memory_space<semaphore_mem>> -> memref<!tpu.dma_semaphore, #tpu.memory_space<semaphore_mem>>
    %dma_start3A_67 = arith.constant 0 : i32
    %dma_start3A_68 = arith.constant 0 : i32
    %dma_start3A_69 = tpu.memref_slice %arg8[%dma_start3A_63, %dma_start3A_67, %dma_start3A_68] : memref<2x768x512xf32, #tpu.memory_space<vmem>> -> memref<1x768x512xf32, #tpu.memory_space<vmem>>
    %dma_start3A_70 = tpu.memref_squeeze %dma_start3A_69 : memref<1x768x512xf32, #tpu.memory_space<vmem>> -> memref<768x512xf32, #tpu.memory_space<vmem>>
    %dma_start3A_71 = arith.constant 0 : i32
    %dma_start3A_72 = arith.constant 512 : i32
    %dma_start3A_73 = tpu.memref_slice %arg4[%arg0, %dma_start3A_71, %dma_start3A_72] : memref<8x768x3072xf32, #tpu.memory_space<any>> -> memref<1x768x512xf32, #tpu.memory_space<any>>
    %dma_start3A_74 = tpu.memref_squeeze %dma_start3A_73 : memref<1x768x512xf32, #tpu.memory_space<any>> -> memref<768x512xf32, #tpu.memory_space<any>>
    tpu.enqueue_dma source(%dma_start3A_74 : memref<768x512xf32, #tpu.memory_space<any>>) target(%dma_start3A_70 : memref<768x512xf32, #tpu.memory_space<vmem>>) target_semaphore(%dma_start3A_66 : memref<!tpu.dma_semaphore, #tpu.memory_space<semaphore_mem>>)
    %dma_start3A_75 = arith.constant 1 : i32
    %dma_start3A_76 = arith.constant 1 : i32
    %dma_start3A_77 = tpu.memref_slice %arg10[%dma_start3A_76] : memref<2x!tpu.dma_semaphore, #tpu.memory_space<semaphore_mem>> -> memref<1x!tpu.dma_semaphore, #tpu.memory_space<semaphore_mem>>
    %dma_start3A_78 = tpu.memref_squeeze %dma_start3A_77 : memref<1x!tpu.dma_semaphore, #tpu.memory_space<semaphore_mem>> -> memref<!tpu.dma_semaphore, #tpu.memory_space<semaphore_mem>>
    %dma_start3A_79 = arith.constant 0 : i32
    %dma_start3A_80 = arith.constant 0 : i32
    %dma_start3A_81 = tpu.memref_slice %arg9[%dma_start3A_75, %dma_start3A_79, %dma_start3A_80] : memref<2x512x768xf32, #tpu.memory_space<vmem>> -> memref<1x512x768xf32, #tpu.memory_space<vmem>>
    %dma_start3A_82 = tpu.memref_squeeze %dma_start3A_81 : memref<1x512x768xf32, #tpu.memory_space<vmem>> -> memref<512x768xf32, #tpu.memory_space<vmem>>
    %dma_start3A_83 = arith.constant 512 : i32
    %dma_start3A_84 = arith.constant 0 : i32
    %dma_start3A_85 = tpu.memref_slice %arg5[%arg0, %dma_start3A_83, %dma_start3A_84] : memref<8x3072x768xf32, #tpu.memory_space<any>> -> memref<1x512x768xf32, #tpu.memory_space<any>>
    %dma_start3A_86 = tpu.memref_squeeze %dma_start3A_85 : memref<1x512x768xf32, #tpu.memory_space<any>> -> memref<512x768xf32, #tpu.memory_space<any>>
    tpu.enqueue_dma source(%dma_start3A_86 : memref<512x768xf32, #tpu.memory_space<any>>) target(%dma_start3A_82 : memref<512x768xf32, #tpu.memory_space<vmem>>) target_semaphore(%dma_start3A_78 : memref<!tpu.dma_semaphore, #tpu.memory_space<semaphore_mem>>)
    %dma_wait3A = arith.constant 0 : i32
    %dma_wait3A_87 = arith.constant 0 : i32
    %dma_wait3A_88 = tpu.memref_slice %arg10[%dma_wait3A_87] : memref<2x!tpu.dma_semaphore, #tpu.memory_space<semaphore_mem>> -> memref<1x!tpu.dma_semaphore, #tpu.memory_space<semaphore_mem>>
    %dma_wait3A_89 = tpu.memref_squeeze %dma_wait3A_88 : memref<1x!tpu.dma_semaphore, #tpu.memory_space<semaphore_mem>> -> memref<!tpu.dma_semaphore, #tpu.memory_space<semaphore_mem>>
    %dma_wait3A_90 = arith.constant 0 : i32
    %dma_wait3A_91 = arith.constant 0 : i32
    %dma_wait3A_92 = tpu.memref_slice %arg7[%dma_wait3A, %dma_wait3A_90, %dma_wait3A_91] : memref<2x768x512xf32, #tpu.memory_space<vmem>> -> memref<1x768x512xf32, #tpu.memory_space<vmem>>
    %dma_wait3A_93 = tpu.memref_squeeze %dma_wait3A_92 : memref<1x768x512xf32, #tpu.memory_space<vmem>> -> memref<768x512xf32, #tpu.memory_space<vmem>>
    %dma_wait3A_94 = arith.constant 0 : i32
    %dma_wait3A_95 = arith.constant 0 : i32
    %dma_wait3A_96 = tpu.memref_slice %arg3[%arg0, %dma_wait3A_94, %dma_wait3A_95] : memref<8x768x3072xf32, #tpu.memory_space<any>> -> memref<1x768x512xf32, #tpu.memory_space<any>>
    %dma_wait3A_97 = tpu.memref_squeeze %dma_wait3A_96 : memref<1x768x512xf32, #tpu.memory_space<any>> -> memref<768x512xf32, #tpu.memory_space<any>>
    tpu.wait_dma2 semaphore(%dma_wait3A_89 : memref<!tpu.dma_semaphore, #tpu.memory_space<semaphore_mem>>) src(%dma_wait3A_97 : memref<768x512xf32, #tpu.memory_space<any>>) dst(%dma_wait3A_93 : memref<768x512xf32, #tpu.memory_space<vmem>>)
    %dma_wait3A_98 = arith.constant 0 : i32
    %dma_wait3A_99 = arith.constant 0 : i32
    %dma_wait3A_100 = tpu.memref_slice %arg10[%dma_wait3A_99] : memref<2x!tpu.dma_semaphore, #tpu.memory_space<semaphore_mem>> -> memref<1x!tpu.dma_semaphore, #tpu.memory_space<semaphore_mem>>
    %dma_wait3A_101 = tpu.memref_squeeze %dma_wait3A_100 : memref<1x!tpu.dma_semaphore, #tpu.memory_space<semaphore_mem>> -> memref<!tpu.dma_semaphore, #tpu.memory_space<semaphore_mem>>
    %dma_wait3A_102 = arith.constant 0 : i32
    %dma_wait3A_103 = arith.constant 0 : i32
    %dma_wait3A_104 = tpu.memref_slice %arg8[%dma_wait3A_98, %dma_wait3A_102, %dma_wait3A_103] : memref<2x768x512xf32, #tpu.memory_space<vmem>> -> memref<1x768x512xf32, #tpu.memory_space<vmem>>
    %dma_wait3A_105 = tpu.memref_squeeze %dma_wait3A_104 : memref<1x768x512xf32, #tpu.memory_space<vmem>> -> memref<768x512xf32, #tpu.memory_space<vmem>>
    %dma_wait3A_106 = arith.constant 0 : i32
    %dma_wait3A_107 = arith.constant 0 : i32
    %dma_wait3A_108 = tpu.memref_slice %arg4[%arg0, %dma_wait3A_106, %dma_wait3A_107] : memref<8x768x3072xf32, #tpu.memory_space<any>> -> memref<1x768x512xf32, #tpu.memory_space<any>>
    %dma_wait3A_109 = tpu.memref_squeeze %dma_wait3A_108 : memref<1x768x512xf32, #tpu.memory_space<any>> -> memref<768x512xf32, #tpu.memory_space<any>>
    tpu.wait_dma2 semaphore(%dma_wait3A_101 : memref<!tpu.dma_semaphore, #tpu.memory_space<semaphore_mem>>) src(%dma_wait3A_109 : memref<768x512xf32, #tpu.memory_space<any>>) dst(%dma_wait3A_105 : memref<768x512xf32, #tpu.memory_space<vmem>>)
    %dma_wait3A_110 = arith.constant 0 : i32
    %dma_wait3A_111 = arith.constant 0 : i32
    %dma_wait3A_112 = tpu.memref_slice %arg10[%dma_wait3A_111] : memref<2x!tpu.dma_semaphore, #tpu.memory_space<semaphore_mem>> -> memref<1x!tpu.dma_semaphore, #tpu.memory_space<semaphore_mem>>
    %dma_wait3A_113 = tpu.memref_squeeze %dma_wait3A_112 : memref<1x!tpu.dma_semaphore, #tpu.memory_space<semaphore_mem>> -> memref<!tpu.dma_semaphore, #tpu.memory_space<semaphore_mem>>
    %dma_wait3A_114 = arith.constant 0 : i32
    %dma_wait3A_115 = arith.constant 0 : i32
    %dma_wait3A_116 = tpu.memref_slice %arg9[%dma_wait3A_110, %dma_wait3A_114, %dma_wait3A_115] : memref<2x512x768xf32, #tpu.memory_space<vmem>> -> memref<1x512x768xf32, #tpu.memory_space<vmem>>
    %dma_wait3A_117 = tpu.memref_squeeze %dma_wait3A_116 : memref<1x512x768xf32, #tpu.memory_space<vmem>> -> memref<512x768xf32, #tpu.memory_space<vmem>>
    %dma_wait3A_118 = arith.constant 0 : i32
    %dma_wait3A_119 = arith.constant 0 : i32
    %dma_wait3A_120 = tpu.memref_slice %arg5[%arg0, %dma_wait3A_118, %dma_wait3A_119] : memref<8x3072x768xf32, #tpu.memory_space<any>> -> memref<1x512x768xf32, #tpu.memory_space<any>>
    %dma_wait3A_121 = tpu.memref_squeeze %dma_wait3A_120 : memref<1x512x768xf32, #tpu.memory_space<any>> -> memref<512x768xf32, #tpu.memory_space<any>>
    tpu.wait_dma2 semaphore(%dma_wait3A_113 : memref<!tpu.dma_semaphore, #tpu.memory_space<semaphore_mem>>) src(%dma_wait3A_121 : memref<512x768xf32, #tpu.memory_space<any>>) dst(%dma_wait3A_117 : memref<512x768xf32, #tpu.memory_space<vmem>>)
    %lt3A = arith.cmpi slt, %get3A_3, %get3A_7 : i32
    %convert_element_type3A_122 = arith.extui %lt3A : i1 to i32
    %cond3A_123 = arith.constant 0 : i32
    %cond3A_124 = arith.cmpi ne, %convert_element_type3A_122, %cond3A_123 : i32
    scf.if %cond3A_124 {
      %while3A = arith.constant 0 : i32
      %while3A_476 = arith.subi %select_n3A_51, %select_n3A : i32
      %while3A_477 = arith.addi %select_n3A, %while3A_476 : i32
      %while3A_478 = arith.constant 1 : i32
      %while3A_479 = arith.divsi %while3A_476, %while3A_478 : i32
      %while3A_480 = arith.muli %while3A_479, %while3A_478 : i32
      %while3A_481 = arith.addi %select_n3A, %while3A_480 : i32
      %while3A_482 = arith.constant 1 : i32
      scf.for %while3A_484 = %select_n3A to %while3A_481 step %while3A_482  : i32 {
        %mul3A = arith.constant 256 : i32
        %mul3A_485 = arith.muli %while3A_484, %mul3A : i32
        %get3A_486 = arith.index_cast %mul3A_485 : i32 to index
        %get3A_487 = arith.constant 0 : index
        %get3A_488 = vector.load %arg2[%get3A_486, %get3A_487] : memref<4096x768xf32, #tpu.memory_space<vmem>>, vector<256x768xf32>
        %mul3A_489 = arith.constant 256 : i32
        %mul3A_490 = arith.muli %while3A_484, %mul3A_489 : i32
        %add3A_491 = vector.broadcast %mul3A_490 : i32 to vector<256x1xi32>
        %add3A_492 = arith.addi %add3A_491, %iota3A : vector<256x1xi32>
        %ge3A = vector.broadcast %get3A_3 : i32 to vector<256x1xi32>
        %ge3A_493 = arith.cmpi sge, %add3A_492, %ge3A : vector<256x1xi32>
        %lt3A_494 = vector.broadcast %get3A_7 : i32 to vector<256x1xi32>
        %lt3A_495 = arith.cmpi slt, %add3A_492, %lt3A_494 : vector<256x1xi32>
        %and3A_496 = arith.andi %ge3A_493, %lt3A_495 : vector<256x1xi1>
        %jit3A_497 = arith.constant 0.000000e+00 : f32
        %broadcast_in_dim3A = vector.shape_cast %and3A_496 : vector<256x1xi1> to vector<256x1xi1>
        %broadcast_in_dim3A_498 = vector.broadcast %broadcast_in_dim3A : vector<256x1xi1> to vector<256x768xi1>
        %broadcast_in_dim3A_499 = vector.broadcast %jit3A_497 : f32 to vector<256x768xf32>
        %select_n3A_500 = arith.select %broadcast_in_dim3A_498, %get3A_488, %broadcast_in_dim3A_499 : vector<256x768xi1>, vector<256x768xf32>
        %get3A_501 = arith.constant 0 : index
        %get3A_502 = arith.constant 0 : index
        %get3A_503 = arith.constant 0 : index
        %get3A_504 = vector.load %arg7[%get3A_501, %get3A_502, %get3A_503] : memref<2x768x512xf32, #tpu.memory_space<vmem>>, vector<1x768x512xf32>
        %get3A_505 = vector.shape_cast %get3A_504 : vector<1x768x512xf32> to vector<768x512xf32>
        %dot_general3A = arith.constant dense<0.000000e+00> : vector<256x512xf32>
        %dot_general3A_506 = tpu.matmul %select_n3A_500, %get3A_505, %dot_general3A {dimension_numbers = #tpu.dot_dimension_numbers<[1], [0], [0], [1], [0, 0, 1, 1], [], []>, transpose_lhs_hint = false} : vector<256x768xf32>, vector<768x512xf32>, vector<256x512xf32> -> vector<256x512xf32>
        %get3A_507 = arith.constant 0 : index
        %get3A_508 = arith.constant 0 : index
        %get3A_509 = arith.constant 0 : index
        %get3A_510 = vector.load %arg8[%get3A_507, %get3A_508, %get3A_509] : memref<2x768x512xf32, #tpu.memory_space<vmem>>, vector<1x768x512xf32>
        %get3A_511 = vector.shape_cast %get3A_510 : vector<1x768x512xf32> to vector<768x512xf32>
        %dot_general3A_512 = arith.constant dense<0.000000e+00> : vector<256x512xf32>
        %dot_general3A_513 = tpu.matmul %select_n3A_500, %get3A_511, %dot_general3A_512 {dimension_numbers = #tpu.dot_dimension_numbers<[1], [0], [0], [1], [0, 0, 1, 1], [], []>, transpose_lhs_hint = false} : vector<256x768xf32>, vector<768x512xf32>, vector<256x512xf32> -> vector<256x512xf32>
        %neg3A = arith.constant 0.000000e+00 : f32
        %neg3A_514 = vector.broadcast %neg3A : f32 to vector<256x512xf32>
        %neg3A_515 = arith.subf %neg3A_514, %dot_general3A_506 : vector<256x512xf32>
        %exp3A = math.exp %neg3A_515 : vector<256x512xf32>
        %add3A_516 = arith.constant 1.000000e+00 : f32
        %add3A_517 = vector.broadcast %add3A_516 : f32 to vector<256x512xf32>
        %add3A_518 = arith.addf %add3A_517, %exp3A : vector<256x512xf32>
        %div3A_519 = arith.divf %dot_general3A_506, %add3A_518 : vector<256x512xf32>
        %mul3A_520 = arith.mulf %div3A_519, %dot_general3A_513 : vector<256x512xf32>
        %get3A_521 = arith.constant 0 : index
        %get3A_522 = arith.constant 0 : index
        %get3A_523 = arith.constant 0 : index
        %get3A_524 = vector.load %arg9[%get3A_521, %get3A_522, %get3A_523] : memref<2x512x768xf32, #tpu.memory_space<vmem>>, vector<1x512x768xf32>
        %get3A_525 = vector.shape_cast %get3A_524 : vector<1x512x768xf32> to vector<512x768xf32>
        %dot_general3A_526 = arith.constant dense<0.000000e+00> : vector<256x768xf32>
        %dot_general3A_527 = tpu.matmul %mul3A_520, %get3A_525, %dot_general3A_526 {dimension_numbers = #tpu.dot_dimension_numbers<[1], [0], [0], [1], [0, 0, 1, 1], [], []>, transpose_lhs_hint = false} : vector<256x512xf32>, vector<512x768xf32>, vector<256x768xf32> -> vector<256x768xf32>
        %get3A_528 = arith.index_cast %mul3A_485 : i32 to index
        %get3A_529 = arith.constant 0 : index
        %get3A_530 = vector.load %arg6[%get3A_528, %get3A_529] : memref<4096x768xf32, #tpu.memory_space<vmem>>, vector<256x768xf32>
        %add3A_531 = arith.addf %get3A_530, %dot_general3A_527 : vector<256x768xf32>
        %swap3A = arith.index_cast %mul3A_485 : i32 to index
        %swap3A_532 = arith.constant 0 : index
        %swap3A_533 = vector.load %arg6[%swap3A, %swap3A_532] : memref<4096x768xf32, #tpu.memory_space<vmem>>, vector<256x768xf32>
        tpu.vector_store %arg6[%swap3A, %swap3A_532], %add3A_531 {strides = array<i32>} : memref<4096x768xf32, #tpu.memory_space<vmem>>, vector<256x768xf32>,
      }
      %while3A_483 = arith.constant 1 : i32
      scf.for %while3A_484 = %while3A_481 to %while3A_477 step %while3A_483  : i32 {
        %mul3A = arith.constant 256 : i32
        %mul3A_485 = arith.muli %while3A_484, %mul3A : i32
        %get3A_486 = arith.index_cast %mul3A_485 : i32 to index
        %get3A_487 = arith.constant 0 : index
        %get3A_488 = vector.load %arg2[%get3A_486, %get3A_487] : memref<4096x768xf32, #tpu.memory_space<vmem>>, vector<256x768xf32>
        %mul3A_489 = arith.constant 256 : i32
        %mul3A_490 = arith.muli %while3A_484, %mul3A_489 : i32
        %add3A_491 = vector.broadcast %mul3A_490 : i32 to vector<256x1xi32>
        %add3A_492 = arith.addi %add3A_491, %iota3A : vector<256x1xi32>
        %ge3A = vector.broadcast %get3A_3 : i32 to vector<256x1xi32>
        %ge3A_493 = arith.cmpi sge, %add3A_492, %ge3A : vector<256x1xi32>
        %lt3A_494 = vector.broadcast %get3A_7 : i32 to vector<256x1xi32>
        %lt3A_495 = arith.cmpi slt, %add3A_492, %lt3A_494 : vector<256x1xi32>
        %and3A_496 = arith.andi %ge3A_493, %lt3A_495 : vector<256x1xi1>
        %jit3A_497 = arith.constant 0.000000e+00 : f32
        %broadcast_in_dim3A = vector.shape_cast %and3A_496 : vector<256x1xi1> to vector<256x1xi1>
        %broadcast_in_dim3A_498 = vector.broadcast %broadcast_in_dim3A : vector<256x1xi1> to vector<256x768xi1>
        %broadcast_in_dim3A_499 = vector.broadcast %jit3A_497 : f32 to vector<256x768xf32>
        %select_n3A_500 = arith.select %broadcast_in_dim3A_498, %get3A_488, %broadcast_in_dim3A_499 : vector<256x768xi1>, vector<256x768xf32>
        %get3A_501 = arith.constant 0 : index
        %get3A_502 = arith.constant 0 : index
        %get3A_503 = arith.constant 0 : index
        %get3A_504 = vector.load %arg7[%get3A_501, %get3A_502, %get3A_503] : memref<2x768x512xf32, #tpu.memory_space<vmem>>, vector<1x768x512xf32>
        %get3A_505 = vector.shape_cast %get3A_504 : vector<1x768x512xf32> to vector<768x512xf32>
        %dot_general3A = arith.constant dense<0.000000e+00> : vector<256x512xf32>
        %dot_general3A_506 = tpu.matmul %select_n3A_500, %get3A_505, %dot_general3A {dimension_numbers = #tpu.dot_dimension_numbers<[1], [0], [0], [1], [0, 0, 1, 1], [], []>, transpose_lhs_hint = false} : vector<256x768xf32>, vector<768x512xf32>, vector<256x512xf32> -> vector<256x512xf32>
        %get3A_507 = arith.constant 0 : index
        %get3A_508 = arith.constant 0 : index
        %get3A_509 = arith.constant 0 : index
        %get3A_510 = vector.load %arg8[%get3A_507, %get3A_508, %get3A_509] : memref<2x768x512xf32, #tpu.memory_space<vmem>>, vector<1x768x512xf32>
        %get3A_511 = vector.shape_cast %get3A_510 : vector<1x768x512xf32> to vector<768x512xf32>
        %dot_general3A_512 = arith.constant dense<0.000000e+00> : vector<256x512xf32>
        %dot_general3A_513 = tpu.matmul %select_n3A_500, %get3A_511, %dot_general3A_512 {dimension_numbers = #tpu.dot_dimension_numbers<[1], [0], [0], [1], [0, 0, 1, 1], [], []>, transpose_lhs_hint = false} : vector<256x768xf32>, vector<768x512xf32>, vector<256x512xf32> -> vector<256x512xf32>
        %neg3A = arith.constant 0.000000e+00 : f32
        %neg3A_514 = vector.broadcast %neg3A : f32 to vector<256x512xf32>
        %neg3A_515 = arith.subf %neg3A_514, %dot_general3A_506 : vector<256x512xf32>
        %exp3A = math.exp %neg3A_515 : vector<256x512xf32>
        %add3A_516 = arith.constant 1.000000e+00 : f32
        %add3A_517 = vector.broadcast %add3A_516 : f32 to vector<256x512xf32>
        %add3A_518 = arith.addf %add3A_517, %exp3A : vector<256x512xf32>
        %div3A_519 = arith.divf %dot_general3A_506, %add3A_518 : vector<256x512xf32>
        %mul3A_520 = arith.mulf %div3A_519, %dot_general3A_513 : vector<256x512xf32>
        %get3A_521 = arith.constant 0 : index
        %get3A_522 = arith.constant 0 : index
        %get3A_523 = arith.constant 0 : index
        %get3A_524 = vector.load %arg9[%get3A_521, %get3A_522, %get3A_523] : memref<2x512x768xf32, #tpu.memory_space<vmem>>, vector<1x512x768xf32>
        %get3A_525 = vector.shape_cast %get3A_524 : vector<1x512x768xf32> to vector<512x768xf32>
        %dot_general3A_526 = arith.constant dense<0.000000e+00> : vector<256x768xf32>
        %dot_general3A_527 = tpu.matmul %mul3A_520, %get3A_525, %dot_general3A_526 {dimension_numbers = #tpu.dot_dimension_numbers<[1], [0], [0], [1], [0, 0, 1, 1], [], []>, transpose_lhs_hint = false} : vector<256x512xf32>, vector<512x768xf32>, vector<256x768xf32> -> vector<256x768xf32>
        %get3A_528 = arith.index_cast %mul3A_485 : i32 to index
        %get3A_529 = arith.constant 0 : index
        %get3A_530 = vector.load %arg6[%get3A_528, %get3A_529] : memref<4096x768xf32, #tpu.memory_space<vmem>>, vector<256x768xf32>
        %add3A_531 = arith.addf %get3A_530, %dot_general3A_527 : vector<256x768xf32>
        %swap3A = arith.index_cast %mul3A_485 : i32 to index
        %swap3A_532 = arith.constant 0 : index
        %swap3A_533 = vector.load %arg6[%swap3A, %swap3A_532] : memref<4096x768xf32, #tpu.memory_space<vmem>>, vector<256x768xf32>
        tpu.vector_store %arg6[%swap3A, %swap3A_532], %add3A_531 {strides = array<i32>} : memref<4096x768xf32, #tpu.memory_space<vmem>>, vector<256x768xf32>,
      }
    } else {
    }
    %dma_start3A_125 = arith.constant 0 : i32
    %dma_start3A_126 = arith.constant 0 : i32
    %dma_start3A_127 = tpu.memref_slice %arg10[%dma_start3A_126] : memref<2x!tpu.dma_semaphore, #tpu.memory_space<semaphore_mem>> -> memref<1x!tpu.dma_semaphore, #tpu.memory_space<semaphore_mem>>
    %dma_start3A_128 = tpu.memref_squeeze %dma_start3A_127 : memref<1x!tpu.dma_semaphore, #tpu.memory_space<semaphore_mem>> -> memref<!tpu.dma_semaphore, #tpu.memory_space<semaphore_mem>>
    %dma_start3A_129 = arith.constant 0 : i32
    %dma_start3A_130 = arith.constant 0 : i32
    %dma_start3A_131 = tpu.memref_slice %arg7[%dma_start3A_125, %dma_start3A_129, %dma_start3A_130] : memref<2x768x512xf32, #tpu.memory_space<vmem>> -> memref<1x768x512xf32, #tpu.memory_space<vmem>>
    %dma_start3A_132 = tpu.memref_squeeze %dma_start3A_131 : memref<1x768x512xf32, #tpu.memory_space<vmem>> -> memref<768x512xf32, #tpu.memory_space<vmem>>
    %dma_start3A_133 = arith.constant 0 : i32
    %dma_start3A_134 = arith.constant 1024 : i32
    %dma_start3A_135 = tpu.memref_slice %arg3[%arg0, %dma_start3A_133, %dma_start3A_134] : memref<8x768x3072xf32, #tpu.memory_space<any>> -> memref<1x768x512xf32, #tpu.memory_space<any>>
    %dma_start3A_136 = tpu.memref_squeeze %dma_start3A_135 : memref<1x768x512xf32, #tpu.memory_space<any>> -> memref<768x512xf32, #tpu.memory_space<any>>
    tpu.enqueue_dma source(%dma_start3A_136 : memref<768x512xf32, #tpu.memory_space<any>>) target(%dma_start3A_132 : memref<768x512xf32, #tpu.memory_space<vmem>>) target_semaphore(%dma_start3A_128 : memref<!tpu.dma_semaphore, #tpu.memory_space<semaphore_mem>>)
    %dma_start3A_137 = arith.constant 0 : i32
    %dma_start3A_138 = arith.constant 0 : i32
    %dma_start3A_139 = tpu.memref_slice %arg10[%dma_start3A_138] : memref<2x!tpu.dma_semaphore, #tpu.memory_space<semaphore_mem>> -> memref<1x!tpu.dma_semaphore, #tpu.memory_space<semaphore_mem>>
    %dma_start3A_140 = tpu.memref_squeeze %dma_start3A_139 : memref<1x!tpu.dma_semaphore, #tpu.memory_space<semaphore_mem>> -> memref<!tpu.dma_semaphore, #tpu.memory_space<semaphore_mem>>
    %dma_start3A_141 = arith.constant 0 : i32
    %dma_start3A_142 = arith.constant 0 : i32
    %dma_start3A_143 = tpu.memref_slice %arg8[%dma_start3A_137, %dma_start3A_141, %dma_start3A_142] : memref<2x768x512xf32, #tpu.memory_space<vmem>> -> memref<1x768x512xf32, #tpu.memory_space<vmem>>
    %dma_start3A_144 = tpu.memref_squeeze %dma_start3A_143 : memref<1x768x512xf32, #tpu.memory_space<vmem>> -> memref<768x512xf32, #tpu.memory_space<vmem>>
    %dma_start3A_145 = arith.constant 0 : i32
    %dma_start3A_146 = arith.constant 1024 : i32
    %dma_start3A_147 = tpu.memref_slice %arg4[%arg0, %dma_start3A_145, %dma_start3A_146] : memref<8x768x3072xf32, #tpu.memory_space<any>> -> memref<1x768x512xf32, #tpu.memory_space<any>>
    %dma_start3A_148 = tpu.memref_squeeze %dma_start3A_147 : memref<1x768x512xf32, #tpu.memory_space<any>> -> memref<768x512xf32, #tpu.memory_space<any>>
    tpu.enqueue_dma source(%dma_start3A_148 : memref<768x512xf32, #tpu.memory_space<any>>) target(%dma_start3A_144 : memref<768x512xf32, #tpu.memory_space<vmem>>) target_semaphore(%dma_start3A_140 : memref<!tpu.dma_semaphore, #tpu.memory_space<semaphore_mem>>)
    %dma_start3A_149 = arith.constant 0 : i32
    %dma_start3A_150 = arith.constant 0 : i32
    %dma_start3A_151 = tpu.memref_slice %arg10[%dma_start3A_150] : memref<2x!tpu.dma_semaphore, #tpu.memory_space<semaphore_mem>> -> memref<1x!tpu.dma_semaphore, #tpu.memory_space<semaphore_mem>>
    %dma_start3A_152 = tpu.memref_squeeze %dma_start3A_151 : memref<1x!tpu.dma_semaphore, #tpu.memory_space<semaphore_mem>> -> memref<!tpu.dma_semaphore, #tpu.memory_space<semaphore_mem>>
    %dma_start3A_153 = arith.constant 0 : i32
    %dma_start3A_154 = arith.constant 0 : i32
    %dma_start3A_155 = tpu.memref_slice %arg9[%dma_start3A_149, %dma_start3A_153, %dma_start3A_154] : memref<2x512x768xf32, #tpu.memory_space<vmem>> -> memref<1x512x768xf32, #tpu.memory_space<vmem>>
    %dma_start3A_156 = tpu.memref_squeeze %dma_start3A_155 : memref<1x512x768xf32, #tpu.memory_space<vmem>> -> memref<512x768xf32, #tpu.memory_space<vmem>>
    %dma_start3A_157 = arith.constant 1024 : i32
    %dma_start3A_158 = arith.constant 0 : i32
    %dma_start3A_159 = tpu.memref_slice %arg5[%arg0, %dma_start3A_157, %dma_start3A_158] : memref<8x3072x768xf32, #tpu.memory_space<any>> -> memref<1x512x768xf32, #tpu.memory_space<any>>
    %dma_start3A_160 = tpu.memref_squeeze %dma_start3A_159 : memref<1x512x768xf32, #tpu.memory_space<any>> -> memref<512x768xf32, #tpu.memory_space<any>>
    tpu.enqueue_dma source(%dma_start3A_160 : memref<512x768xf32, #tpu.memory_space<any>>) target(%dma_start3A_156 : memref<512x768xf32, #tpu.memory_space<vmem>>) target_semaphore(%dma_start3A_152 : memref<!tpu.dma_semaphore, #tpu.memory_space<semaphore_mem>>)
    %dma_wait3A_161 = arith.constant 1 : i32
    %dma_wait3A_162 = arith.constant 1 : i32
    %dma_wait3A_163 = tpu.memref_slice %arg10[%dma_wait3A_162] : memref<2x!tpu.dma_semaphore, #tpu.memory_space<semaphore_mem>> -> memref<1x!tpu.dma_semaphore, #tpu.memory_space<semaphore_mem>>
    %dma_wait3A_164 = tpu.memref_squeeze %dma_wait3A_163 : memref<1x!tpu.dma_semaphore, #tpu.memory_space<semaphore_mem>> -> memref<!tpu.dma_semaphore, #tpu.memory_space<semaphore_mem>>
    %dma_wait3A_165 = arith.constant 0 : i32
    %dma_wait3A_166 = arith.constant 0 : i32
    %dma_wait3A_167 = tpu.memref_slice %arg7[%dma_wait3A_161, %dma_wait3A_165, %dma_wait3A_166] : memref<2x768x512xf32, #tpu.memory_space<vmem>> -> memref<1x768x512xf32, #tpu.memory_space<vmem>>
    %dma_wait3A_168 = tpu.memref_squeeze %dma_wait3A_167 : memref<1x768x512xf32, #tpu.memory_space<vmem>> -> memref<768x512xf32, #tpu.memory_space<vmem>>
    %dma_wait3A_169 = arith.constant 0 : i32
    %dma_wait3A_170 = arith.constant 512 : i32
    %dma_wait3A_171 = tpu.memref_slice %arg3[%arg0, %dma_wait3A_169, %dma_wait3A_170] : memref<8x768x3072xf32, #tpu.memory_space<any>> -> memref<1x768x512xf32, #tpu.memory_space<any>>
    %dma_wait3A_172 = tpu.memref_squeeze %dma_wait3A_171 : memref<1x768x512xf32, #tpu.memory_space<any>> -> memref<768x512xf32, #tpu.memory_space<any>>
    tpu.wait_dma2 semaphore(%dma_wait3A_164 : memref<!tpu.dma_semaphore, #tpu.memory_space<semaphore_mem>>) src(%dma_wait3A_172 : memref<768x512xf32, #tpu.memory_space<any>>) dst(%dma_wait3A_168 : memref<768x512xf32, #tpu.memory_space<vmem>>)
    %dma_wait3A_173 = arith.constant 1 : i32
    %dma_wait3A_174 = arith.constant 1 : i32
    %dma_wait3A_175 = tpu.memref_slice %arg10[%dma_wait3A_174] : memref<2x!tpu.dma_semaphore, #tpu.memory_space<semaphore_mem>> -> memref<1x!tpu.dma_semaphore, #tpu.memory_space<semaphore_mem>>
    %dma_wait3A_176 = tpu.memref_squeeze %dma_wait3A_175 : memref<1x!tpu.dma_semaphore, #tpu.memory_space<semaphore_mem>> -> memref<!tpu.dma_semaphore, #tpu.memory_space<semaphore_mem>>
    %dma_wait3A_177 = arith.constant 0 : i32
    %dma_wait3A_178 = arith.constant 0 : i32
    %dma_wait3A_179 = tpu.memref_slice %arg8[%dma_wait3A_173, %dma_wait3A_177, %dma_wait3A_178] : memref<2x768x512xf32, #tpu.memory_space<vmem>> -> memref<1x768x512xf32, #tpu.memory_space<vmem>>
    %dma_wait3A_180 = tpu.memref_squeeze %dma_wait3A_179 : memref<1x768x512xf32, #tpu.memory_space<vmem>> -> memref<768x512xf32, #tpu.memory_space<vmem>>
    %dma_wait3A_181 = arith.constant 0 : i32
    %dma_wait3A_182 = arith.constant 512 : i32
    %dma_wait3A_183 = tpu.memref_slice %arg4[%arg0, %dma_wait3A_181, %dma_wait3A_182] : memref<8x768x3072xf32, #tpu.memory_space<any>> -> memref<1x768x512xf32, #tpu.memory_space<any>>
    %dma_wait3A_184 = tpu.memref_squeeze %dma_wait3A_183 : memref<1x768x512xf32, #tpu.memory_space<any>> -> memref<768x512xf32, #tpu.memory_space<any>>
    tpu.wait_dma2 semaphore(%dma_wait3A_176 : memref<!tpu.dma_semaphore, #tpu.memory_space<semaphore_mem>>) src(%dma_wait3A_184 : memref<768x512xf32, #tpu.memory_space<any>>) dst(%dma_wait3A_180 : memref<768x512xf32, #tpu.memory_space<vmem>>)
    %dma_wait3A_185 = arith.constant 1 : i32
    %dma_wait3A_186 = arith.constant 1 : i32
    %dma_wait3A_187 = tpu.memref_slice %arg10[%dma_wait3A_186] : memref<2x!tpu.dma_semaphore, #tpu.memory_space<semaphore_mem>> -> memref<1x!tpu.dma_semaphore, #tpu.memory_space<semaphore_mem>>
    %dma_wait3A_188 = tpu.memref_squeeze %dma_wait3A_187 : memref<1x!tpu.dma_semaphore, #tpu.memory_space<semaphore_mem>> -> memref<!tpu.dma_semaphore, #tpu.memory_space<semaphore_mem>>
    %dma_wait3A_189 = arith.constant 0 : i32
    %dma_wait3A_190 = arith.constant 0 : i32
    %dma_wait3A_191 = tpu.memref_slice %arg9[%dma_wait3A_185, %dma_wait3A_189, %dma_wait3A_190] : memref<2x512x768xf32, #tpu.memory_space<vmem>> -> memref<1x512x768xf32, #tpu.memory_space<vmem>>
    %dma_wait3A_192 = tpu.memref_squeeze %dma_wait3A_191 : memref<1x512x768xf32, #tpu.memory_space<vmem>> -> memref<512x768xf32, #tpu.memory_space<vmem>>
    %dma_wait3A_193 = arith.constant 512 : i32
    %dma_wait3A_194 = arith.constant 0 : i32
    %dma_wait3A_195 = tpu.memref_slice %arg5[%arg0, %dma_wait3A_193, %dma_wait3A_194] : memref<8x3072x768xf32, #tpu.memory_space<any>> -> memref<1x512x768xf32, #tpu.memory_space<any>>
    %dma_wait3A_196 = tpu.memref_squeeze %dma_wait3A_195 : memref<1x512x768xf32, #tpu.memory_space<any>> -> memref<512x768xf32, #tpu.memory_space<any>>
    tpu.wait_dma2 semaphore(%dma_wait3A_188 : memref<!tpu.dma_semaphore, #tpu.memory_space<semaphore_mem>>) src(%dma_wait3A_196 : memref<512x768xf32, #tpu.memory_space<any>>) dst(%dma_wait3A_192 : memref<512x768xf32, #tpu.memory_space<vmem>>)
    %lt3A_197 = arith.cmpi slt, %get3A_3, %get3A_7 : i32
    %convert_element_type3A_198 = arith.extui %lt3A_197 : i1 to i32
    %cond3A_199 = arith.constant 0 : i32
    %cond3A_200 = arith.cmpi ne, %convert_element_type3A_198, %cond3A_199 : i32
    scf.if %cond3A_200 {
      %while3A = arith.constant 0 : i32
      %while3A_476 = arith.subi %select_n3A_51, %select_n3A : i32
      %while3A_477 = arith.addi %select_n3A, %while3A_476 : i32
      %while3A_478 = arith.constant 1 : i32
      %while3A_479 = arith.divsi %while3A_476, %while3A_478 : i32
      %while3A_480 = arith.muli %while3A_479, %while3A_478 : i32
      %while3A_481 = arith.addi %select_n3A, %while3A_480 : i32
      %while3A_482 = arith.constant 1 : i32
      scf.for %while3A_484 = %select_n3A to %while3A_481 step %while3A_482  : i32 {
        %mul3A = arith.constant 256 : i32
        %mul3A_485 = arith.muli %while3A_484, %mul3A : i32
        %get3A_486 = arith.index_cast %mul3A_485 : i32 to index
        %get3A_487 = arith.constant 0 : index
        %get3A_488 = vector.load %arg2[%get3A_486, %get3A_487] : memref<4096x768xf32, #tpu.memory_space<vmem>>, vector<256x768xf32>
        %mul3A_489 = arith.constant 256 : i32
        %mul3A_490 = arith.muli %while3A_484, %mul3A_489 : i32
        %add3A_491 = vector.broadcast %mul3A_490 : i32 to vector<256x1xi32>
        %add3A_492 = arith.addi %add3A_491, %iota3A : vector<256x1xi32>
        %ge3A = vector.broadcast %get3A_3 : i32 to vector<256x1xi32>
        %ge3A_493 = arith.cmpi sge, %add3A_492, %ge3A : vector<256x1xi32>
        %lt3A_494 = vector.broadcast %get3A_7 : i32 to vector<256x1xi32>
        %lt3A_495 = arith.cmpi slt, %add3A_492, %lt3A_494 : vector<256x1xi32>
        %and3A_496 = arith.andi %ge3A_493, %lt3A_495 : vector<256x1xi1>
        %jit3A_497 = arith.constant 0.000000e+00 : f32
        %broadcast_in_dim3A = vector.shape_cast %and3A_496 : vector<256x1xi1> to vector<256x1xi1>
        %broadcast_in_dim3A_498 = vector.broadcast %broadcast_in_dim3A : vector<256x1xi1> to vector<256x768xi1>
        %broadcast_in_dim3A_499 = vector.broadcast %jit3A_497 : f32 to vector<256x768xf32>
        %select_n3A_500 = arith.select %broadcast_in_dim3A_498, %get3A_488, %broadcast_in_dim3A_499 : vector<256x768xi1>, vector<256x768xf32>
        %get3A_501 = arith.constant 1 : index
        %get3A_502 = arith.constant 0 : index
        %get3A_503 = arith.constant 0 : index
        %get3A_504 = vector.load %arg7[%get3A_501, %get3A_502, %get3A_503] : memref<2x768x512xf32, #tpu.memory_space<vmem>>, vector<1x768x512xf32>
        %get3A_505 = vector.shape_cast %get3A_504 : vector<1x768x512xf32> to vector<768x512xf32>
        %dot_general3A = arith.constant dense<0.000000e+00> : vector<256x512xf32>
        %dot_general3A_506 = tpu.matmul %select_n3A_500, %get3A_505, %dot_general3A {dimension_numbers = #tpu.dot_dimension_numbers<[1], [0], [0], [1], [0, 0, 1, 1], [], []>, transpose_lhs_hint = false} : vector<256x768xf32>, vector<768x512xf32>, vector<256x512xf32> -> vector<256x512xf32>
        %get3A_507 = arith.constant 1 : index
        %get3A_508 = arith.constant 0 : index
        %get3A_509 = arith.constant 0 : index
        %get3A_510 = vector.load %arg8[%get3A_507, %get3A_508, %get3A_509] : memref<2x768x512xf32, #tpu.memory_space<vmem>>, vector<1x768x512xf32>
        %get3A_511 = vector.shape_cast %get3A_510 : vector<1x768x512xf32> to vector<768x512xf32>
        %dot_general3A_512 = arith.constant dense<0.000000e+00> : vector<256x512xf32>
        %dot_general3A_513 = tpu.matmul %select_n3A_500, %get3A_511, %dot_general3A_512 {dimension_numbers = #tpu.dot_dimension_numbers<[1], [0], [0], [1], [0, 0, 1, 1], [], []>, transpose_lhs_hint = false} : vector<256x768xf32>, vector<768x512xf32>, vector<256x512xf32> -> vector<256x512xf32>
        %neg3A = arith.constant 0.000000e+00 : f32
        %neg3A_514 = vector.broadcast %neg3A : f32 to vector<256x512xf32>
        %neg3A_515 = arith.subf %neg3A_514, %dot_general3A_506 : vector<256x512xf32>
        %exp3A = math.exp %neg3A_515 : vector<256x512xf32>
        %add3A_516 = arith.constant 1.000000e+00 : f32
        %add3A_517 = vector.broadcast %add3A_516 : f32 to vector<256x512xf32>
        %add3A_518 = arith.addf %add3A_517, %exp3A : vector<256x512xf32>
        %div3A_519 = arith.divf %dot_general3A_506, %add3A_518 : vector<256x512xf32>
        %mul3A_520 = arith.mulf %div3A_519, %dot_general3A_513 : vector<256x512xf32>
        %get3A_521 = arith.constant 1 : index
        %get3A_522 = arith.constant 0 : index
        %get3A_523 = arith.constant 0 : index
        %get3A_524 = vector.load %arg9[%get3A_521, %get3A_522, %get3A_523] : memref<2x512x768xf32, #tpu.memory_space<vmem>>, vector<1x512x768xf32>
        %get3A_525 = vector.shape_cast %get3A_524 : vector<1x512x768xf32> to vector<512x768xf32>
        %dot_general3A_526 = arith.constant dense<0.000000e+00> : vector<256x768xf32>
        %dot_general3A_527 = tpu.matmul %mul3A_520, %get3A_525, %dot_general3A_526 {dimension_numbers = #tpu.dot_dimension_numbers<[1], [0], [0], [1], [0, 0, 1, 1], [], []>, transpose_lhs_hint = false} : vector<256x512xf32>, vector<512x768xf32>, vector<256x768xf32> -> vector<256x768xf32>
        %get3A_528 = arith.index_cast %mul3A_485 : i32 to index
        %get3A_529 = arith.constant 0 : index
        %get3A_530 = vector.load %arg6[%get3A_528, %get3A_529] : memref<4096x768xf32, #tpu.memory_space<vmem>>, vector<256x768xf32>
        %add3A_531 = arith.addf %get3A_530, %dot_general3A_527 : vector<256x768xf32>
        %swap3A = arith.index_cast %mul3A_485 : i32 to index
        %swap3A_532 = arith.constant 0 : index
        %swap3A_533 = vector.load %arg6[%swap3A, %swap3A_532] : memref<4096x768xf32, #tpu.memory_space<vmem>>, vector<256x768xf32>
        tpu.vector_store %arg6[%swap3A, %swap3A_532], %add3A_531 {strides = array<i32>} : memref<4096x768xf32, #tpu.memory_space<vmem>>, vector<256x768xf32>,
      }
      %while3A_483 = arith.constant 1 : i32
      scf.for %while3A_484 = %while3A_481 to %while3A_477 step %while3A_483  : i32 {
        %mul3A = arith.constant 256 : i32
        %mul3A_485 = arith.muli %while3A_484, %mul3A : i32
        %get3A_486 = arith.index_cast %mul3A_485 : i32 to index
        %get3A_487 = arith.constant 0 : index
        %get3A_488 = vector.load %arg2[%get3A_486, %get3A_487] : memref<4096x768xf32, #tpu.memory_space<vmem>>, vector<256x768xf32>
        %mul3A_489 = arith.constant 256 : i32
        %mul3A_490 = arith.muli %while3A_484, %mul3A_489 : i32
        %add3A_491 = vector.broadcast %mul3A_490 : i32 to vector<256x1xi32>
        %add3A_492 = arith.addi %add3A_491, %iota3A : vector<256x1xi32>
        %ge3A = vector.broadcast %get3A_3 : i32 to vector<256x1xi32>
        %ge3A_493 = arith.cmpi sge, %add3A_492, %ge3A : vector<256x1xi32>
        %lt3A_494 = vector.broadcast %get3A_7 : i32 to vector<256x1xi32>
        %lt3A_495 = arith.cmpi slt, %add3A_492, %lt3A_494 : vector<256x1xi32>
        %and3A_496 = arith.andi %ge3A_493, %lt3A_495 : vector<256x1xi1>
        %jit3A_497 = arith.constant 0.000000e+00 : f32
        %broadcast_in_dim3A = vector.shape_cast %and3A_496 : vector<256x1xi1> to vector<256x1xi1>
        %broadcast_in_dim3A_498 = vector.broadcast %broadcast_in_dim3A : vector<256x1xi1> to vector<256x768xi1>
        %broadcast_in_dim3A_499 = vector.broadcast %jit3A_497 : f32 to vector<256x768xf32>
        %select_n3A_500 = arith.select %broadcast_in_dim3A_498, %get3A_488, %broadcast_in_dim3A_499 : vector<256x768xi1>, vector<256x768xf32>
        %get3A_501 = arith.constant 1 : index
        %get3A_502 = arith.constant 0 : index
        %get3A_503 = arith.constant 0 : index
        %get3A_504 = vector.load %arg7[%get3A_501, %get3A_502, %get3A_503] : memref<2x768x512xf32, #tpu.memory_space<vmem>>, vector<1x768x512xf32>
        %get3A_505 = vector.shape_cast %get3A_504 : vector<1x768x512xf32> to vector<768x512xf32>
        %dot_general3A = arith.constant dense<0.000000e+00> : vector<256x512xf32>
        %dot_general3A_506 = tpu.matmul %select_n3A_500, %get3A_505, %dot_general3A {dimension_numbers = #tpu.dot_dimension_numbers<[1], [0], [0], [1], [0, 0, 1, 1], [], []>, transpose_lhs_hint = false} : vector<256x768xf32>, vector<768x512xf32>, vector<256x512xf32> -> vector<256x512xf32>
        %get3A_507 = arith.constant 1 : index
        %get3A_508 = arith.constant 0 : index
        %get3A_509 = arith.constant 0 : index
        %get3A_510 = vector.load %arg8[%get3A_507, %get3A_508, %get3A_509] : memref<2x768x512xf32, #tpu.memory_space<vmem>>, vector<1x768x512xf32>
        %get3A_511 = vector.shape_cast %get3A_510 : vector<1x768x512xf32> to vector<768x512xf32>
        %dot_general3A_512 = arith.constant dense<0.000000e+00> : vector<256x512xf32>
        %dot_general3A_513 = tpu.matmul %select_n3A_500, %get3A_511, %dot_general3A_512 {dimension_numbers = #tpu.dot_dimension_numbers<[1], [0], [0], [1], [0, 0, 1, 1], [], []>, transpose_lhs_hint = false} : vector<256x768xf32>, vector<768x512xf32>, vector<256x512xf32> -> vector<256x512xf32>
        %neg3A = arith.constant 0.000000e+00 : f32
        %neg3A_514 = vector.broadcast %neg3A : f32 to vector<256x512xf32>
        %neg3A_515 = arith.subf %neg3A_514, %dot_general3A_506 : vector<256x512xf32>
        %exp3A = math.exp %neg3A_515 : vector<256x512xf32>
        %add3A_516 = arith.constant 1.000000e+00 : f32
        %add3A_517 = vector.broadcast %add3A_516 : f32 to vector<256x512xf32>
        %add3A_518 = arith.addf %add3A_517, %exp3A : vector<256x512xf32>
        %div3A_519 = arith.divf %dot_general3A_506, %add3A_518 : vector<256x512xf32>
        %mul3A_520 = arith.mulf %div3A_519, %dot_general3A_513 : vector<256x512xf32>
        %get3A_521 = arith.constant 1 : index
        %get3A_522 = arith.constant 0 : index
        %get3A_523 = arith.constant 0 : index
        %get3A_524 = vector.load %arg9[%get3A_521, %get3A_522, %get3A_523] : memref<2x512x768xf32, #tpu.memory_space<vmem>>, vector<1x512x768xf32>
        %get3A_525 = vector.shape_cast %get3A_524 : vector<1x512x768xf32> to vector<512x768xf32>
        %dot_general3A_526 = arith.constant dense<0.000000e+00> : vector<256x768xf32>
        %dot_general3A_527 = tpu.matmul %mul3A_520, %get3A_525, %dot_general3A_526 {dimension_numbers = #tpu.dot_dimension_numbers<[1], [0], [0], [1], [0, 0, 1, 1], [], []>, transpose_lhs_hint = false} : vector<256x512xf32>, vector<512x768xf32>, vector<256x768xf32> -> vector<256x768xf32>
        %get3A_528 = arith.index_cast %mul3A_485 : i32 to index
        %get3A_529 = arith.constant 0 : index
        %get3A_530 = vector.load %arg6[%get3A_528, %get3A_529] : memref<4096x768xf32, #tpu.memory_space<vmem>>, vector<256x768xf32>
        %add3A_531 = arith.addf %get3A_530, %dot_general3A_527 : vector<256x768xf32>
        %swap3A = arith.index_cast %mul3A_485 : i32 to index
        %swap3A_532 = arith.constant 0 : index
        %swap3A_533 = vector.load %arg6[%swap3A, %swap3A_532] : memref<4096x768xf32, #tpu.memory_space<vmem>>, vector<256x768xf32>
        tpu.vector_store %arg6[%swap3A, %swap3A_532], %add3A_531 {strides = array<i32>} : memref<4096x768xf32, #tpu.memory_space<vmem>>, vector<256x768xf32>,
      }
    } else {
    }
    %dma_start3A_201 = arith.constant 1 : i32
    %dma_start3A_202 = arith.constant 1 : i32
    %dma_start3A_203 = tpu.memref_slice %arg10[%dma_start3A_202] : memref<2x!tpu.dma_semaphore, #tpu.memory_space<semaphore_mem>> -> memref<1x!tpu.dma_semaphore, #tpu.memory_space<semaphore_mem>>
    %dma_start3A_204 = tpu.memref_squeeze %dma_start3A_203 : memref<1x!tpu.dma_semaphore, #tpu.memory_space<semaphore_mem>> -> memref<!tpu.dma_semaphore, #tpu.memory_space<semaphore_mem>>
    %dma_start3A_205 = arith.constant 0 : i32
    %dma_start3A_206 = arith.constant 0 : i32
    %dma_start3A_207 = tpu.memref_slice %arg7[%dma_start3A_201, %dma_start3A_205, %dma_start3A_206] : memref<2x768x512xf32, #tpu.memory_space<vmem>> -> memref<1x768x512xf32, #tpu.memory_space<vmem>>
    %dma_start3A_208 = tpu.memref_squeeze %dma_start3A_207 : memref<1x768x512xf32, #tpu.memory_space<vmem>> -> memref<768x512xf32, #tpu.memory_space<vmem>>
    %dma_start3A_209 = arith.constant 0 : i32
    %dma_start3A_210 = arith.constant 1536 : i32
    %dma_start3A_211 = tpu.memref_slice %arg3[%arg0, %dma_start3A_209, %dma_start3A_210] : memref<8x768x3072xf32, #tpu.memory_space<any>> -> memref<1x768x512xf32, #tpu.memory_space<any>>
    %dma_start3A_212 = tpu.memref_squeeze %dma_start3A_211 : memref<1x768x512xf32, #tpu.memory_space<any>> -> memref<768x512xf32, #tpu.memory_space<any>>
    tpu.enqueue_dma source(%dma_start3A_212 : memref<768x512xf32, #tpu.memory_space<any>>) target(%dma_start3A_208 : memref<768x512xf32, #tpu.memory_space<vmem>>) target_semaphore(%dma_start3A_204 : memref<!tpu.dma_semaphore, #tpu.memory_space<semaphore_mem>>)
    %dma_start3A_213 = arith.constant 1 : i32
    %dma_start3A_214 = arith.constant 1 : i32
    %dma_start3A_215 = tpu.memref_slice %arg10[%dma_start3A_214] : memref<2x!tpu.dma_semaphore, #tpu.memory_space<semaphore_mem>> -> memref<1x!tpu.dma_semaphore, #tpu.memory_space<semaphore_mem>>
    %dma_start3A_216 = tpu.memref_squeeze %dma_start3A_215 : memref<1x!tpu.dma_semaphore, #tpu.memory_space<semaphore_mem>> -> memref<!tpu.dma_semaphore, #tpu.memory_space<semaphore_mem>>
    %dma_start3A_217 = arith.constant 0 : i32
    %dma_start3A_218 = arith.constant 0 : i32
    %dma_start3A_219 = tpu.memref_slice %arg8[%dma_start3A_213, %dma_start3A_217, %dma_start3A_218] : memref<2x768x512xf32, #tpu.memory_space<vmem>> -> memref<1x768x512xf32, #tpu.memory_space<vmem>>
    %dma_start3A_220 = tpu.memref_squeeze %dma_start3A_219 : memref<1x768x512xf32, #tpu.memory_space<vmem>> -> memref<768x512xf32, #tpu.memory_space<vmem>>
    %dma_start3A_221 = arith.constant 0 : i32
    %dma_start3A_222 = arith.constant 1536 : i32
    %dma_start3A_223 = tpu.memref_slice %arg4[%arg0, %dma_start3A_221, %dma_start3A_222] : memref<8x768x3072xf32, #tpu.memory_space<any>> -> memref<1x768x512xf32, #tpu.memory_space<any>>
    %dma_start3A_224 = tpu.memref_squeeze %dma_start3A_223 : memref<1x768x512xf32, #tpu.memory_space<any>> -> memref<768x512xf32, #tpu.memory_space<any>>
    tpu.enqueue_dma source(%dma_start3A_224 : memref<768x512xf32, #tpu.memory_space<any>>) target(%dma_start3A_220 : memref<768x512xf32, #tpu.memory_space<vmem>>) target_semaphore(%dma_start3A_216 : memref<!tpu.dma_semaphore, #tpu.memory_space<semaphore_mem>>)
    %dma_start3A_225 = arith.constant 1 : i32
    %dma_start3A_226 = arith.constant 1 : i32
    %dma_start3A_227 = tpu.memref_slice %arg10[%dma_start3A_226] : memref<2x!tpu.dma_semaphore, #tpu.memory_space<semaphore_mem>> -> memref<1x!tpu.dma_semaphore, #tpu.memory_space<semaphore_mem>>
    %dma_start3A_228 = tpu.memref_squeeze %dma_start3A_227 : memref<1x!tpu.dma_semaphore, #tpu.memory_space<semaphore_mem>> -> memref<!tpu.dma_semaphore, #tpu.memory_space<semaphore_mem>>
    %dma_start3A_229 = arith.constant 0 : i32
    %dma_start3A_230 = arith.constant 0 : i32
    %dma_start3A_231 = tpu.memref_slice %arg9[%dma_start3A_225, %dma_start3A_229, %dma_start3A_230] : memref<2x512x768xf32, #tpu.memory_space<vmem>> -> memref<1x512x768xf32, #tpu.memory_space<vmem>>
    %dma_start3A_232 = tpu.memref_squeeze %dma_start3A_231 : memref<1x512x768xf32, #tpu.memory_space<vmem>> -> memref<512x768xf32, #tpu.memory_space<vmem>>
    %dma_start3A_233 = arith.constant 1536 : i32
    %dma_start3A_234 = arith.constant 0 : i32
    %dma_start3A_235 = tpu.memref_slice %arg5[%arg0, %dma_start3A_233, %dma_start3A_234] : memref<8x3072x768xf32, #tpu.memory_space<any>> -> memref<1x512x768xf32, #tpu.memory_space<any>>
    %dma_start3A_236 = tpu.memref_squeeze %dma_start3A_235 : memref<1x512x768xf32, #tpu.memory_space<any>> -> memref<512x768xf32, #tpu.memory_space<any>>
    tpu.enqueue_dma source(%dma_start3A_236 : memref<512x768xf32, #tpu.memory_space<any>>) target(%dma_start3A_232 : memref<512x768xf32, #tpu.memory_space<vmem>>) target_semaphore(%dma_start3A_228 : memref<!tpu.dma_semaphore, #tpu.memory_space<semaphore_mem>>)
    %dma_wait3A_237 = arith.constant 0 : i32
    %dma_wait3A_238 = arith.constant 0 : i32
    %dma_wait3A_239 = tpu.memref_slice %arg10[%dma_wait3A_238] : memref<2x!tpu.dma_semaphore, #tpu.memory_space<semaphore_mem>> -> memref<1x!tpu.dma_semaphore, #tpu.memory_space<semaphore_mem>>
    %dma_wait3A_240 = tpu.memref_squeeze %dma_wait3A_239 : memref<1x!tpu.dma_semaphore, #tpu.memory_space<semaphore_mem>> -> memref<!tpu.dma_semaphore, #tpu.memory_space<semaphore_mem>>
    %dma_wait3A_241 = arith.constant 0 : i32
    %dma_wait3A_242 = arith.constant 0 : i32
    %dma_wait3A_243 = tpu.memref_slice %arg7[%dma_wait3A_237, %dma_wait3A_241, %dma_wait3A_242] : memref<2x768x512xf32, #tpu.memory_space<vmem>> -> memref<1x768x512xf32, #tpu.memory_space<vmem>>
    %dma_wait3A_244 = tpu.memref_squeeze %dma_wait3A_243 : memref<1x768x512xf32, #tpu.memory_space<vmem>> -> memref<768x512xf32, #tpu.memory_space<vmem>>
    %dma_wait3A_245 = arith.constant 0 : i32
    %dma_wait3A_246 = arith.constant 1024 : i32
    %dma_wait3A_247 = tpu.memref_slice %arg3[%arg0, %dma_wait3A_245, %dma_wait3A_246] : memref<8x768x3072xf32, #tpu.memory_space<any>> -> memref<1x768x512xf32, #tpu.memory_space<any>>
    %dma_wait3A_248 = tpu.memref_squeeze %dma_wait3A_247 : memref<1x768x512xf32, #tpu.memory_space<any>> -> memref<768x512xf32, #tpu.memory_space<any>>
    tpu.wait_dma2 semaphore(%dma_wait3A_240 : memref<!tpu.dma_semaphore, #tpu.memory_space<semaphore_mem>>) src(%dma_wait3A_248 : memref<768x512xf32, #tpu.memory_space<any>>) dst(%dma_wait3A_244 : memref<768x512xf32, #tpu.memory_space<vmem>>)
    %dma_wait3A_249 = arith.constant 0 : i32
    %dma_wait3A_250 = arith.constant 0 : i32
    %dma_wait3A_251 = tpu.memref_slice %arg10[%dma_wait3A_250] : memref<2x!tpu.dma_semaphore, #tpu.memory_space<semaphore_mem>> -> memref<1x!tpu.dma_semaphore, #tpu.memory_space<semaphore_mem>>
    %dma_wait3A_252 = tpu.memref_squeeze %dma_wait3A_251 : memref<1x!tpu.dma_semaphore, #tpu.memory_space<semaphore_mem>> -> memref<!tpu.dma_semaphore, #tpu.memory_space<semaphore_mem>>
    %dma_wait3A_253 = arith.constant 0 : i32
    %dma_wait3A_254 = arith.constant 0 : i32
    %dma_wait3A_255 = tpu.memref_slice %arg8[%dma_wait3A_249, %dma_wait3A_253, %dma_wait3A_254] : memref<2x768x512xf32, #tpu.memory_space<vmem>> -> memref<1x768x512xf32, #tpu.memory_space<vmem>>
    %dma_wait3A_256 = tpu.memref_squeeze %dma_wait3A_255 : memref<1x768x512xf32, #tpu.memory_space<vmem>> -> memref<768x512xf32, #tpu.memory_space<vmem>>
    %dma_wait3A_257 = arith.constant 0 : i32
    %dma_wait3A_258 = arith.constant 1024 : i32
    %dma_wait3A_259 = tpu.memref_slice %arg4[%arg0, %dma_wait3A_257, %dma_wait3A_258] : memref<8x768x3072xf32, #tpu.memory_space<any>> -> memref<1x768x512xf32, #tpu.memory_space<any>>
    %dma_wait3A_260 = tpu.memref_squeeze %dma_wait3A_259 : memref<1x768x512xf32, #tpu.memory_space<any>> -> memref<768x512xf32, #tpu.memory_space<any>>
    tpu.wait_dma2 semaphore(%dma_wait3A_252 : memref<!tpu.dma_semaphore, #tpu.memory_space<semaphore_mem>>) src(%dma_wait3A_260 : memref<768x512xf32, #tpu.memory_space<any>>) dst(%dma_wait3A_256 : memref<768x512xf32, #tpu.memory_space<vmem>>)
    %dma_wait3A_261 = arith.constant 0 : i32
    %dma_wait3A_262 = arith.constant 0 : i32
    %dma_wait3A_263 = tpu.memref_slice %arg10[%dma_wait3A_262] : memref<2x!tpu.dma_semaphore, #tpu.memory_space<semaphore_mem>> -> memref<1x!tpu.dma_semaphore, #tpu.memory_space<semaphore_mem>>
    %dma_wait3A_264 = tpu.memref_squeeze %dma_wait3A_263 : memref<1x!tpu.dma_semaphore, #tpu.memory_space<semaphore_mem>> -> memref<!tpu.dma_semaphore, #tpu.memory_space<semaphore_mem>>
    %dma_wait3A_265 = arith.constant 0 : i32
    %dma_wait3A_266 = arith.constant 0 : i32
    %dma_wait3A_267 = tpu.memref_slice %arg9[%dma_wait3A_261, %dma_wait3A_265, %dma_wait3A_266] : memref<2x512x768xf32, #tpu.memory_space<vmem>> -> memref<1x512x768xf32, #tpu.memory_space<vmem>>
    %dma_wait3A_268 = tpu.memref_squeeze %dma_wait3A_267 : memref<1x512x768xf32, #tpu.memory_space<vmem>> -> memref<512x768xf32, #tpu.memory_space<vmem>>
    %dma_wait3A_269 = arith.constant 1024 : i32
    %dma_wait3A_270 = arith.constant 0 : i32
    %dma_wait3A_271 = tpu.memref_slice %arg5[%arg0, %dma_wait3A_269, %dma_wait3A_270] : memref<8x3072x768xf32, #tpu.memory_space<any>> -> memref<1x512x768xf32, #tpu.memory_space<any>>
    %dma_wait3A_272 = tpu.memref_squeeze %dma_wait3A_271 : memref<1x512x768xf32, #tpu.memory_space<any>> -> memref<512x768xf32, #tpu.memory_space<any>>
    tpu.wait_dma2 semaphore(%dma_wait3A_264 : memref<!tpu.dma_semaphore, #tpu.memory_space<semaphore_mem>>) src(%dma_wait3A_272 : memref<512x768xf32, #tpu.memory_space<any>>) dst(%dma_wait3A_268 : memref<512x768xf32, #tpu.memory_space<vmem>>)
    %lt3A_273 = arith.cmpi slt, %get3A_3, %get3A_7 : i32
    %convert_element_type3A_274 = arith.extui %lt3A_273 : i1 to i32
    %cond3A_275 = arith.constant 0 : i32
    %cond3A_276 = arith.cmpi ne, %convert_element_type3A_274, %cond3A_275 : i32
    scf.if %cond3A_276 {
      %while3A = arith.constant 0 : i32
      %while3A_476 = arith.subi %select_n3A_51, %select_n3A : i32
      %while3A_477 = arith.addi %select_n3A, %while3A_476 : i32
      %while3A_478 = arith.constant 1 : i32
      %while3A_479 = arith.divsi %while3A_476, %while3A_478 : i32
      %while3A_480 = arith.muli %while3A_479, %while3A_478 : i32
      %while3A_481 = arith.addi %select_n3A, %while3A_480 : i32
      %while3A_482 = arith.constant 1 : i32
      scf.for %while3A_484 = %select_n3A to %while3A_481 step %while3A_482  : i32 {
        %mul3A = arith.constant 256 : i32
        %mul3A_485 = arith.muli %while3A_484, %mul3A : i32
        %get3A_486 = arith.index_cast %mul3A_485 : i32 to index
        %get3A_487 = arith.constant 0 : index
        %get3A_488 = vector.load %arg2[%get3A_486, %get3A_487] : memref<4096x768xf32, #tpu.memory_space<vmem>>, vector<256x768xf32>
        %mul3A_489 = arith.constant 256 : i32
        %mul3A_490 = arith.muli %while3A_484, %mul3A_489 : i32
        %add3A_491 = vector.broadcast %mul3A_490 : i32 to vector<256x1xi32>
        %add3A_492 = arith.addi %add3A_491, %iota3A : vector<256x1xi32>
        %ge3A = vector.broadcast %get3A_3 : i32 to vector<256x1xi32>
        %ge3A_493 = arith.cmpi sge, %add3A_492, %ge3A : vector<256x1xi32>
        %lt3A_494 = vector.broadcast %get3A_7 : i32 to vector<256x1xi32>
        %lt3A_495 = arith.cmpi slt, %add3A_492, %lt3A_494 : vector<256x1xi32>
        %and3A_496 = arith.andi %ge3A_493, %lt3A_495 : vector<256x1xi1>
        %jit3A_497 = arith.constant 0.000000e+00 : f32
        %broadcast_in_dim3A = vector.shape_cast %and3A_496 : vector<256x1xi1> to vector<256x1xi1>
        %broadcast_in_dim3A_498 = vector.broadcast %broadcast_in_dim3A : vector<256x1xi1> to vector<256x768xi1>
        %broadcast_in_dim3A_499 = vector.broadcast %jit3A_497 : f32 to vector<256x768xf32>
        %select_n3A_500 = arith.select %broadcast_in_dim3A_498, %get3A_488, %broadcast_in_dim3A_499 : vector<256x768xi1>, vector<256x768xf32>
        %get3A_501 = arith.constant 0 : index
        %get3A_502 = arith.constant 0 : index
        %get3A_503 = arith.constant 0 : index
        %get3A_504 = vector.load %arg7[%get3A_501, %get3A_502, %get3A_503] : memref<2x768x512xf32, #tpu.memory_space<vmem>>, vector<1x768x512xf32>
        %get3A_505 = vector.shape_cast %get3A_504 : vector<1x768x512xf32> to vector<768x512xf32>
        %dot_general3A = arith.constant dense<0.000000e+00> : vector<256x512xf32>
        %dot_general3A_506 = tpu.matmul %select_n3A_500, %get3A_505, %dot_general3A {dimension_numbers = #tpu.dot_dimension_numbers<[1], [0], [0], [1], [0, 0, 1, 1], [], []>, transpose_lhs_hint = false} : vector<256x768xf32>, vector<768x512xf32>, vector<256x512xf32> -> vector<256x512xf32>
        %get3A_507 = arith.constant 0 : index
        %get3A_508 = arith.constant 0 : index
        %get3A_509 = arith.constant 0 : index
        %get3A_510 = vector.load %arg8[%get3A_507, %get3A_508, %get3A_509] : memref<2x768x512xf32, #tpu.memory_space<vmem>>, vector<1x768x512xf32>
        %get3A_511 = vector.shape_cast %get3A_510 : vector<1x768x512xf32> to vector<768x512xf32>
        %dot_general3A_512 = arith.constant dense<0.000000e+00> : vector<256x512xf32>
        %dot_general3A_513 = tpu.matmul %select_n3A_500, %get3A_511, %dot_general3A_512 {dimension_numbers = #tpu.dot_dimension_numbers<[1], [0], [0], [1], [0, 0, 1, 1], [], []>, transpose_lhs_hint = false} : vector<256x768xf32>, vector<768x512xf32>, vector<256x512xf32> -> vector<256x512xf32>
        %neg3A = arith.constant 0.000000e+00 : f32
        %neg3A_514 = vector.broadcast %neg3A : f32 to vector<256x512xf32>
        %neg3A_515 = arith.subf %neg3A_514, %dot_general3A_506 : vector<256x512xf32>
        %exp3A = math.exp %neg3A_515 : vector<256x512xf32>
        %add3A_516 = arith.constant 1.000000e+00 : f32
        %add3A_517 = vector.broadcast %add3A_516 : f32 to vector<256x512xf32>
        %add3A_518 = arith.addf %add3A_517, %exp3A : vector<256x512xf32>
        %div3A_519 = arith.divf %dot_general3A_506, %add3A_518 : vector<256x512xf32>
        %mul3A_520 = arith.mulf %div3A_519, %dot_general3A_513 : vector<256x512xf32>
        %get3A_521 = arith.constant 0 : index
        %get3A_522 = arith.constant 0 : index
        %get3A_523 = arith.constant 0 : index
        %get3A_524 = vector.load %arg9[%get3A_521, %get3A_522, %get3A_523] : memref<2x512x768xf32, #tpu.memory_space<vmem>>, vector<1x512x768xf32>
        %get3A_525 = vector.shape_cast %get3A_524 : vector<1x512x768xf32> to vector<512x768xf32>
        %dot_general3A_526 = arith.constant dense<0.000000e+00> : vector<256x768xf32>
        %dot_general3A_527 = tpu.matmul %mul3A_520, %get3A_525, %dot_general3A_526 {dimension_numbers = #tpu.dot_dimension_numbers<[1], [0], [0], [1], [0, 0, 1, 1], [], []>, transpose_lhs_hint = false} : vector<256x512xf32>, vector<512x768xf32>, vector<256x768xf32> -> vector<256x768xf32>
        %get3A_528 = arith.index_cast %mul3A_485 : i32 to index
        %get3A_529 = arith.constant 0 : index
        %get3A_530 = vector.load %arg6[%get3A_528, %get3A_529] : memref<4096x768xf32, #tpu.memory_space<vmem>>, vector<256x768xf32>
        %add3A_531 = arith.addf %get3A_530, %dot_general3A_527 : vector<256x768xf32>
        %swap3A = arith.index_cast %mul3A_485 : i32 to index
        %swap3A_532 = arith.constant 0 : index
        %swap3A_533 = vector.load %arg6[%swap3A, %swap3A_532] : memref<4096x768xf32, #tpu.memory_space<vmem>>, vector<256x768xf32>
        tpu.vector_store %arg6[%swap3A, %swap3A_532], %add3A_531 {strides = array<i32>} : memref<4096x768xf32, #tpu.memory_space<vmem>>, vector<256x768xf32>,
      }
      %while3A_483 = arith.constant 1 : i32
      scf.for %while3A_484 = %while3A_481 to %while3A_477 step %while3A_483  : i32 {
        %mul3A = arith.constant 256 : i32
        %mul3A_485 = arith.muli %while3A_484, %mul3A : i32
        %get3A_486 = arith.index_cast %mul3A_485 : i32 to index
        %get3A_487 = arith.constant 0 : index
        %get3A_488 = vector.load %arg2[%get3A_486, %get3A_487] : memref<4096x768xf32, #tpu.memory_space<vmem>>, vector<256x768xf32>
        %mul3A_489 = arith.constant 256 : i32
        %mul3A_490 = arith.muli %while3A_484, %mul3A_489 : i32
        %add3A_491 = vector.broadcast %mul3A_490 : i32 to vector<256x1xi32>
        %add3A_492 = arith.addi %add3A_491, %iota3A : vector<256x1xi32>
        %ge3A = vector.broadcast %get3A_3 : i32 to vector<256x1xi32>
        %ge3A_493 = arith.cmpi sge, %add3A_492, %ge3A : vector<256x1xi32>
        %lt3A_494 = vector.broadcast %get3A_7 : i32 to vector<256x1xi32>
        %lt3A_495 = arith.cmpi slt, %add3A_492, %lt3A_494 : vector<256x1xi32>
        %and3A_496 = arith.andi %ge3A_493, %lt3A_495 : vector<256x1xi1>
        %jit3A_497 = arith.constant 0.000000e+00 : f32
        %broadcast_in_dim3A = vector.shape_cast %and3A_496 : vector<256x1xi1> to vector<256x1xi1>
        %broadcast_in_dim3A_498 = vector.broadcast %broadcast_in_dim3A : vector<256x1xi1> to vector<256x768xi1>
        %broadcast_in_dim3A_499 = vector.broadcast %jit3A_497 : f32 to vector<256x768xf32>
        %select_n3A_500 = arith.select %broadcast_in_dim3A_498, %get3A_488, %broadcast_in_dim3A_499 : vector<256x768xi1>, vector<256x768xf32>
        %get3A_501 = arith.constant 0 : index
        %get3A_502 = arith.constant 0 : index
        %get3A_503 = arith.constant 0 : index
        %get3A_504 = vector.load %arg7[%get3A_501, %get3A_502, %get3A_503] : memref<2x768x512xf32, #tpu.memory_space<vmem>>, vector<1x768x512xf32>
        %get3A_505 = vector.shape_cast %get3A_504 : vector<1x768x512xf32> to vector<768x512xf32>
        %dot_general3A = arith.constant dense<0.000000e+00> : vector<256x512xf32>
        %dot_general3A_506 = tpu.matmul %select_n3A_500, %get3A_505, %dot_general3A {dimension_numbers = #tpu.dot_dimension_numbers<[1], [0], [0], [1], [0, 0, 1, 1], [], []>, transpose_lhs_hint = false} : vector<256x768xf32>, vector<768x512xf32>, vector<256x512xf32> -> vector<256x512xf32>
        %get3A_507 = arith.constant 0 : index
        %get3A_508 = arith.constant 0 : index
        %get3A_509 = arith.constant 0 : index
        %get3A_510 = vector.load %arg8[%get3A_507, %get3A_508, %get3A_509] : memref<2x768x512xf32, #tpu.memory_space<vmem>>, vector<1x768x512xf32>
        %get3A_511 = vector.shape_cast %get3A_510 : vector<1x768x512xf32> to vector<768x512xf32>
        %dot_general3A_512 = arith.constant dense<0.000000e+00> : vector<256x512xf32>
        %dot_general3A_513 = tpu.matmul %select_n3A_500, %get3A_511, %dot_general3A_512 {dimension_numbers = #tpu.dot_dimension_numbers<[1], [0], [0], [1], [0, 0, 1, 1], [], []>, transpose_lhs_hint = false} : vector<256x768xf32>, vector<768x512xf32>, vector<256x512xf32> -> vector<256x512xf32>
        %neg3A = arith.constant 0.000000e+00 : f32
        %neg3A_514 = vector.broadcast %neg3A : f32 to vector<256x512xf32>
        %neg3A_515 = arith.subf %neg3A_514, %dot_general3A_506 : vector<256x512xf32>
        %exp3A = math.exp %neg3A_515 : vector<256x512xf32>
        %add3A_516 = arith.constant 1.000000e+00 : f32
        %add3A_517 = vector.broadcast %add3A_516 : f32 to vector<256x512xf32>
        %add3A_518 = arith.addf %add3A_517, %exp3A : vector<256x512xf32>
        %div3A_519 = arith.divf %dot_general3A_506, %add3A_518 : vector<256x512xf32>
        %mul3A_520 = arith.mulf %div3A_519, %dot_general3A_513 : vector<256x512xf32>
        %get3A_521 = arith.constant 0 : index
        %get3A_522 = arith.constant 0 : index
        %get3A_523 = arith.constant 0 : index
        %get3A_524 = vector.load %arg9[%get3A_521, %get3A_522, %get3A_523] : memref<2x512x768xf32, #tpu.memory_space<vmem>>, vector<1x512x768xf32>
        %get3A_525 = vector.shape_cast %get3A_524 : vector<1x512x768xf32> to vector<512x768xf32>
        %dot_general3A_526 = arith.constant dense<0.000000e+00> : vector<256x768xf32>
        %dot_general3A_527 = tpu.matmul %mul3A_520, %get3A_525, %dot_general3A_526 {dimension_numbers = #tpu.dot_dimension_numbers<[1], [0], [0], [1], [0, 0, 1, 1], [], []>, transpose_lhs_hint = false} : vector<256x512xf32>, vector<512x768xf32>, vector<256x768xf32> -> vector<256x768xf32>
        %get3A_528 = arith.index_cast %mul3A_485 : i32 to index
        %get3A_529 = arith.constant 0 : index
        %get3A_530 = vector.load %arg6[%get3A_528, %get3A_529] : memref<4096x768xf32, #tpu.memory_space<vmem>>, vector<256x768xf32>
        %add3A_531 = arith.addf %get3A_530, %dot_general3A_527 : vector<256x768xf32>
        %swap3A = arith.index_cast %mul3A_485 : i32 to index
        %swap3A_532 = arith.constant 0 : index
        %swap3A_533 = vector.load %arg6[%swap3A, %swap3A_532] : memref<4096x768xf32, #tpu.memory_space<vmem>>, vector<256x768xf32>
        tpu.vector_store %arg6[%swap3A, %swap3A_532], %add3A_531 {strides = array<i32>} : memref<4096x768xf32, #tpu.memory_space<vmem>>, vector<256x768xf32>,
      }
    } else {
    }
    %dma_start3A_277 = arith.constant 0 : i32
    %dma_start3A_278 = arith.constant 0 : i32
    %dma_start3A_279 = tpu.memref_slice %arg10[%dma_start3A_278] : memref<2x!tpu.dma_semaphore, #tpu.memory_space<semaphore_mem>> -> memref<1x!tpu.dma_semaphore, #tpu.memory_space<semaphore_mem>>
    %dma_start3A_280 = tpu.memref_squeeze %dma_start3A_279 : memref<1x!tpu.dma_semaphore, #tpu.memory_space<semaphore_mem>> -> memref<!tpu.dma_semaphore, #tpu.memory_space<semaphore_mem>>
    %dma_start3A_281 = arith.constant 0 : i32
    %dma_start3A_282 = arith.constant 0 : i32
    %dma_start3A_283 = tpu.memref_slice %arg7[%dma_start3A_277, %dma_start3A_281, %dma_start3A_282] : memref<2x768x512xf32, #tpu.memory_space<vmem>> -> memref<1x768x512xf32, #tpu.memory_space<vmem>>
    %dma_start3A_284 = tpu.memref_squeeze %dma_start3A_283 : memref<1x768x512xf32, #tpu.memory_space<vmem>> -> memref<768x512xf32, #tpu.memory_space<vmem>>
    %dma_start3A_285 = arith.constant 0 : i32
    %dma_start3A_286 = arith.constant 2048 : i32
    %dma_start3A_287 = tpu.memref_slice %arg3[%arg0, %dma_start3A_285, %dma_start3A_286] : memref<8x768x3072xf32, #tpu.memory_space<any>> -> memref<1x768x512xf32, #tpu.memory_space<any>>
    %dma_start3A_288 = tpu.memref_squeeze %dma_start3A_287 : memref<1x768x512xf32, #tpu.memory_space<any>> -> memref<768x512xf32, #tpu.memory_space<any>>
    tpu.enqueue_dma source(%dma_start3A_288 : memref<768x512xf32, #tpu.memory_space<any>>) target(%dma_start3A_284 : memref<768x512xf32, #tpu.memory_space<vmem>>) target_semaphore(%dma_start3A_280 : memref<!tpu.dma_semaphore, #tpu.memory_space<semaphore_mem>>)
    %dma_start3A_289 = arith.constant 0 : i32
    %dma_start3A_290 = arith.constant 0 : i32
    %dma_start3A_291 = tpu.memref_slice %arg10[%dma_start3A_290] : memref<2x!tpu.dma_semaphore, #tpu.memory_space<semaphore_mem>> -> memref<1x!tpu.dma_semaphore, #tpu.memory_space<semaphore_mem>>
    %dma_start3A_292 = tpu.memref_squeeze %dma_start3A_291 : memref<1x!tpu.dma_semaphore, #tpu.memory_space<semaphore_mem>> -> memref<!tpu.dma_semaphore, #tpu.memory_space<semaphore_mem>>
    %dma_start3A_293 = arith.constant 0 : i32
    %dma_start3A_294 = arith.constant 0 : i32
    %dma_start3A_295 = tpu.memref_slice %arg8[%dma_start3A_289, %dma_start3A_293, %dma_start3A_294] : memref<2x768x512xf32, #tpu.memory_space<vmem>> -> memref<1x768x512xf32, #tpu.memory_space<vmem>>
    %dma_start3A_296 = tpu.memref_squeeze %dma_start3A_295 : memref<1x768x512xf32, #tpu.memory_space<vmem>> -> memref<768x512xf32, #tpu.memory_space<vmem>>
    %dma_start3A_297 = arith.constant 0 : i32
    %dma_start3A_298 = arith.constant 2048 : i32
    %dma_start3A_299 = tpu.memref_slice %arg4[%arg0, %dma_start3A_297, %dma_start3A_298] : memref<8x768x3072xf32, #tpu.memory_space<any>> -> memref<1x768x512xf32, #tpu.memory_space<any>>
    %dma_start3A_300 = tpu.memref_squeeze %dma_start3A_299 : memref<1x768x512xf32, #tpu.memory_space<any>> -> memref<768x512xf32, #tpu.memory_space<any>>
    tpu.enqueue_dma source(%dma_start3A_300 : memref<768x512xf32, #tpu.memory_space<any>>) target(%dma_start3A_296 : memref<768x512xf32, #tpu.memory_space<vmem>>) target_semaphore(%dma_start3A_292 : memref<!tpu.dma_semaphore, #tpu.memory_space<semaphore_mem>>)
    %dma_start3A_301 = arith.constant 0 : i32
    %dma_start3A_302 = arith.constant 0 : i32
    %dma_start3A_303 = tpu.memref_slice %arg10[%dma_start3A_302] : memref<2x!tpu.dma_semaphore, #tpu.memory_space<semaphore_mem>> -> memref<1x!tpu.dma_semaphore, #tpu.memory_space<semaphore_mem>>
    %dma_start3A_304 = tpu.memref_squeeze %dma_start3A_303 : memref<1x!tpu.dma_semaphore, #tpu.memory_space<semaphore_mem>> -> memref<!tpu.dma_semaphore, #tpu.memory_space<semaphore_mem>>
    %dma_start3A_305 = arith.constant 0 : i32
    %dma_start3A_306 = arith.constant 0 : i32
    %dma_start3A_307 = tpu.memref_slice %arg9[%dma_start3A_301, %dma_start3A_305, %dma_start3A_306] : memref<2x512x768xf32, #tpu.memory_space<vmem>> -> memref<1x512x768xf32, #tpu.memory_space<vmem>>
    %dma_start3A_308 = tpu.memref_squeeze %dma_start3A_307 : memref<1x512x768xf32, #tpu.memory_space<vmem>> -> memref<512x768xf32, #tpu.memory_space<vmem>>
    %dma_start3A_309 = arith.constant 2048 : i32
    %dma_start3A_310 = arith.constant 0 : i32
    %dma_start3A_311 = tpu.memref_slice %arg5[%arg0, %dma_start3A_309, %dma_start3A_310] : memref<8x3072x768xf32, #tpu.memory_space<any>> -> memref<1x512x768xf32, #tpu.memory_space<any>>
    %dma_start3A_312 = tpu.memref_squeeze %dma_start3A_311 : memref<1x512x768xf32, #tpu.memory_space<any>> -> memref<512x768xf32, #tpu.memory_space<any>>
    tpu.enqueue_dma source(%dma_start3A_312 : memref<512x768xf32, #tpu.memory_space<any>>) target(%dma_start3A_308 : memref<512x768xf32, #tpu.memory_space<vmem>>) target_semaphore(%dma_start3A_304 : memref<!tpu.dma_semaphore, #tpu.memory_space<semaphore_mem>>)
    %dma_wait3A_313 = arith.constant 1 : i32
    %dma_wait3A_314 = arith.constant 1 : i32
    %dma_wait3A_315 = tpu.memref_slice %arg10[%dma_wait3A_314] : memref<2x!tpu.dma_semaphore, #tpu.memory_space<semaphore_mem>> -> memref<1x!tpu.dma_semaphore, #tpu.memory_space<semaphore_mem>>
    %dma_wait3A_316 = tpu.memref_squeeze %dma_wait3A_315 : memref<1x!tpu.dma_semaphore, #tpu.memory_space<semaphore_mem>> -> memref<!tpu.dma_semaphore, #tpu.memory_space<semaphore_mem>>
    %dma_wait3A_317 = arith.constant 0 : i32
    %dma_wait3A_318 = arith.constant 0 : i32
    %dma_wait3A_319 = tpu.memref_slice %arg7[%dma_wait3A_313, %dma_wait3A_317, %dma_wait3A_318] : memref<2x768x512xf32, #tpu.memory_space<vmem>> -> memref<1x768x512xf32, #tpu.memory_space<vmem>>
    %dma_wait3A_320 = tpu.memref_squeeze %dma_wait3A_319 : memref<1x768x512xf32, #tpu.memory_space<vmem>> -> memref<768x512xf32, #tpu.memory_space<vmem>>
    %dma_wait3A_321 = arith.constant 0 : i32
    %dma_wait3A_322 = arith.constant 1536 : i32
    %dma_wait3A_323 = tpu.memref_slice %arg3[%arg0, %dma_wait3A_321, %dma_wait3A_322] : memref<8x768x3072xf32, #tpu.memory_space<any>> -> memref<1x768x512xf32, #tpu.memory_space<any>>
    %dma_wait3A_324 = tpu.memref_squeeze %dma_wait3A_323 : memref<1x768x512xf32, #tpu.memory_space<any>> -> memref<768x512xf32, #tpu.memory_space<any>>
    tpu.wait_dma2 semaphore(%dma_wait3A_316 : memref<!tpu.dma_semaphore, #tpu.memory_space<semaphore_mem>>) src(%dma_wait3A_324 : memref<768x512xf32, #tpu.memory_space<any>>) dst(%dma_wait3A_320 : memref<768x512xf32, #tpu.memory_space<vmem>>)
    %dma_wait3A_325 = arith.constant 1 : i32
    %dma_wait3A_326 = arith.constant 1 : i32
    %dma_wait3A_327 = tpu.memref_slice %arg10[%dma_wait3A_326] : memref<2x!tpu.dma_semaphore, #tpu.memory_space<semaphore_mem>> -> memref<1x!tpu.dma_semaphore, #tpu.memory_space<semaphore_mem>>
    %dma_wait3A_328 = tpu.memref_squeeze %dma_wait3A_327 : memref<1x!tpu.dma_semaphore, #tpu.memory_space<semaphore_mem>> -> memref<!tpu.dma_semaphore, #tpu.memory_space<semaphore_mem>>
    %dma_wait3A_329 = arith.constant 0 : i32
    %dma_wait3A_330 = arith.constant 0 : i32
    %dma_wait3A_331 = tpu.memref_slice %arg8[%dma_wait3A_325, %dma_wait3A_329, %dma_wait3A_330] : memref<2x768x512xf32, #tpu.memory_space<vmem>> -> memref<1x768x512xf32, #tpu.memory_space<vmem>>
    %dma_wait3A_332 = tpu.memref_squeeze %dma_wait3A_331 : memref<1x768x512xf32, #tpu.memory_space<vmem>> -> memref<768x512xf32, #tpu.memory_space<vmem>>
    %dma_wait3A_333 = arith.constant 0 : i32
    %dma_wait3A_334 = arith.constant 1536 : i32
    %dma_wait3A_335 = tpu.memref_slice %arg4[%arg0, %dma_wait3A_333, %dma_wait3A_334] : memref<8x768x3072xf32, #tpu.memory_space<any>> -> memref<1x768x512xf32, #tpu.memory_space<any>>
    %dma_wait3A_336 = tpu.memref_squeeze %dma_wait3A_335 : memref<1x768x512xf32, #tpu.memory_space<any>> -> memref<768x512xf32, #tpu.memory_space<any>>
    tpu.wait_dma2 semaphore(%dma_wait3A_328 : memref<!tpu.dma_semaphore, #tpu.memory_space<semaphore_mem>>) src(%dma_wait3A_336 : memref<768x512xf32, #tpu.memory_space<any>>) dst(%dma_wait3A_332 : memref<768x512xf32, #tpu.memory_space<vmem>>)
    %dma_wait3A_337 = arith.constant 1 : i32
    %dma_wait3A_338 = arith.constant 1 : i32
    %dma_wait3A_339 = tpu.memref_slice %arg10[%dma_wait3A_338] : memref<2x!tpu.dma_semaphore, #tpu.memory_space<semaphore_mem>> -> memref<1x!tpu.dma_semaphore, #tpu.memory_space<semaphore_mem>>
    %dma_wait3A_340 = tpu.memref_squeeze %dma_wait3A_339 : memref<1x!tpu.dma_semaphore, #tpu.memory_space<semaphore_mem>> -> memref<!tpu.dma_semaphore, #tpu.memory_space<semaphore_mem>>
    %dma_wait3A_341 = arith.constant 0 : i32
    %dma_wait3A_342 = arith.constant 0 : i32
    %dma_wait3A_343 = tpu.memref_slice %arg9[%dma_wait3A_337, %dma_wait3A_341, %dma_wait3A_342] : memref<2x512x768xf32, #tpu.memory_space<vmem>> -> memref<1x512x768xf32, #tpu.memory_space<vmem>>
    %dma_wait3A_344 = tpu.memref_squeeze %dma_wait3A_343 : memref<1x512x768xf32, #tpu.memory_space<vmem>> -> memref<512x768xf32, #tpu.memory_space<vmem>>
    %dma_wait3A_345 = arith.constant 1536 : i32
    %dma_wait3A_346 = arith.constant 0 : i32
    %dma_wait3A_347 = tpu.memref_slice %arg5[%arg0, %dma_wait3A_345, %dma_wait3A_346] : memref<8x3072x768xf32, #tpu.memory_space<any>> -> memref<1x512x768xf32, #tpu.memory_space<any>>
    %dma_wait3A_348 = tpu.memref_squeeze %dma_wait3A_347 : memref<1x512x768xf32, #tpu.memory_space<any>> -> memref<512x768xf32, #tpu.memory_space<any>>
    tpu.wait_dma2 semaphore(%dma_wait3A_340 : memref<!tpu.dma_semaphore, #tpu.memory_space<semaphore_mem>>) src(%dma_wait3A_348 : memref<512x768xf32, #tpu.memory_space<any>>) dst(%dma_wait3A_344 : memref<512x768xf32, #tpu.memory_space<vmem>>)
    %lt3A_349 = arith.cmpi slt, %get3A_3, %get3A_7 : i32
    %convert_element_type3A_350 = arith.extui %lt3A_349 : i1 to i32
    %cond3A_351 = arith.constant 0 : i32
    %cond3A_352 = arith.cmpi ne, %convert_element_type3A_350, %cond3A_351 : i32
    scf.if %cond3A_352 {
      %while3A = arith.constant 0 : i32
      %while3A_476 = arith.subi %select_n3A_51, %select_n3A : i32
      %while3A_477 = arith.addi %select_n3A, %while3A_476 : i32
      %while3A_478 = arith.constant 1 : i32
      %while3A_479 = arith.divsi %while3A_476, %while3A_478 : i32
      %while3A_480 = arith.muli %while3A_479, %while3A_478 : i32
      %while3A_481 = arith.addi %select_n3A, %while3A_480 : i32
      %while3A_482 = arith.constant 1 : i32
      scf.for %while3A_484 = %select_n3A to %while3A_481 step %while3A_482  : i32 {
        %mul3A = arith.constant 256 : i32
        %mul3A_485 = arith.muli %while3A_484, %mul3A : i32
        %get3A_486 = arith.index_cast %mul3A_485 : i32 to index
        %get3A_487 = arith.constant 0 : index
        %get3A_488 = vector.load %arg2[%get3A_486, %get3A_487] : memref<4096x768xf32, #tpu.memory_space<vmem>>, vector<256x768xf32>
        %mul3A_489 = arith.constant 256 : i32
        %mul3A_490 = arith.muli %while3A_484, %mul3A_489 : i32
        %add3A_491 = vector.broadcast %mul3A_490 : i32 to vector<256x1xi32>
        %add3A_492 = arith.addi %add3A_491, %iota3A : vector<256x1xi32>
        %ge3A = vector.broadcast %get3A_3 : i32 to vector<256x1xi32>
        %ge3A_493 = arith.cmpi sge, %add3A_492, %ge3A : vector<256x1xi32>
        %lt3A_494 = vector.broadcast %get3A_7 : i32 to vector<256x1xi32>
        %lt3A_495 = arith.cmpi slt, %add3A_492, %lt3A_494 : vector<256x1xi32>
        %and3A_496 = arith.andi %ge3A_493, %lt3A_495 : vector<256x1xi1>
        %jit3A_497 = arith.constant 0.000000e+00 : f32
        %broadcast_in_dim3A = vector.shape_cast %and3A_496 : vector<256x1xi1> to vector<256x1xi1>
        %broadcast_in_dim3A_498 = vector.broadcast %broadcast_in_dim3A : vector<256x1xi1> to vector<256x768xi1>
        %broadcast_in_dim3A_499 = vector.broadcast %jit3A_497 : f32 to vector<256x768xf32>
        %select_n3A_500 = arith.select %broadcast_in_dim3A_498, %get3A_488, %broadcast_in_dim3A_499 : vector<256x768xi1>, vector<256x768xf32>
        %get3A_501 = arith.constant 1 : index
        %get3A_502 = arith.constant 0 : index
        %get3A_503 = arith.constant 0 : index
        %get3A_504 = vector.load %arg7[%get3A_501, %get3A_502, %get3A_503] : memref<2x768x512xf32, #tpu.memory_space<vmem>>, vector<1x768x512xf32>
        %get3A_505 = vector.shape_cast %get3A_504 : vector<1x768x512xf32> to vector<768x512xf32>
        %dot_general3A = arith.constant dense<0.000000e+00> : vector<256x512xf32>
        %dot_general3A_506 = tpu.matmul %select_n3A_500, %get3A_505, %dot_general3A {dimension_numbers = #tpu.dot_dimension_numbers<[1], [0], [0], [1], [0, 0, 1, 1], [], []>, transpose_lhs_hint = false} : vector<256x768xf32>, vector<768x512xf32>, vector<256x512xf32> -> vector<256x512xf32>
        %get3A_507 = arith.constant 1 : index
        %get3A_508 = arith.constant 0 : index
        %get3A_509 = arith.constant 0 : index
        %get3A_510 = vector.load %arg8[%get3A_507, %get3A_508, %get3A_509] : memref<2x768x512xf32, #tpu.memory_space<vmem>>, vector<1x768x512xf32>
        %get3A_511 = vector.shape_cast %get3A_510 : vector<1x768x512xf32> to vector<768x512xf32>
        %dot_general3A_512 = arith.constant dense<0.000000e+00> : vector<256x512xf32>
        %dot_general3A_513 = tpu.matmul %select_n3A_500, %get3A_511, %dot_general3A_512 {dimension_numbers = #tpu.dot_dimension_numbers<[1], [0], [0], [1], [0, 0, 1, 1], [], []>, transpose_lhs_hint = false} : vector<256x768xf32>, vector<768x512xf32>, vector<256x512xf32> -> vector<256x512xf32>
        %neg3A = arith.constant 0.000000e+00 : f32
        %neg3A_514 = vector.broadcast %neg3A : f32 to vector<256x512xf32>
        %neg3A_515 = arith.subf %neg3A_514, %dot_general3A_506 : vector<256x512xf32>
        %exp3A = math.exp %neg3A_515 : vector<256x512xf32>
        %add3A_516 = arith.constant 1.000000e+00 : f32
        %add3A_517 = vector.broadcast %add3A_516 : f32 to vector<256x512xf32>
        %add3A_518 = arith.addf %add3A_517, %exp3A : vector<256x512xf32>
        %div3A_519 = arith.divf %dot_general3A_506, %add3A_518 : vector<256x512xf32>
        %mul3A_520 = arith.mulf %div3A_519, %dot_general3A_513 : vector<256x512xf32>
        %get3A_521 = arith.constant 1 : index
        %get3A_522 = arith.constant 0 : index
        %get3A_523 = arith.constant 0 : index
        %get3A_524 = vector.load %arg9[%get3A_521, %get3A_522, %get3A_523] : memref<2x512x768xf32, #tpu.memory_space<vmem>>, vector<1x512x768xf32>
        %get3A_525 = vector.shape_cast %get3A_524 : vector<1x512x768xf32> to vector<512x768xf32>
        %dot_general3A_526 = arith.constant dense<0.000000e+00> : vector<256x768xf32>
        %dot_general3A_527 = tpu.matmul %mul3A_520, %get3A_525, %dot_general3A_526 {dimension_numbers = #tpu.dot_dimension_numbers<[1], [0], [0], [1], [0, 0, 1, 1], [], []>, transpose_lhs_hint = false} : vector<256x512xf32>, vector<512x768xf32>, vector<256x768xf32> -> vector<256x768xf32>
        %get3A_528 = arith.index_cast %mul3A_485 : i32 to index
        %get3A_529 = arith.constant 0 : index
        %get3A_530 = vector.load %arg6[%get3A_528, %get3A_529] : memref<4096x768xf32, #tpu.memory_space<vmem>>, vector<256x768xf32>
        %add3A_531 = arith.addf %get3A_530, %dot_general3A_527 : vector<256x768xf32>
        %swap3A = arith.index_cast %mul3A_485 : i32 to index
        %swap3A_532 = arith.constant 0 : index
        %swap3A_533 = vector.load %arg6[%swap3A, %swap3A_532] : memref<4096x768xf32, #tpu.memory_space<vmem>>, vector<256x768xf32>
        tpu.vector_store %arg6[%swap3A, %swap3A_532], %add3A_531 {strides = array<i32>} : memref<4096x768xf32, #tpu.memory_space<vmem>>, vector<256x768xf32>,
      }
      %while3A_483 = arith.constant 1 : i32
      scf.for %while3A_484 = %while3A_481 to %while3A_477 step %while3A_483  : i32 {
        %mul3A = arith.constant 256 : i32
        %mul3A_485 = arith.muli %while3A_484, %mul3A : i32
        %get3A_486 = arith.index_cast %mul3A_485 : i32 to index
        %get3A_487 = arith.constant 0 : index
        %get3A_488 = vector.load %arg2[%get3A_486, %get3A_487] : memref<4096x768xf32, #tpu.memory_space<vmem>>, vector<256x768xf32>
        %mul3A_489 = arith.constant 256 : i32
        %mul3A_490 = arith.muli %while3A_484, %mul3A_489 : i32
        %add3A_491 = vector.broadcast %mul3A_490 : i32 to vector<256x1xi32>
        %add3A_492 = arith.addi %add3A_491, %iota3A : vector<256x1xi32>
        %ge3A = vector.broadcast %get3A_3 : i32 to vector<256x1xi32>
        %ge3A_493 = arith.cmpi sge, %add3A_492, %ge3A : vector<256x1xi32>
        %lt3A_494 = vector.broadcast %get3A_7 : i32 to vector<256x1xi32>
        %lt3A_495 = arith.cmpi slt, %add3A_492, %lt3A_494 : vector<256x1xi32>
        %and3A_496 = arith.andi %ge3A_493, %lt3A_495 : vector<256x1xi1>
        %jit3A_497 = arith.constant 0.000000e+00 : f32
        %broadcast_in_dim3A = vector.shape_cast %and3A_496 : vector<256x1xi1> to vector<256x1xi1>
        %broadcast_in_dim3A_498 = vector.broadcast %broadcast_in_dim3A : vector<256x1xi1> to vector<256x768xi1>
        %broadcast_in_dim3A_499 = vector.broadcast %jit3A_497 : f32 to vector<256x768xf32>
        %select_n3A_500 = arith.select %broadcast_in_dim3A_498, %get3A_488, %broadcast_in_dim3A_499 : vector<256x768xi1>, vector<256x768xf32>
        %get3A_501 = arith.constant 1 : index
        %get3A_502 = arith.constant 0 : index
        %get3A_503 = arith.constant 0 : index
        %get3A_504 = vector.load %arg7[%get3A_501, %get3A_502, %get3A_503] : memref<2x768x512xf32, #tpu.memory_space<vmem>>, vector<1x768x512xf32>
        %get3A_505 = vector.shape_cast %get3A_504 : vector<1x768x512xf32> to vector<768x512xf32>
        %dot_general3A = arith.constant dense<0.000000e+00> : vector<256x512xf32>
        %dot_general3A_506 = tpu.matmul %select_n3A_500, %get3A_505, %dot_general3A {dimension_numbers = #tpu.dot_dimension_numbers<[1], [0], [0], [1], [0, 0, 1, 1], [], []>, transpose_lhs_hint = false} : vector<256x768xf32>, vector<768x512xf32>, vector<256x512xf32> -> vector<256x512xf32>
        %get3A_507 = arith.constant 1 : index
        %get3A_508 = arith.constant 0 : index
        %get3A_509 = arith.constant 0 : index
        %get3A_510 = vector.load %arg8[%get3A_507, %get3A_508, %get3A_509] : memref<2x768x512xf32, #tpu.memory_space<vmem>>, vector<1x768x512xf32>
        %get3A_511 = vector.shape_cast %get3A_510 : vector<1x768x512xf32> to vector<768x512xf32>
        %dot_general3A_512 = arith.constant dense<0.000000e+00> : vector<256x512xf32>
        %dot_general3A_513 = tpu.matmul %select_n3A_500, %get3A_511, %dot_general3A_512 {dimension_numbers = #tpu.dot_dimension_numbers<[1], [0], [0], [1], [0, 0, 1, 1], [], []>, transpose_lhs_hint = false} : vector<256x768xf32>, vector<768x512xf32>, vector<256x512xf32> -> vector<256x512xf32>
        %neg3A = arith.constant 0.000000e+00 : f32
        %neg3A_514 = vector.broadcast %neg3A : f32 to vector<256x512xf32>
        %neg3A_515 = arith.subf %neg3A_514, %dot_general3A_506 : vector<256x512xf32>
        %exp3A = math.exp %neg3A_515 : vector<256x512xf32>
        %add3A_516 = arith.constant 1.000000e+00 : f32
        %add3A_517 = vector.broadcast %add3A_516 : f32 to vector<256x512xf32>
        %add3A_518 = arith.addf %add3A_517, %exp3A : vector<256x512xf32>
        %div3A_519 = arith.divf %dot_general3A_506, %add3A_518 : vector<256x512xf32>
        %mul3A_520 = arith.mulf %div3A_519, %dot_general3A_513 : vector<256x512xf32>
        %get3A_521 = arith.constant 1 : index
        %get3A_522 = arith.constant 0 : index
        %get3A_523 = arith.constant 0 : index
        %get3A_524 = vector.load %arg9[%get3A_521, %get3A_522, %get3A_523] : memref<2x512x768xf32, #tpu.memory_space<vmem>>, vector<1x512x768xf32>
        %get3A_525 = vector.shape_cast %get3A_524 : vector<1x512x768xf32> to vector<512x768xf32>
        %dot_general3A_526 = arith.constant dense<0.000000e+00> : vector<256x768xf32>
        %dot_general3A_527 = tpu.matmul %mul3A_520, %get3A_525, %dot_general3A_526 {dimension_numbers = #tpu.dot_dimension_numbers<[1], [0], [0], [1], [0, 0, 1, 1], [], []>, transpose_lhs_hint = false} : vector<256x512xf32>, vector<512x768xf32>, vector<256x768xf32> -> vector<256x768xf32>
        %get3A_528 = arith.index_cast %mul3A_485 : i32 to index
        %get3A_529 = arith.constant 0 : index
        %get3A_530 = vector.load %arg6[%get3A_528, %get3A_529] : memref<4096x768xf32, #tpu.memory_space<vmem>>, vector<256x768xf32>
        %add3A_531 = arith.addf %get3A_530, %dot_general3A_527 : vector<256x768xf32>
        %swap3A = arith.index_cast %mul3A_485 : i32 to index
        %swap3A_532 = arith.constant 0 : index
        %swap3A_533 = vector.load %arg6[%swap3A, %swap3A_532] : memref<4096x768xf32, #tpu.memory_space<vmem>>, vector<256x768xf32>
        tpu.vector_store %arg6[%swap3A, %swap3A_532], %add3A_531 {strides = array<i32>} : memref<4096x768xf32, #tpu.memory_space<vmem>>, vector<256x768xf32>,
      }
    } else {
    }
    %dma_start3A_353 = arith.constant 1 : i32
    %dma_start3A_354 = arith.constant 1 : i32
    %dma_start3A_355 = tpu.memref_slice %arg10[%dma_start3A_354] : memref<2x!tpu.dma_semaphore, #tpu.memory_space<semaphore_mem>> -> memref<1x!tpu.dma_semaphore, #tpu.memory_space<semaphore_mem>>
    %dma_start3A_356 = tpu.memref_squeeze %dma_start3A_355 : memref<1x!tpu.dma_semaphore, #tpu.memory_space<semaphore_mem>> -> memref<!tpu.dma_semaphore, #tpu.memory_space<semaphore_mem>>
    %dma_start3A_357 = arith.constant 0 : i32
    %dma_start3A_358 = arith.constant 0 : i32
    %dma_start3A_359 = tpu.memref_slice %arg7[%dma_start3A_353, %dma_start3A_357, %dma_start3A_358] : memref<2x768x512xf32, #tpu.memory_space<vmem>> -> memref<1x768x512xf32, #tpu.memory_space<vmem>>
    %dma_start3A_360 = tpu.memref_squeeze %dma_start3A_359 : memref<1x768x512xf32, #tpu.memory_space<vmem>> -> memref<768x512xf32, #tpu.memory_space<vmem>>
    %dma_start3A_361 = arith.constant 0 : i32
    %dma_start3A_362 = arith.constant 2560 : i32
    %dma_start3A_363 = tpu.memref_slice %arg3[%arg0, %dma_start3A_361, %dma_start3A_362] : memref<8x768x3072xf32, #tpu.memory_space<any>> -> memref<1x768x512xf32, #tpu.memory_space<any>>
    %dma_start3A_364 = tpu.memref_squeeze %dma_start3A_363 : memref<1x768x512xf32, #tpu.memory_space<any>> -> memref<768x512xf32, #tpu.memory_space<any>>
    tpu.enqueue_dma source(%dma_start3A_364 : memref<768x512xf32, #tpu.memory_space<any>>) target(%dma_start3A_360 : memref<768x512xf32, #tpu.memory_space<vmem>>) target_semaphore(%dma_start3A_356 : memref<!tpu.dma_semaphore, #tpu.memory_space<semaphore_mem>>)
    %dma_start3A_365 = arith.constant 1 : i32
    %dma_start3A_366 = arith.constant 1 : i32
    %dma_start3A_367 = tpu.memref_slice %arg10[%dma_start3A_366] : memref<2x!tpu.dma_semaphore, #tpu.memory_space<semaphore_mem>> -> memref<1x!tpu.dma_semaphore, #tpu.memory_space<semaphore_mem>>
    %dma_start3A_368 = tpu.memref_squeeze %dma_start3A_367 : memref<1x!tpu.dma_semaphore, #tpu.memory_space<semaphore_mem>> -> memref<!tpu.dma_semaphore, #tpu.memory_space<semaphore_mem>>
    %dma_start3A_369 = arith.constant 0 : i32
    %dma_start3A_370 = arith.constant 0 : i32
    %dma_start3A_371 = tpu.memref_slice %arg8[%dma_start3A_365, %dma_start3A_369, %dma_start3A_370] : memref<2x768x512xf32, #tpu.memory_space<vmem>> -> memref<1x768x512xf32, #tpu.memory_space<vmem>>
    %dma_start3A_372 = tpu.memref_squeeze %dma_start3A_371 : memref<1x768x512xf32, #tpu.memory_space<vmem>> -> memref<768x512xf32, #tpu.memory_space<vmem>>
    %dma_start3A_373 = arith.constant 0 : i32
    %dma_start3A_374 = arith.constant 2560 : i32
    %dma_start3A_375 = tpu.memref_slice %arg4[%arg0, %dma_start3A_373, %dma_start3A_374] : memref<8x768x3072xf32, #tpu.memory_space<any>> -> memref<1x768x512xf32, #tpu.memory_space<any>>
    %dma_start3A_376 = tpu.memref_squeeze %dma_start3A_375 : memref<1x768x512xf32, #tpu.memory_space<any>> -> memref<768x512xf32, #tpu.memory_space<any>>
    tpu.enqueue_dma source(%dma_start3A_376 : memref<768x512xf32, #tpu.memory_space<any>>) target(%dma_start3A_372 : memref<768x512xf32, #tpu.memory_space<vmem>>) target_semaphore(%dma_start3A_368 : memref<!tpu.dma_semaphore, #tpu.memory_space<semaphore_mem>>)
    %dma_start3A_377 = arith.constant 1 : i32
    %dma_start3A_378 = arith.constant 1 : i32
    %dma_start3A_379 = tpu.memref_slice %arg10[%dma_start3A_378] : memref<2x!tpu.dma_semaphore, #tpu.memory_space<semaphore_mem>> -> memref<1x!tpu.dma_semaphore, #tpu.memory_space<semaphore_mem>>
    %dma_start3A_380 = tpu.memref_squeeze %dma_start3A_379 : memref<1x!tpu.dma_semaphore, #tpu.memory_space<semaphore_mem>> -> memref<!tpu.dma_semaphore, #tpu.memory_space<semaphore_mem>>
    %dma_start3A_381 = arith.constant 0 : i32
    %dma_start3A_382 = arith.constant 0 : i32
    %dma_start3A_383 = tpu.memref_slice %arg9[%dma_start3A_377, %dma_start3A_381, %dma_start3A_382] : memref<2x512x768xf32, #tpu.memory_space<vmem>> -> memref<1x512x768xf32, #tpu.memory_space<vmem>>
    %dma_start3A_384 = tpu.memref_squeeze %dma_start3A_383 : memref<1x512x768xf32, #tpu.memory_space<vmem>> -> memref<512x768xf32, #tpu.memory_space<vmem>>
    %dma_start3A_385 = arith.constant 2560 : i32
    %dma_start3A_386 = arith.constant 0 : i32
    %dma_start3A_387 = tpu.memref_slice %arg5[%arg0, %dma_start3A_385, %dma_start3A_386] : memref<8x3072x768xf32, #tpu.memory_space<any>> -> memref<1x512x768xf32, #tpu.memory_space<any>>
    %dma_start3A_388 = tpu.memref_squeeze %dma_start3A_387 : memref<1x512x768xf32, #tpu.memory_space<any>> -> memref<512x768xf32, #tpu.memory_space<any>>
    tpu.enqueue_dma source(%dma_start3A_388 : memref<512x768xf32, #tpu.memory_space<any>>) target(%dma_start3A_384 : memref<512x768xf32, #tpu.memory_space<vmem>>) target_semaphore(%dma_start3A_380 : memref<!tpu.dma_semaphore, #tpu.memory_space<semaphore_mem>>)
    %dma_wait3A_389 = arith.constant 0 : i32
    %dma_wait3A_390 = arith.constant 0 : i32
    %dma_wait3A_391 = tpu.memref_slice %arg10[%dma_wait3A_390] : memref<2x!tpu.dma_semaphore, #tpu.memory_space<semaphore_mem>> -> memref<1x!tpu.dma_semaphore, #tpu.memory_space<semaphore_mem>>
    %dma_wait3A_392 = tpu.memref_squeeze %dma_wait3A_391 : memref<1x!tpu.dma_semaphore, #tpu.memory_space<semaphore_mem>> -> memref<!tpu.dma_semaphore, #tpu.memory_space<semaphore_mem>>
    %dma_wait3A_393 = arith.constant 0 : i32
    %dma_wait3A_394 = arith.constant 0 : i32
    %dma_wait3A_395 = tpu.memref_slice %arg7[%dma_wait3A_389, %dma_wait3A_393, %dma_wait3A_394] : memref<2x768x512xf32, #tpu.memory_space<vmem>> -> memref<1x768x512xf32, #tpu.memory_space<vmem>>
    %dma_wait3A_396 = tpu.memref_squeeze %dma_wait3A_395 : memref<1x768x512xf32, #tpu.memory_space<vmem>> -> memref<768x512xf32, #tpu.memory_space<vmem>>
    %dma_wait3A_397 = arith.constant 0 : i32
    %dma_wait3A_398 = arith.constant 2048 : i32
    %dma_wait3A_399 = tpu.memref_slice %arg3[%arg0, %dma_wait3A_397, %dma_wait3A_398] : memref<8x768x3072xf32, #tpu.memory_space<any>> -> memref<1x768x512xf32, #tpu.memory_space<any>>
    %dma_wait3A_400 = tpu.memref_squeeze %dma_wait3A_399 : memref<1x768x512xf32, #tpu.memory_space<any>> -> memref<768x512xf32, #tpu.memory_space<any>>
    tpu.wait_dma2 semaphore(%dma_wait3A_392 : memref<!tpu.dma_semaphore, #tpu.memory_space<semaphore_mem>>) src(%dma_wait3A_400 : memref<768x512xf32, #tpu.memory_space<any>>) dst(%dma_wait3A_396 : memref<768x512xf32, #tpu.memory_space<vmem>>)
    %dma_wait3A_401 = arith.constant 0 : i32
    %dma_wait3A_402 = arith.constant 0 : i32
    %dma_wait3A_403 = tpu.memref_slice %arg10[%dma_wait3A_402] : memref<2x!tpu.dma_semaphore, #tpu.memory_space<semaphore_mem>> -> memref<1x!tpu.dma_semaphore, #tpu.memory_space<semaphore_mem>>
    %dma_wait3A_404 = tpu.memref_squeeze %dma_wait3A_403 : memref<1x!tpu.dma_semaphore, #tpu.memory_space<semaphore_mem>> -> memref<!tpu.dma_semaphore, #tpu.memory_space<semaphore_mem>>
    %dma_wait3A_405 = arith.constant 0 : i32
    %dma_wait3A_406 = arith.constant 0 : i32
    %dma_wait3A_407 = tpu.memref_slice %arg8[%dma_wait3A_401, %dma_wait3A_405, %dma_wait3A_406] : memref<2x768x512xf32, #tpu.memory_space<vmem>> -> memref<1x768x512xf32, #tpu.memory_space<vmem>>
    %dma_wait3A_408 = tpu.memref_squeeze %dma_wait3A_407 : memref<1x768x512xf32, #tpu.memory_space<vmem>> -> memref<768x512xf32, #tpu.memory_space<vmem>>
    %dma_wait3A_409 = arith.constant 0 : i32
    %dma_wait3A_410 = arith.constant 2048 : i32
    %dma_wait3A_411 = tpu.memref_slice %arg4[%arg0, %dma_wait3A_409, %dma_wait3A_410] : memref<8x768x3072xf32, #tpu.memory_space<any>> -> memref<1x768x512xf32, #tpu.memory_space<any>>
    %dma_wait3A_412 = tpu.memref_squeeze %dma_wait3A_411 : memref<1x768x512xf32, #tpu.memory_space<any>> -> memref<768x512xf32, #tpu.memory_space<any>>
    tpu.wait_dma2 semaphore(%dma_wait3A_404 : memref<!tpu.dma_semaphore, #tpu.memory_space<semaphore_mem>>) src(%dma_wait3A_412 : memref<768x512xf32, #tpu.memory_space<any>>) dst(%dma_wait3A_408 : memref<768x512xf32, #tpu.memory_space<vmem>>)
    %dma_wait3A_413 = arith.constant 0 : i32
    %dma_wait3A_414 = arith.constant 0 : i32
    %dma_wait3A_415 = tpu.memref_slice %arg10[%dma_wait3A_414] : memref<2x!tpu.dma_semaphore, #tpu.memory_space<semaphore_mem>> -> memref<1x!tpu.dma_semaphore, #tpu.memory_space<semaphore_mem>>
    %dma_wait3A_416 = tpu.memref_squeeze %dma_wait3A_415 : memref<1x!tpu.dma_semaphore, #tpu.memory_space<semaphore_mem>> -> memref<!tpu.dma_semaphore, #tpu.memory_space<semaphore_mem>>
    %dma_wait3A_417 = arith.constant 0 : i32
    %dma_wait3A_418 = arith.constant 0 : i32
    %dma_wait3A_419 = tpu.memref_slice %arg9[%dma_wait3A_413, %dma_wait3A_417, %dma_wait3A_418] : memref<2x512x768xf32, #tpu.memory_space<vmem>> -> memref<1x512x768xf32, #tpu.memory_space<vmem>>
    %dma_wait3A_420 = tpu.memref_squeeze %dma_wait3A_419 : memref<1x512x768xf32, #tpu.memory_space<vmem>> -> memref<512x768xf32, #tpu.memory_space<vmem>>
    %dma_wait3A_421 = arith.constant 2048 : i32
    %dma_wait3A_422 = arith.constant 0 : i32
    %dma_wait3A_423 = tpu.memref_slice %arg5[%arg0, %dma_wait3A_421, %dma_wait3A_422] : memref<8x3072x768xf32, #tpu.memory_space<any>> -> memref<1x512x768xf32, #tpu.memory_space<any>>
    %dma_wait3A_424 = tpu.memref_squeeze %dma_wait3A_423 : memref<1x512x768xf32, #tpu.memory_space<any>> -> memref<512x768xf32, #tpu.memory_space<any>>
    tpu.wait_dma2 semaphore(%dma_wait3A_416 : memref<!tpu.dma_semaphore, #tpu.memory_space<semaphore_mem>>) src(%dma_wait3A_424 : memref<512x768xf32, #tpu.memory_space<any>>) dst(%dma_wait3A_420 : memref<512x768xf32, #tpu.memory_space<vmem>>)
    %lt3A_425 = arith.cmpi slt, %get3A_3, %get3A_7 : i32
    %convert_element_type3A_426 = arith.extui %lt3A_425 : i1 to i32
    %cond3A_427 = arith.constant 0 : i32
    %cond3A_428 = arith.cmpi ne, %convert_element_type3A_426, %cond3A_427 : i32
    scf.if %cond3A_428 {
      %while3A = arith.constant 0 : i32
      %while3A_476 = arith.subi %select_n3A_51, %select_n3A : i32
      %while3A_477 = arith.addi %select_n3A, %while3A_476 : i32
      %while3A_478 = arith.constant 1 : i32
      %while3A_479 = arith.divsi %while3A_476, %while3A_478 : i32
      %while3A_480 = arith.muli %while3A_479, %while3A_478 : i32
      %while3A_481 = arith.addi %select_n3A, %while3A_480 : i32
      %while3A_482 = arith.constant 1 : i32
      scf.for %while3A_484 = %select_n3A to %while3A_481 step %while3A_482  : i32 {
        %mul3A = arith.constant 256 : i32
        %mul3A_485 = arith.muli %while3A_484, %mul3A : i32
        %get3A_486 = arith.index_cast %mul3A_485 : i32 to index
        %get3A_487 = arith.constant 0 : index
        %get3A_488 = vector.load %arg2[%get3A_486, %get3A_487] : memref<4096x768xf32, #tpu.memory_space<vmem>>, vector<256x768xf32>
        %mul3A_489 = arith.constant 256 : i32
        %mul3A_490 = arith.muli %while3A_484, %mul3A_489 : i32
        %add3A_491 = vector.broadcast %mul3A_490 : i32 to vector<256x1xi32>
        %add3A_492 = arith.addi %add3A_491, %iota3A : vector<256x1xi32>
        %ge3A = vector.broadcast %get3A_3 : i32 to vector<256x1xi32>
        %ge3A_493 = arith.cmpi sge, %add3A_492, %ge3A : vector<256x1xi32>
        %lt3A_494 = vector.broadcast %get3A_7 : i32 to vector<256x1xi32>
        %lt3A_495 = arith.cmpi slt, %add3A_492, %lt3A_494 : vector<256x1xi32>
        %and3A_496 = arith.andi %ge3A_493, %lt3A_495 : vector<256x1xi1>
        %jit3A_497 = arith.constant 0.000000e+00 : f32
        %broadcast_in_dim3A = vector.shape_cast %and3A_496 : vector<256x1xi1> to vector<256x1xi1>
        %broadcast_in_dim3A_498 = vector.broadcast %broadcast_in_dim3A : vector<256x1xi1> to vector<256x768xi1>
        %broadcast_in_dim3A_499 = vector.broadcast %jit3A_497 : f32 to vector<256x768xf32>
        %select_n3A_500 = arith.select %broadcast_in_dim3A_498, %get3A_488, %broadcast_in_dim3A_499 : vector<256x768xi1>, vector<256x768xf32>
        %get3A_501 = arith.constant 0 : index
        %get3A_502 = arith.constant 0 : index
        %get3A_503 = arith.constant 0 : index
        %get3A_504 = vector.load %arg7[%get3A_501, %get3A_502, %get3A_503] : memref<2x768x512xf32, #tpu.memory_space<vmem>>, vector<1x768x512xf32>
        %get3A_505 = vector.shape_cast %get3A_504 : vector<1x768x512xf32> to vector<768x512xf32>
        %dot_general3A = arith.constant dense<0.000000e+00> : vector<256x512xf32>
        %dot_general3A_506 = tpu.matmul %select_n3A_500, %get3A_505, %dot_general3A {dimension_numbers = #tpu.dot_dimension_numbers<[1], [0], [0], [1], [0, 0, 1, 1], [], []>, transpose_lhs_hint = false} : vector<256x768xf32>, vector<768x512xf32>, vector<256x512xf32> -> vector<256x512xf32>
        %get3A_507 = arith.constant 0 : index
        %get3A_508 = arith.constant 0 : index
        %get3A_509 = arith.constant 0 : index
        %get3A_510 = vector.load %arg8[%get3A_507, %get3A_508, %get3A_509] : memref<2x768x512xf32, #tpu.memory_space<vmem>>, vector<1x768x512xf32>
        %get3A_511 = vector.shape_cast %get3A_510 : vector<1x768x512xf32> to vector<768x512xf32>
        %dot_general3A_512 = arith.constant dense<0.000000e+00> : vector<256x512xf32>
        %dot_general3A_513 = tpu.matmul %select_n3A_500, %get3A_511, %dot_general3A_512 {dimension_numbers = #tpu.dot_dimension_numbers<[1], [0], [0], [1], [0, 0, 1, 1], [], []>, transpose_lhs_hint = false} : vector<256x768xf32>, vector<768x512xf32>, vector<256x512xf32> -> vector<256x512xf32>
        %neg3A = arith.constant 0.000000e+00 : f32
        %neg3A_514 = vector.broadcast %neg3A : f32 to vector<256x512xf32>
        %neg3A_515 = arith.subf %neg3A_514, %dot_general3A_506 : vector<256x512xf32>
        %exp3A = math.exp %neg3A_515 : vector<256x512xf32>
        %add3A_516 = arith.constant 1.000000e+00 : f32
        %add3A_517 = vector.broadcast %add3A_516 : f32 to vector<256x512xf32>
        %add3A_518 = arith.addf %add3A_517, %exp3A : vector<256x512xf32>
        %div3A_519 = arith.divf %dot_general3A_506, %add3A_518 : vector<256x512xf32>
        %mul3A_520 = arith.mulf %div3A_519, %dot_general3A_513 : vector<256x512xf32>
        %get3A_521 = arith.constant 0 : index
        %get3A_522 = arith.constant 0 : index
        %get3A_523 = arith.constant 0 : index
        %get3A_524 = vector.load %arg9[%get3A_521, %get3A_522, %get3A_523] : memref<2x512x768xf32, #tpu.memory_space<vmem>>, vector<1x512x768xf32>
        %get3A_525 = vector.shape_cast %get3A_524 : vector<1x512x768xf32> to vector<512x768xf32>
        %dot_general3A_526 = arith.constant dense<0.000000e+00> : vector<256x768xf32>
        %dot_general3A_527 = tpu.matmul %mul3A_520, %get3A_525, %dot_general3A_526 {dimension_numbers = #tpu.dot_dimension_numbers<[1], [0], [0], [1], [0, 0, 1, 1], [], []>, transpose_lhs_hint = false} : vector<256x512xf32>, vector<512x768xf32>, vector<256x768xf32> -> vector<256x768xf32>
        %get3A_528 = arith.index_cast %mul3A_485 : i32 to index
        %get3A_529 = arith.constant 0 : index
        %get3A_530 = vector.load %arg6[%get3A_528, %get3A_529] : memref<4096x768xf32, #tpu.memory_space<vmem>>, vector<256x768xf32>
        %add3A_531 = arith.addf %get3A_530, %dot_general3A_527 : vector<256x768xf32>
        %swap3A = arith.index_cast %mul3A_485 : i32 to index
        %swap3A_532 = arith.constant 0 : index
        %swap3A_533 = vector.load %arg6[%swap3A, %swap3A_532] : memref<4096x768xf32, #tpu.memory_space<vmem>>, vector<256x768xf32>
        tpu.vector_store %arg6[%swap3A, %swap3A_532], %add3A_531 {strides = array<i32>} : memref<4096x768xf32, #tpu.memory_space<vmem>>, vector<256x768xf32>,
      }
      %while3A_483 = arith.constant 1 : i32
      scf.for %while3A_484 = %while3A_481 to %while3A_477 step %while3A_483  : i32 {
        %mul3A = arith.constant 256 : i32
        %mul3A_485 = arith.muli %while3A_484, %mul3A : i32
        %get3A_486 = arith.index_cast %mul3A_485 : i32 to index
        %get3A_487 = arith.constant 0 : index
        %get3A_488 = vector.load %arg2[%get3A_486, %get3A_487] : memref<4096x768xf32, #tpu.memory_space<vmem>>, vector<256x768xf32>
        %mul3A_489 = arith.constant 256 : i32
        %mul3A_490 = arith.muli %while3A_484, %mul3A_489 : i32
        %add3A_491 = vector.broadcast %mul3A_490 : i32 to vector<256x1xi32>
        %add3A_492 = arith.addi %add3A_491, %iota3A : vector<256x1xi32>
        %ge3A = vector.broadcast %get3A_3 : i32 to vector<256x1xi32>
        %ge3A_493 = arith.cmpi sge, %add3A_492, %ge3A : vector<256x1xi32>
        %lt3A_494 = vector.broadcast %get3A_7 : i32 to vector<256x1xi32>
        %lt3A_495 = arith.cmpi slt, %add3A_492, %lt3A_494 : vector<256x1xi32>
        %and3A_496 = arith.andi %ge3A_493, %lt3A_495 : vector<256x1xi1>
        %jit3A_497 = arith.constant 0.000000e+00 : f32
        %broadcast_in_dim3A = vector.shape_cast %and3A_496 : vector<256x1xi1> to vector<256x1xi1>
        %broadcast_in_dim3A_498 = vector.broadcast %broadcast_in_dim3A : vector<256x1xi1> to vector<256x768xi1>
        %broadcast_in_dim3A_499 = vector.broadcast %jit3A_497 : f32 to vector<256x768xf32>
        %select_n3A_500 = arith.select %broadcast_in_dim3A_498, %get3A_488, %broadcast_in_dim3A_499 : vector<256x768xi1>, vector<256x768xf32>
        %get3A_501 = arith.constant 0 : index
        %get3A_502 = arith.constant 0 : index
        %get3A_503 = arith.constant 0 : index
        %get3A_504 = vector.load %arg7[%get3A_501, %get3A_502, %get3A_503] : memref<2x768x512xf32, #tpu.memory_space<vmem>>, vector<1x768x512xf32>
        %get3A_505 = vector.shape_cast %get3A_504 : vector<1x768x512xf32> to vector<768x512xf32>
        %dot_general3A = arith.constant dense<0.000000e+00> : vector<256x512xf32>
        %dot_general3A_506 = tpu.matmul %select_n3A_500, %get3A_505, %dot_general3A {dimension_numbers = #tpu.dot_dimension_numbers<[1], [0], [0], [1], [0, 0, 1, 1], [], []>, transpose_lhs_hint = false} : vector<256x768xf32>, vector<768x512xf32>, vector<256x512xf32> -> vector<256x512xf32>
        %get3A_507 = arith.constant 0 : index
        %get3A_508 = arith.constant 0 : index
        %get3A_509 = arith.constant 0 : index
        %get3A_510 = vector.load %arg8[%get3A_507, %get3A_508, %get3A_509] : memref<2x768x512xf32, #tpu.memory_space<vmem>>, vector<1x768x512xf32>
        %get3A_511 = vector.shape_cast %get3A_510 : vector<1x768x512xf32> to vector<768x512xf32>
        %dot_general3A_512 = arith.constant dense<0.000000e+00> : vector<256x512xf32>
        %dot_general3A_513 = tpu.matmul %select_n3A_500, %get3A_511, %dot_general3A_512 {dimension_numbers = #tpu.dot_dimension_numbers<[1], [0], [0], [1], [0, 0, 1, 1], [], []>, transpose_lhs_hint = false} : vector<256x768xf32>, vector<768x512xf32>, vector<256x512xf32> -> vector<256x512xf32>
        %neg3A = arith.constant 0.000000e+00 : f32
        %neg3A_514 = vector.broadcast %neg3A : f32 to vector<256x512xf32>
        %neg3A_515 = arith.subf %neg3A_514, %dot_general3A_506 : vector<256x512xf32>
        %exp3A = math.exp %neg3A_515 : vector<256x512xf32>
        %add3A_516 = arith.constant 1.000000e+00 : f32
        %add3A_517 = vector.broadcast %add3A_516 : f32 to vector<256x512xf32>
        %add3A_518 = arith.addf %add3A_517, %exp3A : vector<256x512xf32>
        %div3A_519 = arith.divf %dot_general3A_506, %add3A_518 : vector<256x512xf32>
        %mul3A_520 = arith.mulf %div3A_519, %dot_general3A_513 : vector<256x512xf32>
        %get3A_521 = arith.constant 0 : index
        %get3A_522 = arith.constant 0 : index
        %get3A_523 = arith.constant 0 : index
        %get3A_524 = vector.load %arg9[%get3A_521, %get3A_522, %get3A_523] : memref<2x512x768xf32, #tpu.memory_space<vmem>>, vector<1x512x768xf32>
        %get3A_525 = vector.shape_cast %get3A_524 : vector<1x512x768xf32> to vector<512x768xf32>
        %dot_general3A_526 = arith.constant dense<0.000000e+00> : vector<256x768xf32>
        %dot_general3A_527 = tpu.matmul %mul3A_520, %get3A_525, %dot_general3A_526 {dimension_numbers = #tpu.dot_dimension_numbers<[1], [0], [0], [1], [0, 0, 1, 1], [], []>, transpose_lhs_hint = false} : vector<256x512xf32>, vector<512x768xf32>, vector<256x768xf32> -> vector<256x768xf32>
        %get3A_528 = arith.index_cast %mul3A_485 : i32 to index
        %get3A_529 = arith.constant 0 : index
        %get3A_530 = vector.load %arg6[%get3A_528, %get3A_529] : memref<4096x768xf32, #tpu.memory_space<vmem>>, vector<256x768xf32>
        %add3A_531 = arith.addf %get3A_530, %dot_general3A_527 : vector<256x768xf32>
        %swap3A = arith.index_cast %mul3A_485 : i32 to index
        %swap3A_532 = arith.constant 0 : index
        %swap3A_533 = vector.load %arg6[%swap3A, %swap3A_532] : memref<4096x768xf32, #tpu.memory_space<vmem>>, vector<256x768xf32>
        tpu.vector_store %arg6[%swap3A, %swap3A_532], %add3A_531 {strides = array<i32>} : memref<4096x768xf32, #tpu.memory_space<vmem>>, vector<256x768xf32>,
      }
    } else {
    }
    %add3A_429 = arith.constant 1 : i32
    %add3A_430 = arith.addi %arg0, %add3A_429 : i32
    %lt3A_431 = arith.constant 8 : i32
    %lt3A_432 = arith.cmpi slt, %add3A_430, %lt3A_431 : i32
    %convert_element_type3A_433 = arith.extui %lt3A_432 : i1 to i32
    %cond3A_434 = arith.constant 0 : i32
    %cond3A_435 = arith.cmpi ne, %convert_element_type3A_433, %cond3A_434 : i32
    scf.if %cond3A_435 {
      %add3A_476 = arith.constant 1 : i32
      %add3A_477 = arith.addi %arg0, %add3A_476 : i32
      %dma_start3A_478 = arith.constant 0 : i32
      %dma_start3A_479 = arith.constant 0 : i32
      %dma_start3A_480 = tpu.memref_slice %arg10[%dma_start3A_479] : memref<2x!tpu.dma_semaphore, #tpu.memory_space<semaphore_mem>> -> memref<1x!tpu.dma_semaphore, #tpu.memory_space<semaphore_mem>>
      %dma_start3A_481 = tpu.memref_squeeze %dma_start3A_480 : memref<1x!tpu.dma_semaphore, #tpu.memory_space<semaphore_mem>> -> memref<!tpu.dma_semaphore, #tpu.memory_space<semaphore_mem>>
      %dma_start3A_482 = arith.constant 0 : i32
      %dma_start3A_483 = arith.constant 0 : i32
      %dma_start3A_484 = tpu.memref_slice %arg7[%dma_start3A_478, %dma_start3A_482, %dma_start3A_483] : memref<2x768x512xf32, #tpu.memory_space<vmem>> -> memref<1x768x512xf32, #tpu.memory_space<vmem>>
      %dma_start3A_485 = tpu.memref_squeeze %dma_start3A_484 : memref<1x768x512xf32, #tpu.memory_space<vmem>> -> memref<768x512xf32, #tpu.memory_space<vmem>>
      %dma_start3A_486 = arith.constant 0 : i32
      %dma_start3A_487 = arith.constant 0 : i32
      %dma_start3A_488 = tpu.memref_slice %arg3[%add3A_477, %dma_start3A_486, %dma_start3A_487] : memref<8x768x3072xf32, #tpu.memory_space<any>> -> memref<1x768x512xf32, #tpu.memory_space<any>>
      %dma_start3A_489 = tpu.memref_squeeze %dma_start3A_488 : memref<1x768x512xf32, #tpu.memory_space<any>> -> memref<768x512xf32, #tpu.memory_space<any>>
      tpu.enqueue_dma source(%dma_start3A_489 : memref<768x512xf32, #tpu.memory_space<any>>) target(%dma_start3A_485 : memref<768x512xf32, #tpu.memory_space<vmem>>) target_semaphore(%dma_start3A_481 : memref<!tpu.dma_semaphore, #tpu.memory_space<semaphore_mem>>)
      %dma_start3A_490 = arith.constant 0 : i32
      %dma_start3A_491 = arith.constant 0 : i32
      %dma_start3A_492 = tpu.memref_slice %arg10[%dma_start3A_491] : memref<2x!tpu.dma_semaphore, #tpu.memory_space<semaphore_mem>> -> memref<1x!tpu.dma_semaphore, #tpu.memory_space<semaphore_mem>>
      %dma_start3A_493 = tpu.memref_squeeze %dma_start3A_492 : memref<1x!tpu.dma_semaphore, #tpu.memory_space<semaphore_mem>> -> memref<!tpu.dma_semaphore, #tpu.memory_space<semaphore_mem>>
      %dma_start3A_494 = arith.constant 0 : i32
      %dma_start3A_495 = arith.constant 0 : i32
      %dma_start3A_496 = tpu.memref_slice %arg8[%dma_start3A_490, %dma_start3A_494, %dma_start3A_495] : memref<2x768x512xf32, #tpu.memory_space<vmem>> -> memref<1x768x512xf32, #tpu.memory_space<vmem>>
      %dma_start3A_497 = tpu.memref_squeeze %dma_start3A_496 : memref<1x768x512xf32, #tpu.memory_space<vmem>> -> memref<768x512xf32, #tpu.memory_space<vmem>>
      %dma_start3A_498 = arith.constant 0 : i32
      %dma_start3A_499 = arith.constant 0 : i32
      %dma_start3A_500 = tpu.memref_slice %arg4[%add3A_477, %dma_start3A_498, %dma_start3A_499] : memref<8x768x3072xf32, #tpu.memory_space<any>> -> memref<1x768x512xf32, #tpu.memory_space<any>>
      %dma_start3A_501 = tpu.memref_squeeze %dma_start3A_500 : memref<1x768x512xf32, #tpu.memory_space<any>> -> memref<768x512xf32, #tpu.memory_space<any>>
      tpu.enqueue_dma source(%dma_start3A_501 : memref<768x512xf32, #tpu.memory_space<any>>) target(%dma_start3A_497 : memref<768x512xf32, #tpu.memory_space<vmem>>) target_semaphore(%dma_start3A_493 : memref<!tpu.dma_semaphore, #tpu.memory_space<semaphore_mem>>)
      %dma_start3A_502 = arith.constant 0 : i32
      %dma_start3A_503 = arith.constant 0 : i32
      %dma_start3A_504 = tpu.memref_slice %arg10[%dma_start3A_503] : memref<2x!tpu.dma_semaphore, #tpu.memory_space<semaphore_mem>> -> memref<1x!tpu.dma_semaphore, #tpu.memory_space<semaphore_mem>>
      %dma_start3A_505 = tpu.memref_squeeze %dma_start3A_504 : memref<1x!tpu.dma_semaphore, #tpu.memory_space<semaphore_mem>> -> memref<!tpu.dma_semaphore, #tpu.memory_space<semaphore_mem>>
      %dma_start3A_506 = arith.constant 0 : i32
      %dma_start3A_507 = arith.constant 0 : i32
      %dma_start3A_508 = tpu.memref_slice %arg9[%dma_start3A_502, %dma_start3A_506, %dma_start3A_507] : memref<2x512x768xf32, #tpu.memory_space<vmem>> -> memref<1x512x768xf32, #tpu.memory_space<vmem>>
      %dma_start3A_509 = tpu.memref_squeeze %dma_start3A_508 : memref<1x512x768xf32, #tpu.memory_space<vmem>> -> memref<512x768xf32, #tpu.memory_space<vmem>>
      %dma_start3A_510 = arith.constant 0 : i32
      %dma_start3A_511 = arith.constant 0 : i32
      %dma_start3A_512 = tpu.memref_slice %arg5[%add3A_477, %dma_start3A_510, %dma_start3A_511] : memref<8x3072x768xf32, #tpu.memory_space<any>> -> memref<1x512x768xf32, #tpu.memory_space<any>>
      %dma_start3A_513 = tpu.memref_squeeze %dma_start3A_512 : memref<1x512x768xf32, #tpu.memory_space<any>> -> memref<512x768xf32, #tpu.memory_space<any>>
      tpu.enqueue_dma source(%dma_start3A_513 : memref<512x768xf32, #tpu.memory_space<any>>) target(%dma_start3A_509 : memref<512x768xf32, #tpu.memory_space<vmem>>) target_semaphore(%dma_start3A_505 : memref<!tpu.dma_semaphore, #tpu.memory_space<semaphore_mem>>)
    } else {
    }
    %dma_wait3A_436 = arith.constant 1 : i32
    %dma_wait3A_437 = arith.constant 1 : i32
    %dma_wait3A_438 = tpu.memref_slice %arg10[%dma_wait3A_437] : memref<2x!tpu.dma_semaphore, #tpu.memory_space<semaphore_mem>> -> memref<1x!tpu.dma_semaphore, #tpu.memory_space<semaphore_mem>>
    %dma_wait3A_439 = tpu.memref_squeeze %dma_wait3A_438 : memref<1x!tpu.dma_semaphore, #tpu.memory_space<semaphore_mem>> -> memref<!tpu.dma_semaphore, #tpu.memory_space<semaphore_mem>>
    %dma_wait3A_440 = arith.constant 0 : i32
    %dma_wait3A_441 = arith.constant 0 : i32
    %dma_wait3A_442 = tpu.memref_slice %arg7[%dma_wait3A_436, %dma_wait3A_440, %dma_wait3A_441] : memref<2x768x512xf32, #tpu.memory_space<vmem>> -> memref<1x768x512xf32, #tpu.memory_space<vmem>>
    %dma_wait3A_443 = tpu.memref_squeeze %dma_wait3A_442 : memref<1x768x512xf32, #tpu.memory_space<vmem>> -> memref<768x512xf32, #tpu.memory_space<vmem>>
    %dma_wait3A_444 = arith.constant 0 : i32
    %dma_wait3A_445 = arith.constant 2560 : i32
    %dma_wait3A_446 = tpu.memref_slice %arg3[%arg0, %dma_wait3A_444, %dma_wait3A_445] : memref<8x768x3072xf32, #tpu.memory_space<any>> -> memref<1x768x512xf32, #tpu.memory_space<any>>
    %dma_wait3A_447 = tpu.memref_squeeze %dma_wait3A_446 : memref<1x768x512xf32, #tpu.memory_space<any>> -> memref<768x512xf32, #tpu.memory_space<any>>
    tpu.wait_dma2 semaphore(%dma_wait3A_439 : memref<!tpu.dma_semaphore, #tpu.memory_space<semaphore_mem>>) src(%dma_wait3A_447 : memref<768x512xf32, #tpu.memory_space<any>>) dst(%dma_wait3A_443 : memref<768x512xf32, #tpu.memory_space<vmem>>)
    %dma_wait3A_448 = arith.constant 1 : i32
    %dma_wait3A_449 = arith.constant 1 : i32
    %dma_wait3A_450 = tpu.memref_slice %arg10[%dma_wait3A_449] : memref<2x!tpu.dma_semaphore, #tpu.memory_space<semaphore_mem>> -> memref<1x!tpu.dma_semaphore, #tpu.memory_space<semaphore_mem>>
    %dma_wait3A_451 = tpu.memref_squeeze %dma_wait3A_450 : memref<1x!tpu.dma_semaphore, #tpu.memory_space<semaphore_mem>> -> memref<!tpu.dma_semaphore, #tpu.memory_space<semaphore_mem>>
    %dma_wait3A_452 = arith.constant 0 : i32
    %dma_wait3A_453 = arith.constant 0 : i32
    %dma_wait3A_454 = tpu.memref_slice %arg8[%dma_wait3A_448, %dma_wait3A_452, %dma_wait3A_453] : memref<2x768x512xf32, #tpu.memory_space<vmem>> -> memref<1x768x512xf32, #tpu.memory_space<vmem>>
    %dma_wait3A_455 = tpu.memref_squeeze %dma_wait3A_454 : memref<1x768x512xf32, #tpu.memory_space<vmem>> -> memref<768x512xf32, #tpu.memory_space<vmem>>
    %dma_wait3A_456 = arith.constant 0 : i32
    %dma_wait3A_457 = arith.constant 2560 : i32
    %dma_wait3A_458 = tpu.memref_slice %arg4[%arg0, %dma_wait3A_456, %dma_wait3A_457] : memref<8x768x3072xf32, #tpu.memory_space<any>> -> memref<1x768x512xf32, #tpu.memory_space<any>>
    %dma_wait3A_459 = tpu.memref_squeeze %dma_wait3A_458 : memref<1x768x512xf32, #tpu.memory_space<any>> -> memref<768x512xf32, #tpu.memory_space<any>>
    tpu.wait_dma2 semaphore(%dma_wait3A_451 : memref<!tpu.dma_semaphore, #tpu.memory_space<semaphore_mem>>) src(%dma_wait3A_459 : memref<768x512xf32, #tpu.memory_space<any>>) dst(%dma_wait3A_455 : memref<768x512xf32, #tpu.memory_space<vmem>>)
    %dma_wait3A_460 = arith.constant 1 : i32
    %dma_wait3A_461 = arith.constant 1 : i32
    %dma_wait3A_462 = tpu.memref_slice %arg10[%dma_wait3A_461] : memref<2x!tpu.dma_semaphore, #tpu.memory_space<semaphore_mem>> -> memref<1x!tpu.dma_semaphore, #tpu.memory_space<semaphore_mem>>
    %dma_wait3A_463 = tpu.memref_squeeze %dma_wait3A_462 : memref<1x!tpu.dma_semaphore, #tpu.memory_space<semaphore_mem>> -> memref<!tpu.dma_semaphore, #tpu.memory_space<semaphore_mem>>
    %dma_wait3A_464 = arith.constant 0 : i32
    %dma_wait3A_465 = arith.constant 0 : i32
    %dma_wait3A_466 = tpu.memref_slice %arg9[%dma_wait3A_460, %dma_wait3A_464, %dma_wait3A_465] : memref<2x512x768xf32, #tpu.memory_space<vmem>> -> memref<1x512x768xf32, #tpu.memory_space<vmem>>
    %dma_wait3A_467 = tpu.memref_squeeze %dma_wait3A_466 : memref<1x512x768xf32, #tpu.memory_space<vmem>> -> memref<512x768xf32, #tpu.memory_space<vmem>>
    %dma_wait3A_468 = arith.constant 2560 : i32
    %dma_wait3A_469 = arith.constant 0 : i32
    %dma_wait3A_470 = tpu.memref_slice %arg5[%arg0, %dma_wait3A_468, %dma_wait3A_469] : memref<8x3072x768xf32, #tpu.memory_space<any>> -> memref<1x512x768xf32, #tpu.memory_space<any>>
    %dma_wait3A_471 = tpu.memref_squeeze %dma_wait3A_470 : memref<1x512x768xf32, #tpu.memory_space<any>> -> memref<512x768xf32, #tpu.memory_space<any>>
    tpu.wait_dma2 semaphore(%dma_wait3A_463 : memref<!tpu.dma_semaphore, #tpu.memory_space<semaphore_mem>>) src(%dma_wait3A_471 : memref<512x768xf32, #tpu.memory_space<any>>) dst(%dma_wait3A_467 : memref<512x768xf32, #tpu.memory_space<vmem>>)
    %lt3A_472 = arith.cmpi slt, %get3A_3, %get3A_7 : i32
    %convert_element_type3A_473 = arith.extui %lt3A_472 : i1 to i32
    %cond3A_474 = arith.constant 0 : i32
    %cond3A_475 = arith.cmpi ne, %convert_element_type3A_473, %cond3A_474 : i32
    scf.if %cond3A_475 {
      %while3A = arith.constant 0 : i32
      %while3A_476 = arith.subi %select_n3A_51, %select_n3A : i32
      %while3A_477 = arith.addi %select_n3A, %while3A_476 : i32
      %while3A_478 = arith.constant 1 : i32
      %while3A_479 = arith.divsi %while3A_476, %while3A_478 : i32
      %while3A_480 = arith.muli %while3A_479, %while3A_478 : i32
      %while3A_481 = arith.addi %select_n3A, %while3A_480 : i32
      %while3A_482 = arith.constant 1 : i32
      scf.for %while3A_484 = %select_n3A to %while3A_481 step %while3A_482  : i32 {
        %mul3A = arith.constant 256 : i32
        %mul3A_485 = arith.muli %while3A_484, %mul3A : i32
        %get3A_486 = arith.index_cast %mul3A_485 : i32 to index
        %get3A_487 = arith.constant 0 : index
        %get3A_488 = vector.load %arg2[%get3A_486, %get3A_487] : memref<4096x768xf32, #tpu.memory_space<vmem>>, vector<256x768xf32>
        %mul3A_489 = arith.constant 256 : i32
        %mul3A_490 = arith.muli %while3A_484, %mul3A_489 : i32
        %add3A_491 = vector.broadcast %mul3A_490 : i32 to vector<256x1xi32>
        %add3A_492 = arith.addi %add3A_491, %iota3A : vector<256x1xi32>
        %ge3A = vector.broadcast %get3A_3 : i32 to vector<256x1xi32>
        %ge3A_493 = arith.cmpi sge, %add3A_492, %ge3A : vector<256x1xi32>
        %lt3A_494 = vector.broadcast %get3A_7 : i32 to vector<256x1xi32>
        %lt3A_495 = arith.cmpi slt, %add3A_492, %lt3A_494 : vector<256x1xi32>
        %and3A_496 = arith.andi %ge3A_493, %lt3A_495 : vector<256x1xi1>
        %jit3A_497 = arith.constant 0.000000e+00 : f32
        %broadcast_in_dim3A = vector.shape_cast %and3A_496 : vector<256x1xi1> to vector<256x1xi1>
        %broadcast_in_dim3A_498 = vector.broadcast %broadcast_in_dim3A : vector<256x1xi1> to vector<256x768xi1>
        %broadcast_in_dim3A_499 = vector.broadcast %jit3A_497 : f32 to vector<256x768xf32>
        %select_n3A_500 = arith.select %broadcast_in_dim3A_498, %get3A_488, %broadcast_in_dim3A_499 : vector<256x768xi1>, vector<256x768xf32>
        %get3A_501 = arith.constant 1 : index
        %get3A_502 = arith.constant 0 : index
        %get3A_503 = arith.constant 0 : index
        %get3A_504 = vector.load %arg7[%get3A_501, %get3A_502, %get3A_503] : memref<2x768x512xf32, #tpu.memory_space<vmem>>, vector<1x768x512xf32>
        %get3A_505 = vector.shape_cast %get3A_504 : vector<1x768x512xf32> to vector<768x512xf32>
        %dot_general3A = arith.constant dense<0.000000e+00> : vector<256x512xf32>
        %dot_general3A_506 = tpu.matmul %select_n3A_500, %get3A_505, %dot_general3A {dimension_numbers = #tpu.dot_dimension_numbers<[1], [0], [0], [1], [0, 0, 1, 1], [], []>, transpose_lhs_hint = false} : vector<256x768xf32>, vector<768x512xf32>, vector<256x512xf32> -> vector<256x512xf32>
        %get3A_507 = arith.constant 1 : index
        %get3A_508 = arith.constant 0 : index
        %get3A_509 = arith.constant 0 : index
        %get3A_510 = vector.load %arg8[%get3A_507, %get3A_508, %get3A_509] : memref<2x768x512xf32, #tpu.memory_space<vmem>>, vector<1x768x512xf32>
        %get3A_511 = vector.shape_cast %get3A_510 : vector<1x768x512xf32> to vector<768x512xf32>
        %dot_general3A_512 = arith.constant dense<0.000000e+00> : vector<256x512xf32>
        %dot_general3A_513 = tpu.matmul %select_n3A_500, %get3A_511, %dot_general3A_512 {dimension_numbers = #tpu.dot_dimension_numbers<[1], [0], [0], [1], [0, 0, 1, 1], [], []>, transpose_lhs_hint = false} : vector<256x768xf32>, vector<768x512xf32>, vector<256x512xf32> -> vector<256x512xf32>
        %neg3A = arith.constant 0.000000e+00 : f32
        %neg3A_514 = vector.broadcast %neg3A : f32 to vector<256x512xf32>
        %neg3A_515 = arith.subf %neg3A_514, %dot_general3A_506 : vector<256x512xf32>
        %exp3A = math.exp %neg3A_515 : vector<256x512xf32>
        %add3A_516 = arith.constant 1.000000e+00 : f32
        %add3A_517 = vector.broadcast %add3A_516 : f32 to vector<256x512xf32>
        %add3A_518 = arith.addf %add3A_517, %exp3A : vector<256x512xf32>
        %div3A_519 = arith.divf %dot_general3A_506, %add3A_518 : vector<256x512xf32>
        %mul3A_520 = arith.mulf %div3A_519, %dot_general3A_513 : vector<256x512xf32>
        %get3A_521 = arith.constant 1 : index
        %get3A_522 = arith.constant 0 : index
        %get3A_523 = arith.constant 0 : index
        %get3A_524 = vector.load %arg9[%get3A_521, %get3A_522, %get3A_523] : memref<2x512x768xf32, #tpu.memory_space<vmem>>, vector<1x512x768xf32>
        %get3A_525 = vector.shape_cast %get3A_524 : vector<1x512x768xf32> to vector<512x768xf32>
        %dot_general3A_526 = arith.constant dense<0.000000e+00> : vector<256x768xf32>
        %dot_general3A_527 = tpu.matmul %mul3A_520, %get3A_525, %dot_general3A_526 {dimension_numbers = #tpu.dot_dimension_numbers<[1], [0], [0], [1], [0, 0, 1, 1], [], []>, transpose_lhs_hint = false} : vector<256x512xf32>, vector<512x768xf32>, vector<256x768xf32> -> vector<256x768xf32>
        %get3A_528 = arith.index_cast %mul3A_485 : i32 to index
        %get3A_529 = arith.constant 0 : index
        %get3A_530 = vector.load %arg6[%get3A_528, %get3A_529] : memref<4096x768xf32, #tpu.memory_space<vmem>>, vector<256x768xf32>
        %add3A_531 = arith.addf %get3A_530, %dot_general3A_527 : vector<256x768xf32>
        %swap3A = arith.index_cast %mul3A_485 : i32 to index
        %swap3A_532 = arith.constant 0 : index
        %swap3A_533 = vector.load %arg6[%swap3A, %swap3A_532] : memref<4096x768xf32, #tpu.memory_space<vmem>>, vector<256x768xf32>
        tpu.vector_store %arg6[%swap3A, %swap3A_532], %add3A_531 {strides = array<i32>} : memref<4096x768xf32, #tpu.memory_space<vmem>>, vector<256x768xf32>,
      }
      %while3A_483 = arith.constant 1 : i32
      scf.for %while3A_484 = %while3A_481 to %while3A_477 step %while3A_483  : i32 {
        %mul3A = arith.constant 256 : i32
        %mul3A_485 = arith.muli %while3A_484, %mul3A : i32
        %get3A_486 = arith.index_cast %mul3A_485 : i32 to index
        %get3A_487 = arith.constant 0 : index
        %get3A_488 = vector.load %arg2[%get3A_486, %get3A_487] : memref<4096x768xf32, #tpu.memory_space<vmem>>, vector<256x768xf32>
        %mul3A_489 = arith.constant 256 : i32
        %mul3A_490 = arith.muli %while3A_484, %mul3A_489 : i32
        %add3A_491 = vector.broadcast %mul3A_490 : i32 to vector<256x1xi32>
        %add3A_492 = arith.addi %add3A_491, %iota3A : vector<256x1xi32>
        %ge3A = vector.broadcast %get3A_3 : i32 to vector<256x1xi32>
        %ge3A_493 = arith.cmpi sge, %add3A_492, %ge3A : vector<256x1xi32>
        %lt3A_494 = vector.broadcast %get3A_7 : i32 to vector<256x1xi32>
        %lt3A_495 = arith.cmpi slt, %add3A_492, %lt3A_494 : vector<256x1xi32>
        %and3A_496 = arith.andi %ge3A_493, %lt3A_495 : vector<256x1xi1>
        %jit3A_497 = arith.constant 0.000000e+00 : f32
        %broadcast_in_dim3A = vector.shape_cast %and3A_496 : vector<256x1xi1> to vector<256x1xi1>
        %broadcast_in_dim3A_498 = vector.broadcast %broadcast_in_dim3A : vector<256x1xi1> to vector<256x768xi1>
        %broadcast_in_dim3A_499 = vector.broadcast %jit3A_497 : f32 to vector<256x768xf32>
        %select_n3A_500 = arith.select %broadcast_in_dim3A_498, %get3A_488, %broadcast_in_dim3A_499 : vector<256x768xi1>, vector<256x768xf32>
        %get3A_501 = arith.constant 1 : index
        %get3A_502 = arith.constant 0 : index
        %get3A_503 = arith.constant 0 : index
        %get3A_504 = vector.load %arg7[%get3A_501, %get3A_502, %get3A_503] : memref<2x768x512xf32, #tpu.memory_space<vmem>>, vector<1x768x512xf32>
        %get3A_505 = vector.shape_cast %get3A_504 : vector<1x768x512xf32> to vector<768x512xf32>
        %dot_general3A = arith.constant dense<0.000000e+00> : vector<256x512xf32>
        %dot_general3A_506 = tpu.matmul %select_n3A_500, %get3A_505, %dot_general3A {dimension_numbers = #tpu.dot_dimension_numbers<[1], [0], [0], [1], [0, 0, 1, 1], [], []>, transpose_lhs_hint = false} : vector<256x768xf32>, vector<768x512xf32>, vector<256x512xf32> -> vector<256x512xf32>
        %get3A_507 = arith.constant 1 : index
        %get3A_508 = arith.constant 0 : index
        %get3A_509 = arith.constant 0 : index
        %get3A_510 = vector.load %arg8[%get3A_507, %get3A_508, %get3A_509] : memref<2x768x512xf32, #tpu.memory_space<vmem>>, vector<1x768x512xf32>
        %get3A_511 = vector.shape_cast %get3A_510 : vector<1x768x512xf32> to vector<768x512xf32>
        %dot_general3A_512 = arith.constant dense<0.000000e+00> : vector<256x512xf32>
        %dot_general3A_513 = tpu.matmul %select_n3A_500, %get3A_511, %dot_general3A_512 {dimension_numbers = #tpu.dot_dimension_numbers<[1], [0], [0], [1], [0, 0, 1, 1], [], []>, transpose_lhs_hint = false} : vector<256x768xf32>, vector<768x512xf32>, vector<256x512xf32> -> vector<256x512xf32>
        %neg3A = arith.constant 0.000000e+00 : f32
        %neg3A_514 = vector.broadcast %neg3A : f32 to vector<256x512xf32>
        %neg3A_515 = arith.subf %neg3A_514, %dot_general3A_506 : vector<256x512xf32>
        %exp3A = math.exp %neg3A_515 : vector<256x512xf32>
        %add3A_516 = arith.constant 1.000000e+00 : f32
        %add3A_517 = vector.broadcast %add3A_516 : f32 to vector<256x512xf32>
        %add3A_518 = arith.addf %add3A_517, %exp3A : vector<256x512xf32>
        %div3A_519 = arith.divf %dot_general3A_506, %add3A_518 : vector<256x512xf32>
        %mul3A_520 = arith.mulf %div3A_519, %dot_general3A_513 : vector<256x512xf32>
        %get3A_521 = arith.constant 1 : index
        %get3A_522 = arith.constant 0 : index
        %get3A_523 = arith.constant 0 : index
        %get3A_524 = vector.load %arg9[%get3A_521, %get3A_522, %get3A_523] : memref<2x512x768xf32, #tpu.memory_space<vmem>>, vector<1x512x768xf32>
        %get3A_525 = vector.shape_cast %get3A_524 : vector<1x512x768xf32> to vector<512x768xf32>
        %dot_general3A_526 = arith.constant dense<0.000000e+00> : vector<256x768xf32>
        %dot_general3A_527 = tpu.matmul %mul3A_520, %get3A_525, %dot_general3A_526 {dimension_numbers = #tpu.dot_dimension_numbers<[1], [0], [0], [1], [0, 0, 1, 1], [], []>, transpose_lhs_hint = false} : vector<256x512xf32>, vector<512x768xf32>, vector<256x768xf32> -> vector<256x768xf32>
        %get3A_528 = arith.index_cast %mul3A_485 : i32 to index
        %get3A_529 = arith.constant 0 : index
        %get3A_530 = vector.load %arg6[%get3A_528, %get3A_529] : memref<4096x768xf32, #tpu.memory_space<vmem>>, vector<256x768xf32>
        %add3A_531 = arith.addf %get3A_530, %dot_general3A_527 : vector<256x768xf32>
        %swap3A = arith.index_cast %mul3A_485 : i32 to index
        %swap3A_532 = arith.constant 0 : index
        %swap3A_533 = vector.load %arg6[%swap3A, %swap3A_532] : memref<4096x768xf32, #tpu.memory_space<vmem>>, vector<256x768xf32>
        tpu.vector_store %arg6[%swap3A, %swap3A_532], %add3A_531 {strides = array<i32>} : memref<4096x768xf32, #tpu.memory_space<vmem>>, vector<256x768xf32>,
      }
    } else {
    }
    return
  }
  func.func @transform_0(%arg0: i32, %arg1: memref<1x16xi32, #tpu.memory_space<smem>>) -> (i32, i32) {
    %c0_i32 = arith.constant 0 : i32
    %c0_i32_0 = arith.constant 0 : i32
    %c0_i32_1 = arith.constant 0 : i32
    return %c0_i32, %c0_i32_0 : i32, i32
  }
  func.func @transform_4(%arg0: i32, %arg1: memref<1x16xi32, #tpu.memory_space<smem>>) -> (i32, i32) {
    %c0_i32 = arith.constant 0 : i32
    %c0_i32_0 = arith.constant 0 : i32
    %c0_i32_1 = arith.constant 0 : i32
    return %c0_i32, %c0_i32_0 : i32, i32
  }
}

</mosaic_0001>

<sc_bundles>
// kernel: kernel.6.cloned.1.call-start
scs
__scs_entry_jumppad:
0x0: {  	(pc) =	sbr.rel $0x88, $3  }
0x1: {  	(tag) =	ssettag $0x0;
	lr =	simm.s32 $0x1  }
0x2: {  	[smem:$0x3F9C] =	sst lr;
	_ =	strace $0xD0000000  }
0x3: {  	_ = 	snop  }
0x4: {  	_ = 	snop  }
0x5: {  	_ = 	snop  }
0x6: {  	_ = 	snop  }
0x7: {  	_ = 	snop  }
__scs_overlays_trampoline_lowered:
0x8: {  	[smem:$0x3FAB] =	sst s0  }
0x9: {  	[smem:$0x3FAC] =	sst s1  }
0xa: {  	[smem:$0x3FAD] =	sst s2  }
0xb: {  	[smem:$0x3FAE] =	sst s3  }
0xc: {  	[smem:$0x3FAF] =	sst s4  }
0xd: {  	[smem:$0x3FB0] =	sst s5  }
0xe: {  	[smem:$0x3FB1] =	sst s6  }
0xf: {  	[smem:$0x3FB2] =	sst s7  }
0x10: {  	[smem:$0x3FB3] =	sst s8  }
0x11: {  	[smem:$0x3FB4] =	sst s9;
	s0 =	simm.s32 @!p0 $0x0  }
0x12: {  	s1 =	sld [smem:$0x3F9A];
	s0 =	simm.s32 @p0 $0x1  }
0x13: {  	[smem:$0x3FB5] =	sst s0;
	s0 =	simm.s32 @!p1 $0x0  }
0x14: {  	s2 =	sld [smem:$0x3F99];
	s0 =	simm.s32 @p1 $0x1  }
0x15: {  	[smem:$0x3FB6] =	sst s0;
	s0 =	simm.s32 @!p2 $0x0  }
0x16: {  	s3 =	sld [smem:$0x3FDB];
	s0 =	simm.s32 @p2 $0x1  }
0x17: {  	s4 =	simm.s32 $0x1BF5;
	[smem:$0x3FB8] =	sst s0  }
0x18: {  	s0 =	sld [smem:$0x3F9B];
	_ =	swait.ge [sflag:s4], $0x0  }
0x19: {  	s7 =	sld [smem:$0x3F9C]  }
0x1a: {  	s8 =	sadd.s32 $0xFFFFE003, lr  }
0x1b: {  	s9 =	sadd.s32 $0xFFFFFEF7, lr;
	s5 =	simm.s32 $0xFFFFFFFF;
	p2 =	slt.u32 s8, $0xFFFFF086  }
0x1c: {  	p1 =	slt.u32 s9, $0xF7A;
	s5 =	simm.s32 @!p2 $0x0  }
0x1d: {  	s5 =	simm.s32 @p1 $0x1;
	p0 =	seq.s32 s7, s2  }
0x1e: {  	s7 =	smul.u32 @!p0 $0xF7A, s2;
	p2 =	seq.s32 @!p0 s5, $0x0  }
0x1f: {  	s9 =	smul.u32 $0xF7A, s1;
	s8 =	simm.s32 @!p0 $0x1BF5;
	p2 =	por !p2, p0  }
0x20: {  	[sflag:s8] =	ssyncset.s32 @!p0 $0xFFFFF086;
	s6 =	sadd.s32 @!p0 s3, s7;
	s7 =	simm.s32 @!p0 $0x108  }
0x21: {  	s3 =	sadd.s32 s3, s9;
	s6 =	sadd.s32 @!p0 $0x88, s6;
	s7 =	simm.s32 @p2 $0x1082  }
0x22: {  	[simem:s7], [sflag:s8] =	dma.local @!p0 [hbm:s6], $0xF7A  }
0x23: {  	s9 =	sor.u32 $0xD0000000, s2;
	s6 =	simm.s32 $0x108;
	_ =	swait.ge @!p0 [sflag:s8], $0x0  }
0x24: {  	s3 =	sadd.s32 $0x88, s3;
	s6 =	simm.s32 @!p1 $0x1082;
	[sflag:s4] =	ssyncset.s32 $0xFFFFF086  }
0x25: {  	[simem:s6], [sflag:s4] =	dma.local [hbm:s3], $0xF7A  }
0x26: {  	[smem:$0x3F9C] =	sst s1;
	(tag) =	ssettag s2;
	_ =	strace s9  }
0x27: {  	s1 =	sld [smem:$0x3FAC]  }
0x28: {  	s2 =	sld [smem:$0x3FAD]  }
0x29: {  	s4 =	sld [smem:$0x3FAF]  }
0x2a: {  	p0 =	seq.s32 s5, $0x0;
	s5 =	sld [smem:$0x3FB0]  }
0x2b: {  	s6 =	sld [smem:$0x3FB1]  }
0x2c: {  	s7 =	sld [smem:$0x3FB2]  }
0x2d: {  	s3 =	simm.s32 $0x108;
	s8 =	sld [smem:$0x3FB3]  }
0x2e: {  	s3 =	simm.s32 @!p0 $0x1082;
	s9 =	sld [smem:$0x3FB4]  }
0x2f: {  	lr =	sadd.s32 s0, s3;
	s0 =	sld [smem:$0x3FAB]  }
0x30: {  	s3 =	sld [smem:$0x3FAE]  }
0x31: {  	[smem:$0x3FB7] =	sst s10  }
0x32: {  	s10 =	sld [smem:$0x3FB5];
	_ =	sdelay $0x3  }
0x33: {  	p0 =	seq.s32 s10, $0x1;
	s10 =	sld [smem:$0x3FB7];
	_ =	sdelay $0x3  }
0x34: {  	[smem:$0x3FB7] =	sst s10  }
0x35: {  	s10 =	sld [smem:$0x3FB6];
	_ =	sdelay $0x3  }
0x36: {  	p1 =	seq.s32 s10, $0x1;
	s10 =	sld [smem:$0x3FB7];
	_ =	sdelay $0x3  }
0x37: {  	[smem:$0x3FB7] =	sst s10  }
0x38: {  	s10 =	sld [smem:$0x3FB8]  }
0x39: {  	_ = 	snop;
	(pc) =	sbr.ind lr, $3  }
0x3a: {  	_ = 	snop  }
0x3b: {  	_ = 	snop  }
0x3c: {  	p2 =	seq.s32 s10, $0x1;
	s10 =	sld [smem:$0x3FB7]  }
0x3d: {  	_ =	shalt  }
0x3e: {  	_ =	shalt  }
0x3f: {  	_ =	shalt  }
0x40: {  	_ =	shalt  }
0x41: {  	_ =	shalt  }
0x42: {  	_ =	shalt  }
0x43: {  	_ =	shalt  }
0x44: {  	_ =	shalt  }
0x45: {  	_ =	shalt  }
0x46: {  	_ =	shalt  }
0x47: {  	_ =	shalt  }
0x48: {  	_ =	shalt  }
0x49: {  	_ =	shalt  }
0x4a: {  	_ =	shalt  }
0x4b: {  	_ =	shalt  }
0x4c: {  	_ =	shalt  }
0x4d: {  	_ =	shalt  }
0x4e: {  	_ =	shalt  }
0x4f: {  	_ =	shalt  }
0x50: {  	_ =	shalt  }
0x51: {  	_ =	shalt  }
0x52: {  	_ =	shalt  }
0x53: {  	_ =	shalt  }
0x54: {  	_ =	shalt  }
0x55: {  	_ =	shalt  }
0x56: {  	_ =	shalt  }
0x57: {  	_ =	shalt  }
0x58: {  	_ =	shalt  }
0x59: {  	_ =	shalt  }
0x5a: {  	_ =	shalt  }
0x5b: {  	_ =	shalt  }
0x5c: {  	_ =	shalt  }
0x5d: {  	_ =	shalt  }
0x5e: {  	_ =	shalt  }
0x5f: {  	_ =	shalt  }
0x60: {  	_ =	shalt  }
0x61: {  	_ =	shalt  }
0x62: {  	_ =	shalt  }
0x63: {  	_ =	shalt  }
0x64: {  	_ =	shalt  }
0x65: {  	_ =	shalt  }
0x66: {  	_ =	shalt  }
0x67: {  	_ =	shalt  }
0x68: {  	_ =	shalt  }
0x69: {  	_ =	shalt  }
0x6a: {  	_ =	shalt  }
0x6b: {  	_ =	shalt  }
0x6c: {  	_ =	shalt  }
0x6d: {  	_ =	shalt  }
0x6e: {  	_ =	shalt  }
0x6f: {  	_ =	shalt  }
0x70: {  	_ =	shalt  }
0x71: {  	_ =	shalt  }
0x72: {  	_ =	shalt  }
0x73: {  	_ =	shalt  }
0x74: {  	_ =	shalt  }
0x75: {  	_ =	shalt  }
0x76: {  	_ =	shalt  }
0x77: {  	_ =	shalt  }
0x78: {  	_ =	shalt  }
0x79: {  	_ =	shalt  }
0x7a: {  	_ =	shalt  }
0x7b: {  	_ =	shalt  }
0x7c: {  	_ =	shalt  }
0x7d: {  	_ =	shalt  }
0x7e: {  	_ =	shalt  }
0x7f: {  	_ =	shalt  }
0x80: {  	_ =	shalt  }
0x81: {  	_ =	shalt  }
0x82: {  	_ =	shalt  }
0x83: {  	_ =	shalt  }
0x84: {  	_ =	shalt  }
0x85: {  	_ =	shalt  }
0x86: {  	_ =	shalt  }
0x87: {  	_ =	shalt  }
.Lfunc_end0:
.L_simem_size_0:
called_computation_lowered:
.L_overlay_start_0:
0x88: {  	s2 =	sld [smem:$0x3FD9]  }
0x89: {  	s3 =	sld [smem:$0x3FFE];
	_ =	sdelay $0x1  }
0x8a: {  	s1 =	srdreg.scid  }
0x8b: {  	s0 =	sand.u32 $0x1, s1  }
0x8c: {  	s17 =	sshll.u32 s0, $0xA;
	s2 =	sadd.s32 s3, s2  }
0x8d: {  	s2 =	sadd.s32 s2, s17  }
0x8e: {  	[smem:$0x3FC3] =	sst s2  }
0x8f: {  	_ = 	snop  }
0x90: {  	s2 =	sld [smem:$0x3FD0];
	(tm) =	ssettm $0x1  }
0x91: {  	s18 =	sld [smem:$0x3FFB];
	_ =	sdelay $0x3  }
0x92: {  	_ =	strace s18  }
0x93: {  	s3 =	sld [smem:$0x3FFC];
	_ =	sdelay $0x3  }
0x94: {  	_ =	strace s3  }
0x95: {  	s3 =	sld [smem:$0x3FFD];
	_ =	sdelay $0x3  }
0x96: {  	_ =	strace s3  }
0x97: {  	_ =	strace $0x8FFFFFFF  }
0x98: {  	s19 =	sld [smem:$0x3FDB];
	_ =	sdelay $0x1  }
0x99: {  	s4 =	simm.s32 $_scs_section_size  }
0x9a: {  	s5 =	simm.s32 $_size__tile_overlayer_lowered;
	s6 =	simm.s32 $_tile_overlayer_lowered  }
0x9b: {  	s22 =	simm.s32 $0x1BFF;
	s21 =	sshll.u32 s6, $0x1;
	s3 =	sadd.s32 s4, s19  }
0x9c: {  	s7 =	simm.s32 $0x0;
	s20 =	sshll.u32 s5, $0x1;
	s5 =	sadd.s32 s21, s3  }
0x9d: {  	[timem:s7], [sflag:s22] =	dma.local [hbm:s5], s20  }
0x9e: {  	_ =	swait.ge [sflag:s22], s20  }
0x9f: {  	s4 =	ssub.s32 $0x0, s20;
	[sflag:s22] =	ssyncset.done $0x0  }
0xa0: {  	[sflag:s22] =	ssyncadd.s32 s4;
	_ =	sdelay $0x1  }
0xa1: {  	s23 =	simm.s32 $0x1B8B  }
0xa2: {  	_ =	swait.ge [sflag:s23], $0x1  }
0xa3: {  	[sflag:s23] =	ssyncset.done $0x0  }
0xa4: {  	s25 =	simm.s32 $0x1B8E;
	s24 =	sld [smem:$0x3FFE];
	[sflag:s23] =	ssyncadd.s32 $0xFFFFFFFF  }
0xa5: {  	s26 =	simm.s32 $execute0_lowered;
	[smem:$0x3FD2] =	sst s25  }
0xa6: {  	s5 =	sshll.u32 s26, $0x1;
	_ =	strace $0x80000046;
	[dreg:$0x1] =	wrdreg $0xFFFFFFFF  }
0xa7: {  	s28 =	simm.s32 $_size_execute0_lowered;
	s3 =	sadd.s32 s3, s5;
	[dreg:$0x0] =	wrdreg $0x0  }
0xa8: {  	s5 =	sshll.u32 s28, $0x1;
	[dreg:$0x2] =	wrdreg s3  }
0xa9: {  	[dreg:$0x3] =	wrdreg s5  }
0xaa: {  	[dreg:$0x4] =	wrdreg $0xC0  }
0xab: {  	_ =	task [dreg:s7], $0x5FFFF  }
0xac: {  	[dreg:$0x1] =	wrdreg $0xFFFFFFFF  }
0xad: {  	[dreg:$0x0] =	wrdreg $0x60  }
0xae: {  	[dreg:$0x2] =	wrdreg s2  }
0xaf: {  	[dreg:$0x3] =	wrdreg s24  }
0xb0: {  	[dreg:$0x4] =	wrdreg $0x9  }
0xb1: {  	_ =	task.clear_ibuf [dreg:s7], $0x5FFFF;
	_ =	strace $0x90000046  }
0xb2: {  	s29 =	simm.s32 $0x9;
	_ =	strace $0x80000048  }
0xb3: {  	_ =	swait.ge [sflag:s29], $0x1  }
0xb4: {  	[sflag:s29] =	ssyncadd.s32 $0xFFFFFFFF  }
0xb5: {  	_ =	strace $0x90000048  }
0xb6: {  	_ =	sfence  }
0xb7: {  	s30 =	sld [smem:$0x0];
	_ =	sdelay $0x2  }
0xb8: {  	s31 =	sshll.u32 s1, $0xD;
	s1 =	sshrl.u32 s1, $0x2  }
0xb9: {  	s3 =	sand.u32 $0x4000, s31;
	s1 =	sadd.s32 s1, s30  }
0xba: {  	s0 =	sor.u32 s3, s0;
	s1 =	sshll.u32 s1, $0x11  }
0xbb: {  	s0 =	sor.u32 s1, s0  }
0xbc: {  	s0 =	sadd.s32 $0x8F2B, s0  }
0xbd: {  	[sflag:s0] =	ssyncadd.remote.s32 $0x1  }
0xbe: {  	_ =	sfence.sel $0xFFFF  }
0xbf: {  	[dreg:$0x0] =	wrdreg $0xFFFFFFFF;
	(pc) =	sbr.abs _section_cstart, $3  }
0xc0: {  	[dreg:$0x1] =	wrdreg $0xFFFFFFFF  }
0xc1: {  	_ =	task.clear_ibuf [dreg:s7], $0x2FFFF;
	_ =	strace $0x9FFFFFFF  }
0xc2: {  	(tm) =	ssettm $0x7FFFFFFF  }
0xc3: {  	_ =	shalt  }
tec
execute0_lowered:
.L_overlay_start_1:
0x0: {  	(tag) =	ssettag $0x1  }
0x1: {  	s1 =	srdreg.scid;
	s3 =	rddreg [dreg:$0x0]  }
0x2: {  	s2 =	simm.s32 $0x0;
	s4 =	sand.u32 $0x1, s1;
	s1 =	rddreg [dreg:$0x1]  }
0x3: {  	s20 =	simm.s32 $0x80;
	[smem:$0x7FF] =	sst s2  }
0x4: {  	s21 =	simm.s32 $0x900;
	_ =	strace $0x80000047;
	[dreg:$0x7] =	wrdreg s20  }
0x5: {  	s22 =	simm.s32 $0x1100;
	[dreg:$0x8] =	wrdreg s21  }
0x6: {  	s23 =	simm.s32 $0x1900;
	[dreg:$0x9] =	wrdreg s22  }
0x7: {  	s24 =	simm.s32 $0x2100;
	[dreg:$0xa] =	wrdreg s23  }
0x8: {  	s25 =	simm.s32 $0x2900;
	[dreg:$0xb] =	wrdreg s24  }
0x9: {  	s0 =	stileid.u32;
	s26 =	simm.s32 $0x3100;
	[dreg:$0xc] =	wrdreg s25  }
0xa: {  	s5 =	sshll.u32 s0, $0x4;
	s0 =	simm.s32 $0x3900;
	[dreg:$0xd] =	wrdreg s26  }
0xb: {  	s8 =	simm.s32 $0x5900;
	[dreg:$0xe] =	wrdreg s0  }
0xc: {  	s9 =	simm.s32 $0x6100;
	[dreg:$0x12] =	wrdreg s8  }
0xd: {  	s10 =	simm.s32 $0x6900;
	[dreg:$0x13] =	wrdreg s9  }
0xe: {  	s11 =	simm.s32 $0x7100;
	s12 =	simm.s32 $0x7900;
	[dreg:$0x14] =	wrdreg s10  }
0xf: {  	s13 =	simm.s32 $0x8100;
	s14 =	simm.s32 $0x8900;
	[dreg:$0x15] =	wrdreg s11  }
0x10: {  	s15 =	simm.s32 $0x9100;
	s17 =	simm.s32 $0x9900;
	[dreg:$0x16] =	wrdreg s12  }
0x11: {  	s28 =	simm.s32 $0x16900;
	s29 =	simm.s32 $0x17100;
	[dreg:$0x17] =	wrdreg s13  }
0x12: {  	s30 =	simm.s32 $0x17900;
	s31 =	simm.s32 $0x3;
	[dreg:$0x18] =	wrdreg s14  }
0x13: {  	s6 =	sshll.u32 s4, $0x3;
	s4 =	ssub.s32 $0x2, s4;
	[dreg:$0x19] =	wrdreg s15  }
0x14: {  	[dreg:$0x1a] =	wrdreg s17;
	s20 =	simm.s32 $0xB100;
	s21 =	simm.s32 $0xB900  }
0x15: {  	s22 =	simm.s32 $0xC900;
	s8 =	simm.s32 $0x100;
	s23 =	simm.s32 $0xD100  }
0x16: {  	s9 =	simm.s32 $0xC100;
	s24 =	simm.s32 $0xD900;
	[dreg:$0x1d] =	wrdreg s20  }
0x17: {  	s10 =	simm.s32 $0x1;
	s25 =	simm.s32 $0xE100;
	[dreg:$0x1e] =	wrdreg s21  }
0x18: {  	s11 =	simm.s32 $0x2;
	s26 =	simm.s32 $0xE900;
	[dreg:$0x1f] =	wrdreg s22  }
0x19: {  	s13 =	simm.s32 $0xF900;
	s14 =	simm.s32 $0x10100;
	[smem:$0x7FA] =	sst s23  }
0x1a: {  	s15 =	simm.s32 $0x10900;
	s17 =	simm.s32 $0x11900;
	[smem:$0x7FB] =	sst s24  }
0x1b: {  	s5 =	sor.u32 s6, s5;
	s16 =	sshrl.u32 s4, $0x1;
	[smem:$0x7FC] =	sst s25  }
0x1c: {  	[smem:$0x7FD] =	sst s26;
	s20 =	simm.s32 $0x13100;
	s6 =	sadd.s32 s5, s1  }
0x1d: {  	s21 =	simm.s32 $0x13900;
	s5 =	smul.u32 $0x300, s5;
	s7 =	sadd.s32 $0x30800, s6  }
0x1e: {  	s22 =	simm.s32 $0x14100;
	s6 =	sadd.s32 $0x30A00, s6;
	[dreg:$0x3] =	wrdreg s7  }
0x1f: {  	s23 =	simm.s32 $0x14900;
	[dreg:$0x4] =	wrdreg s6;
	s3 =	sadd.s32 s3, s5  }
0x20: {  	s18 =	sadd.s32 s5, s1;
	s5 =	simm.s32 $0x4100;
	[dreg:$0x5] =	wrdreg s3  }
0x21: {  	s24 =	simm.s32 $0x15100;
	s6 =	simm.s32 $0x4900;
	[dreg:$0xf] =	wrdreg s5  }
0x22: {  	s25 =	simm.s32 $0x15900;
	s7 =	simm.s32 $0x5100;
	[dreg:$0x10] =	wrdreg s6  }
0x23: {  	s26 =	simm.s32 $0x16100;
	s19 =	sadd.s32 $0x800, s18;
	[dreg:$0x11] =	wrdreg s7  }
0x24: {  	s3 =	sadd.s32 $0x30C00, s1;
	s6 =	ssub.s32 s4, s16;
	s18 =	simm.s32 $0xA100  }
0x25: {  	s4 =	sadd.s32 $0x30D00, s1;
	s5 =	sadd.s32 $0x30E00, s1;
	s7 =	simm.s32 $0x5  }
0x26: {  	v2 =	vlaneseq.u32;
	s16 =	simm.s32 $0x11100;
	s1 =	simm.s32 $0x4;
	[dreg:$0x6] =	wrdreg s19  }
0x27: {  	vm0 =	vmmov $0xffff;
	v1 =	vshrl.u32 v2, $0x3;
	[dreg:$0x1b] =	wrdreg s18;
	s19 =	simm.s32 $0xA900;
	s6 =	smax.u32 s6, $0x1  }
0x28: {  	v0 =	vand.u32 $0x7, v2;
	v2 =	vor.u32 $0x8, v2;
	v1 =	vmul.u32 $0x8, v1;
	s18 =	simm.s32 $0x12100;
	[dreg:$0x1c] =	wrdreg s19;
	s19 =	simm.s32 $0x12900  }
.LBB2_1:
0x29: {  	s0 =	rddreg [dreg:$0x3]  }
0x2a: {  	[tilespmem:s2], [sflag:$0x5] =	stream.linear.gather [hbm4b:s0+s2], $0x40, $0x38;
	[tilespmem:$0x18100] =	vst v63  }
0x2b: {  	_ =	swait.ge [sflag:s7], $0x40  }
0x2c: {  	s0 =	rddreg [dreg:$0x4];
	[sflag:s7] =	ssyncset.done $0x0  }
0x2d: {  	s12 =	rddreg [dreg:$0x7];
	[sflag:s7] =	ssyncadd.s32 $0xFFFFFFC0  }
0x2e: {  	[tilespmem:s12], [sflag:$0x5] =	stream.linear.gather [hbm4b:s0+s2], $0x40, $0x38;
	[tilespmem:$0x18100] =	vst v63  }
0x2f: {  	_ =	swait.ge [sflag:s7], $0x40  }
0x30: {  	[sflag:s7] =	ssyncset.done $0x0  }
0x31: {  	s0 =	rddreg [dreg:$0x5];
	[sflag:s7] =	ssyncadd.s32 $0xFFFFFFC0  }
0x32: {  	[tilespmem:s8], [sflag:$0x1] =	stream.linear.gather [hbm4b:s0+s2], $0xC000, $0x38;
	[tilespmem:$0x18100] =	vst v63  }
0x33: {  	s12 =	rddreg [dreg:$0x6]  }
0x34: {  	[tilespmem:s9], [sflag:$0x2] =	stream.linear.gather [hbm4b:s12+s2], $0xC000, $0x38;
	[tilespmem:$0x18100] =	vst v63  }
0x35: {  	_ =	swait.ge [sflag:s10], $0xC000  }
0x36: {  	[sflag:s10] =	ssyncset.done $0x0  }
0x37: {  	[sflag:s10] =	ssyncadd.s32 $0xFFFF4000  }
0x38: {  	v3 =	vld [tilespmem:$0x0];
	_ =	sdelay $0x4  }
0x39: {  	v4 =	vshrl.u32 v3, $0x3  }
0x3a: {  	v4 =	vmul.u32 $0x30, v4  }
0x3b: {  	v3 =	vand.u32 $0x7, v3  }
0x3c: {  	v3 =	vor.u32 v3, v4  }
0x3d: {  	v4 =	vperm.xlane v3, v0;
	_ =	sdelay $0x1  }
0x3e: {  	v4 =	vadd.s32 v1, v4;
	_ =	sdelay $0x3  }
0x3f: {  	v3 =	vperm.xlane v3, v2  }
0x40: {  	[hbm4b:s3+s2] =	stream.indirect_vreg.scatter [tilespmem:s8], [sflag:$0x3], $0x80, v4, vm0, $0xb8;
	[tilespmem:$0x18100] =	vst v63  }
0x41: {  	s0 =	rddreg [dreg:$0x8];
	v3 =	vadd.s32 v1, v3  }
0x42: {  	[hbm4b:s4+s2] =	stream.indirect_vreg.scatter [tilespmem:s0], [sflag:$0x3], $0x80, v4, vm0, $0xb8;
	[tilespmem:$0x18100] =	vst v63  }
0x43: {  	s12 =	rddreg [dreg:$0x9]  }
0x44: {  	[hbm4b:s5+s2] =	stream.indirect_vreg.scatter [tilespmem:s12], [sflag:$0x3], $0x80, v4, vm0, $0xb8;
	[tilespmem:$0x18100] =	vst v63  }
0x45: {  	s0 =	rddreg [dreg:$0xa]  }
0x46: {  	[hbm4b:s3+s2] =	stream.indirect_vreg.scatter [tilespmem:s0], [sflag:$0x3], $0x80, v3, vm0, $0xb8;
	[tilespmem:$0x18100] =	vst v63  }
0x47: {  	s12 =	rddreg [dreg:$0xb]  }
0x48: {  	[hbm4b:s4+s2] =	stream.indirect_vreg.scatter [tilespmem:s12], [sflag:$0x3], $0x80, v3, vm0, $0xb8;
	[tilespmem:$0x18100] =	vst v63  }
0x49: {  	s0 =	rddreg [dreg:$0xc]  }
0x4a: {  	[hbm4b:s5+s2] =	stream.indirect_vreg.scatter [tilespmem:s0], [sflag:$0x3], $0x80, v3, vm0, $0xb8;
	[tilespmem:$0x18100] =	vst v63  }
0x4b: {  	v3 =	vld [tilespmem:$0x10];
	_ =	sdelay $0x4  }
0x4c: {  	v57 =	vshrl.u32 v3, $0x3  }
0x4d: {  	v4 =	vmul.u32 $0x30, v57  }
0x4e: {  	v3 =	vand.u32 $0x7, v3  }
0x4f: {  	v3 =	vor.u32 v3, v4  }
0x50: {  	v4 =	vperm.xlane v3, v0;
	_ =	sdelay $0x1  }
0x51: {  	v4 =	vadd.s32 v1, v4;
	_ =	sdelay $0x3  }
0x52: {  	s0 =	rddreg [dreg:$0xd];
	v3 =	vperm.xlane v3, v2  }
0x53: {  	[hbm4b:s3+s2] =	stream.indirect_vreg.scatter [tilespmem:s0], [sflag:$0x3], $0x80, v4, vm0, $0xb8;
	[tilespmem:$0x18100] =	vst v63  }
0x54: {  	s12 =	rddreg [dreg:$0xe];
	v3 =	vadd.s32 v1, v3  }
0x55: {  	[hbm4b:s4+s2] =	stream.indirect_vreg.scatter [tilespmem:s12], [sflag:$0x3], $0x80, v4, vm0, $0xb8;
	[tilespmem:$0x18100] =	vst v63  }
0x56: {  	s0 =	rddreg [dreg:$0xf]  }
0x57: {  	[hbm4b:s5+s2] =	stream.indirect_vreg.scatter [tilespmem:s0], [sflag:$0x3], $0x80, v4, vm0, $0xb8;
	[tilespmem:$0x18100] =	vst v63  }
0x58: {  	s12 =	rddreg [dreg:$0x10]  }
0x59: {  	[hbm4b:s3+s2] =	stream.indirect_vreg.scatter [tilespmem:s12], [sflag:$0x3], $0x80, v3, vm0, $0xb8;
	[tilespmem:$0x18100] =	vst v63  }
0x5a: {  	s0 =	rddreg [dreg:$0x11]  }
0x5b: {  	[hbm4b:s4+s2] =	stream.indirect_vreg.scatter [tilespmem:s0], [sflag:$0x3], $0x80, v3, vm0, $0xb8;
	[tilespmem:$0x18100] =	vst v63  }
0x5c: {  	s12 =	rddreg [dreg:$0x12]  }
0x5d: {  	[hbm4b:s5+s2] =	stream.indirect_vreg.scatter [tilespmem:s12], [sflag:$0x3], $0x80, v3, vm0, $0xb8;
	[tilespmem:$0x18100] =	vst v63  }
0x5e: {  	v3 =	vld [tilespmem:$0x20];
	_ =	sdelay $0x4  }
0x5f: {  	v58 =	vshrl.u32 v3, $0x3  }
0x60: {  	v4 =	vmul.u32 $0x30, v58  }
0x61: {  	v3 =	vand.u32 $0x7, v3  }
0x62: {  	v3 =	vor.u32 v3, v4  }
0x63: {  	v4 =	vperm.xlane v3, v0;
	_ =	sdelay $0x1  }
0x64: {  	v4 =	vadd.s32 v1, v4;
	_ =	sdelay $0x3  }
0x65: {  	s0 =	rddreg [dreg:$0x13];
	v3 =	vperm.xlane v3, v2  }
0x66: {  	[hbm4b:s3+s2] =	stream.indirect_vreg.scatter [tilespmem:s0], [sflag:$0x3], $0x80, v4, vm0, $0xb8;
	[tilespmem:$0x18100] =	vst v63  }
0x67: {  	s12 =	rddreg [dreg:$0x14];
	v3 =	vadd.s32 v1, v3  }
0x68: {  	[hbm4b:s4+s2] =	stream.indirect_vreg.scatter [tilespmem:s12], [sflag:$0x3], $0x80, v4, vm0, $0xb8;
	[tilespmem:$0x18100] =	vst v63  }
0x69: {  	s0 =	rddreg [dreg:$0x15]  }
0x6a: {  	[hbm4b:s5+s2] =	stream.indirect_vreg.scatter [tilespmem:s0], [sflag:$0x3], $0x80, v4, vm0, $0xb8;
	[tilespmem:$0x18100] =	vst v63  }
0x6b: {  	s12 =	rddreg [dreg:$0x16]  }
0x6c: {  	[hbm4b:s3+s2] =	stream.indirect_vreg.scatter [tilespmem:s12], [sflag:$0x3], $0x80, v3, vm0, $0xb8;
	[tilespmem:$0x18100] =	vst v63  }
0x6d: {  	s0 =	rddreg [dreg:$0x17]  }
0x6e: {  	[hbm4b:s4+s2] =	stream.indirect_vreg.scatter [tilespmem:s0], [sflag:$0x3], $0x80, v3, vm0, $0xb8;
	[tilespmem:$0x18100] =	vst v63  }
0x6f: {  	s12 =	rddreg [dreg:$0x18]  }
0x70: {  	[hbm4b:s5+s2] =	stream.indirect_vreg.scatter [tilespmem:s12], [sflag:$0x3], $0x80, v3, vm0, $0xb8;
	[tilespmem:$0x18100] =	vst v63  }
0x71: {  	v3 =	vld [tilespmem:$0x30];
	_ =	sdelay $0x4  }
0x72: {  	v59 =	vshrl.u32 v3, $0x3  }
0x73: {  	v4 =	vmul.u32 $0x30, v59  }
0x74: {  	v3 =	vand.u32 $0x7, v3  }
0x75: {  	v3 =	vor.u32 v3, v4  }
0x76: {  	v4 =	vperm.xlane v3, v0;
	_ =	sdelay $0x1  }
0x77: {  	v4 =	vadd.s32 v1, v4;
	_ =	sdelay $0x3  }
0x78: {  	s0 =	rddreg [dreg:$0x19];
	v3 =	vperm.xlane v3, v2  }
0x79: {  	[hbm4b:s3+s2] =	stream.indirect_vreg.scatter [tilespmem:s0], [sflag:$0x3], $0x80, v4, vm0, $0xb8;
	[tilespmem:$0x18100] =	vst v63  }
0x7a: {  	s12 =	rddreg [dreg:$0x1a];
	v3 =	vadd.s32 v1, v3  }
0x7b: {  	[hbm4b:s4+s2] =	stream.indirect_vreg.scatter [tilespmem:s12], [sflag:$0x3], $0x80, v4, vm0, $0xb8;
	[tilespmem:$0x18100] =	vst v63  }
0x7c: {  	s0 =	rddreg [dreg:$0x1b]  }
0x7d: {  	[hbm4b:s5+s2] =	stream.indirect_vreg.scatter [tilespmem:s0], [sflag:$0x3], $0x80, v4, vm0, $0xb8;
	[tilespmem:$0x18100] =	vst v63  }
0x7e: {  	s12 =	rddreg [dreg:$0x1c]  }
0x7f: {  	[hbm4b:s3+s2] =	stream.indirect_vreg.scatter [tilespmem:s12], [sflag:$0x3], $0x80, v3, vm0, $0xb8;
	[tilespmem:$0x18100] =	vst v63  }
0x80: {  	s0 =	rddreg [dreg:$0x1d]  }
0x81: {  	[hbm4b:s4+s2] =	stream.indirect_vreg.scatter [tilespmem:s0], [sflag:$0x3], $0x80, v3, vm0, $0xb8;
	[tilespmem:$0x18100] =	vst v63  }
0x82: {  	s12 =	rddreg [dreg:$0x1e]  }
0x83: {  	[hbm4b:s5+s2] =	stream.indirect_vreg.scatter [tilespmem:s12], [sflag:$0x3], $0x80, v3, vm0, $0xb8;
	[tilespmem:$0x18100] =	vst v63  }
0x84: {  	_ =	swait.ge [sflag:s11], $0xC000  }
0x85: {  	[sflag:s11] =	ssyncset.done $0x0  }
0x86: {  	[sflag:s11] =	ssyncadd.s32 $0xFFFF4000  }
0x87: {  	v3 =	vld [tilespmem:$0x80];
	_ =	sdelay $0x4  }
0x88: {  	v60 =	vshrl.u32 v3, $0x3  }
0x89: {  	v4 =	vmul.u32 $0x30, v60  }
0x8a: {  	v3 =	vand.u32 $0x7, v3  }
0x8b: {  	v3 =	vor.u32 v3, v4  }
0x8c: {  	v4 =	vperm.xlane v3, v0;
	_ =	sdelay $0x1  }
0x8d: {  	v4 =	vadd.s32 v1, v4;
	_ =	sdelay $0x3  }
0x8e: {  	s0 =	rddreg [dreg:$0x1f];
	v3 =	vperm.xlane v3, v2  }
0x8f: {  	[hbm4b:s3+s2] =	stream.indirect_vreg.scatter [tilespmem:s9], [sflag:$0x4], $0x80, v4, vm0, $0xb8;
	[tilespmem:$0x18100] =	vst v63  }
0x90: {  	s12 =	sld [smem:$0x7FA];
	v3 =	vadd.s32 v1, v3  }
0x91: {  	[hbm4b:s4+s2] =	stream.indirect_vreg.scatter [tilespmem:s0], [sflag:$0x4], $0x80, v4, vm0, $0xb8;
	[tilespmem:$0x18100] =	vst v63  }
0x92: {  	s0 =	sld [smem:$0x7FB]  }
0x93: {  	[hbm4b:s5+s2] =	stream.indirect_vreg.scatter [tilespmem:s12], [sflag:$0x4], $0x80, v4, vm0, $0xb8;
	[tilespmem:$0x18100] =	vst v63  }
0x94: {  	s12 =	sld [smem:$0x7FC]  }
0x95: {  	[hbm4b:s3+s2] =	stream.indirect_vreg.scatter [tilespmem:s0], [sflag:$0x4], $0x80, v3, vm0, $0xb8;
	[tilespmem:$0x18100] =	vst v63  }
0x96: {  	s0 =	sld [smem:$0x7FD]  }
0x97: {  	[hbm4b:s4+s2] =	stream.indirect_vreg.scatter [tilespmem:s12], [sflag:$0x4], $0x80, v3, vm0, $0xb8;
	[tilespmem:$0x18100] =	vst v63  }
0x98: {  	_ = 	snop  }
0x99: {  	[hbm4b:s5+s2] =	stream.indirect_vreg.scatter [tilespmem:s0], [sflag:$0x4], $0x80, v3, vm0, $0xb8;
	[tilespmem:$0x18100] =	vst v63  }
0x9a: {  	v3 =	vld [tilespmem:$0x90];
	_ =	sdelay $0x4  }
0x9b: {  	v61 =	vshrl.u32 v3, $0x3  }
0x9c: {  	v4 =	vmul.u32 $0x30, v61  }
0x9d: {  	v3 =	vand.u32 $0x7, v3  }
0x9e: {  	v3 =	vor.u32 v3, v4  }
0x9f: {  	v4 =	vperm.xlane v3, v0;
	_ =	sdelay $0x1  }
0xa0: {  	v4 =	vadd.s32 v1, v4;
	_ =	sdelay $0x3  }
0xa1: {  	s12 =	simm.s32 $0xF100;
	v3 =	vperm.xlane v3, v2  }
0xa2: {  	[hbm4b:s3+s2] =	stream.indirect_vreg.scatter [tilespmem:s12], [sflag:$0x4], $0x80, v4, vm0, $0xb8;
	[tilespmem:$0x18100] =	vst v63  }
0xa3: {  	v3 =	vadd.s32 v1, v3  }
0xa4: {  	[hbm4b:s4+s2] =	stream.indirect_vreg.scatter [tilespmem:s13], [sflag:$0x4], $0x80, v4, vm0, $0xb8;
	[tilespmem:$0x18100] =	vst v63  }
0xa5: {  	_ = 	snop  }
0xa6: {  	[hbm4b:s5+s2] =	stream.indirect_vreg.scatter [tilespmem:s14], [sflag:$0x4], $0x80, v4, vm0, $0xb8;
	[tilespmem:$0x18100] =	vst v63  }
0xa7: {  	_ = 	snop  }
0xa8: {  	[hbm4b:s3+s2] =	stream.indirect_vreg.scatter [tilespmem:s15], [sflag:$0x4], $0x80, v3, vm0, $0xb8;
	[tilespmem:$0x18100] =	vst v63  }
0xa9: {  	_ = 	snop  }
0xaa: {  	[hbm4b:s4+s2] =	stream.indirect_vreg.scatter [tilespmem:s16], [sflag:$0x4], $0x80, v3, vm0, $0xb8;
	[tilespmem:$0x18100] =	vst v63  }
0xab: {  	_ = 	snop  }
0xac: {  	[hbm4b:s5+s2] =	stream.indirect_vreg.scatter [tilespmem:s17], [sflag:$0x4], $0x80, v3, vm0, $0xb8;
	[tilespmem:$0x18100] =	vst v63  }
0xad: {  	v3 =	vld [tilespmem:$0xA0];
	_ =	sdelay $0x4  }
0xae: {  	v62 =	vshrl.u32 v3, $0x3  }
0xaf: {  	v4 =	vmul.u32 $0x30, v62  }
0xb0: {  	v3 =	vand.u32 $0x7, v3  }
0xb1: {  	v3 =	vor.u32 v3, v4  }
0xb2: {  	v4 =	vperm.xlane v3, v0;
	_ =	sdelay $0x1  }
0xb3: {  	v4 =	vadd.s32 v1, v4;
	_ =	sdelay $0x3  }
0xb4: {  	v3 =	vperm.xlane v3, v2  }
0xb5: {  	[hbm4b:s3+s2] =	stream.indirect_vreg.scatter [tilespmem:s18], [sflag:$0x4], $0x80, v4, vm0, $0xb8;
	[tilespmem:$0x18100] =	vst v63  }
0xb6: {  	v3 =	vadd.s32 v1, v3  }
0xb7: {  	[hbm4b:s4+s2] =	stream.indirect_vreg.scatter [tilespmem:s19], [sflag:$0x4], $0x80, v4, vm0, $0xb8;
	[tilespmem:$0x18100] =	vst v63  }
0xb8: {  	_ = 	snop  }
0xb9: {  	[hbm4b:s5+s2] =	stream.indirect_vreg.scatter [tilespmem:s20], [sflag:$0x4], $0x80, v4, vm0, $0xb8;
	[tilespmem:$0x18100] =	vst v63  }
0xba: {  	_ = 	snop  }
0xbb: {  	[hbm4b:s3+s2] =	stream.indirect_vreg.scatter [tilespmem:s21], [sflag:$0x4], $0x80, v3, vm0, $0xb8;
	[tilespmem:$0x18100] =	vst v63  }
0xbc: {  	_ = 	snop  }
0xbd: {  	[hbm4b:s4+s2] =	stream.indirect_vreg.scatter [tilespmem:s22], [sflag:$0x4], $0x80, v3, vm0, $0xb8;
	[tilespmem:$0x18100] =	vst v63  }
0xbe: {  	_ = 	snop  }
0xbf: {  	[hbm4b:s5+s2] =	stream.indirect_vreg.scatter [tilespmem:s23], [sflag:$0x4], $0x80, v3, vm0, $0xb8;
	[tilespmem:$0x18100] =	vst v63  }
0xc0: {  	v3 =	vld [tilespmem:$0xB0];
	_ =	sdelay $0x4  }
0xc1: {  	v63 =	vshrl.u32 v3, $0x3  }
0xc2: {  	v4 =	vmul.u32 $0x30, v63  }
0xc3: {  	v3 =	vand.u32 $0x7, v3  }
0xc4: {  	v3 =	vor.u32 v3, v4  }
0xc5: {  	v4 =	vperm.xlane v3, v0;
	_ =	sdelay $0x1  }
0xc6: {  	v4 =	vadd.s32 v1, v4;
	_ =	sdelay $0x3  }
0xc7: {  	v3 =	vperm.xlane v3, v2  }
0xc8: {  	[hbm4b:s3+s2] =	stream.indirect_vreg.scatter [tilespmem:s24], [sflag:$0x4], $0x80, v4, vm0, $0xb8;
	[tilespmem:$0x18100] =	vst v63  }
0xc9: {  	v3 =	vadd.s32 v1, v3  }
0xca: {  	[hbm4b:s4+s2] =	stream.indirect_vreg.scatter [tilespmem:s25], [sflag:$0x4], $0x80, v4, vm0, $0xb8;
	[tilespmem:$0x18100] =	vst v63  }
0xcb: {  	_ = 	snop  }
0xcc: {  	[hbm4b:s5+s2] =	stream.indirect_vreg.scatter [tilespmem:s26], [sflag:$0x4], $0x80, v4, vm0, $0xb8;
	[tilespmem:$0x18100] =	vst v63  }
0xcd: {  	_ = 	snop  }
0xce: {  	[hbm4b:s3+s2] =	stream.indirect_vreg.scatter [tilespmem:s28], [sflag:$0x4], $0x80, v3, vm0, $0xb8;
	[tilespmem:$0x18100] =	vst v63  }
0xcf: {  	_ = 	snop  }
0xd0: {  	[hbm4b:s4+s2] =	stream.indirect_vreg.scatter [tilespmem:s29], [sflag:$0x4], $0x80, v3, vm0, $0xb8;
	[tilespmem:$0x18100] =	vst v63  }
0xd1: {  	_ = 	snop  }
0xd2: {  	[hbm4b:s5+s2] =	stream.indirect_vreg.scatter [tilespmem:s30], [sflag:$0x4], $0x80, v3, vm0, $0xb8;
	[tilespmem:$0x18100] =	vst v63  }
0xd3: {  	p0 =	sne.s32 s6, $0x1;
	_ =	swait.ge [sflag:s31], $0xC000  }
.Ltmp0:
0xd4: {  	[sflag:s31] =	ssyncset.done $0x0;
	(pc) =	sbr.rel @p0 .LBB2_1-.Ltmp0, $4  }
0xd5: {  	[sflag:s31] =	ssyncadd.s32 $0xFFFF4000  }
0xd6: {  	_ =	swait.ge [sflag:s1], $0xC000  }
0xd7: {  	[sflag:s1] =	ssyncset.done $0x0  }
0xd8: {  	s6 =	sadd.s32 $0xFFFFFFFF, s6;
	[sflag:s1] =	ssyncadd.s32 $0xFFFF4000  }
0xd9: {  	_ =	sfence.sel $0x180000  }
0xda: {  	[bflag:$0x0] =	sbarrier.arrive $0xFFFF  }
0xdb: {  	_ =	strace $0x90000047  }
0xdc: {  	s0 =	stileid.u32;
	[bflag:$0x2] =	sbarrier.arrive $0xFFFF  }
0xdd: {  	p0 =	sne.s32 s0, $0x0;
	s0 =	rddreg [dreg:$0x2]  }
0xde: {  	s0 =	sadd.s32 @!p0 $0x100000, s0  }
0xdf: {  	[sflag:s0] =	ssyncadd.tile.s32 @!p0 $0x1;
	_ =	shalt  }
.Lfunc_end2:
_tile_overlayer_lowered:
.L_overlay_start_2:
0xe0: {  	(tag) =	ssettag $0x2  }
0xe1: {  	s0 =	rddreg [dreg:$0x0];
	s2 =	stileid.u32  }
0xe2: {  	s1 =	rddreg [dreg:$0x1];
	p0 =	sne.s32 s2, $0x0  }
0xe3: {  	s3 =	rddreg [dreg:$0x2];
	[bflag:$0x3] =	sbarrier.arrive $0xFFFF;
	s2 =	simm.s32 @!p0 $0x1C05  }
0xe4: {  	[timem:s3], [sflag:s2] =	dma.local @!p0 [hbm:s0], s1  }
0xe5: {  	s0 =	simm.s32 @!p0 $0x5  }
0xe6: {  	_ =	swait.ge @!p0 [sflag:s0], s1  }
0xe7: {  	s1 =	ssub.s32 @!p0 $0x0, s1;
	[sflag:s0] =	ssyncset.done @!p0 $0x0  }
0xe8: {  	[sflag:s0] =	ssyncadd.s32 @!p0 s1  }
0xe9: {  	[bflag:$0x3] =	sbarrier.arrive $0xFFFF  }
0xea: {  	_ =	shalt  }

// kernel: kernel.9.cloned.1.call-start
scs
__scs_entry_jumppad:
0x0: {  	(pc) =	sbr.rel $0x88, $3  }
0x1: {  	(tag) =	ssettag $0x0;
	lr =	simm.s32 $0x1  }
0x2: {  	[smem:$0x3F9C] =	sst lr;
	_ =	strace $0xD0000000  }
0x3: {  	_ = 	snop  }
0x4: {  	_ = 	snop  }
0x5: {  	_ = 	snop  }
0x6: {  	_ = 	snop  }
0x7: {  	_ = 	snop  }
__scs_overlays_trampoline_lowered:
0x8: {  	[smem:$0x3FAB] =	sst s0  }
0x9: {  	[smem:$0x3FAC] =	sst s1  }
0xa: {  	[smem:$0x3FAD] =	sst s2  }
0xb: {  	[smem:$0x3FAE] =	sst s3  }
0xc: {  	[smem:$0x3FAF] =	sst s4  }
0xd: {  	[smem:$0x3FB0] =	sst s5  }
0xe: {  	[smem:$0x3FB1] =	sst s6  }
0xf: {  	[smem:$0x3FB2] =	sst s7  }
0x10: {  	[smem:$0x3FB3] =	sst s8  }
0x11: {  	[smem:$0x3FB4] =	sst s9;
	s0 =	simm.s32 @!p0 $0x0  }
0x12: {  	s1 =	sld [smem:$0x3F9A];
	s0 =	simm.s32 @p0 $0x1  }
0x13: {  	[smem:$0x3FB5] =	sst s0;
	s0 =	simm.s32 @!p1 $0x0  }
0x14: {  	s2 =	sld [smem:$0x3F99];
	s0 =	simm.s32 @p1 $0x1  }
0x15: {  	[smem:$0x3FB6] =	sst s0;
	s0 =	simm.s32 @!p2 $0x0  }
0x16: {  	s3 =	sld [smem:$0x3FDB];
	s0 =	simm.s32 @p2 $0x1  }
0x17: {  	s4 =	simm.s32 $0x1BF5;
	[smem:$0x3FB8] =	sst s0  }
0x18: {  	s0 =	sld [smem:$0x3F9B];
	_ =	swait.ge [sflag:s4], $0x0  }
0x19: {  	s7 =	sld [smem:$0x3F9C]  }
0x1a: {  	s8 =	sadd.s32 $0xFFFFE003, lr  }
0x1b: {  	s9 =	sadd.s32 $0xFFFFFEF7, lr;
	s5 =	simm.s32 $0xFFFFFFFF;
	p2 =	slt.u32 s8, $0xFFFFF086  }
0x1c: {  	p1 =	slt.u32 s9, $0xF7A;
	s5 =	simm.s32 @!p2 $0x0  }
0x1d: {  	s5 =	simm.s32 @p1 $0x1;
	p0 =	seq.s32 s7, s2  }
0x1e: {  	s7 =	smul.u32 @!p0 $0xF7A, s2;
	p2 =	seq.s32 @!p0 s5, $0x0  }
0x1f: {  	s9 =	smul.u32 $0xF7A, s1;
	s8 =	simm.s32 @!p0 $0x1BF5;
	p2 =	por !p2, p0  }
0x20: {  	[sflag:s8] =	ssyncset.s32 @!p0 $0xFFFFF086;
	s6 =	sadd.s32 @!p0 s3, s7;
	s7 =	simm.s32 @!p0 $0x108  }
0x21: {  	s3 =	sadd.s32 s3, s9;
	s6 =	sadd.s32 @!p0 $0x88, s6;
	s7 =	simm.s32 @p2 $0x1082  }
0x22: {  	[simem:s7], [sflag:s8] =	dma.local @!p0 [hbm:s6], $0xF7A  }
0x23: {  	s9 =	sor.u32 $0xD0000000, s2;
	s6 =	simm.s32 $0x108;
	_ =	swait.ge @!p0 [sflag:s8], $0x0  }
0x24: {  	s3 =	sadd.s32 $0x88, s3;
	s6 =	simm.s32 @!p1 $0x1082;
	[sflag:s4] =	ssyncset.s32 $0xFFFFF086  }
0x25: {  	[simem:s6], [sflag:s4] =	dma.local [hbm:s3], $0xF7A  }
0x26: {  	[smem:$0x3F9C] =	sst s1;
	(tag) =	ssettag s2;
	_ =	strace s9  }
0x27: {  	s1 =	sld [smem:$0x3FAC]  }
0x28: {  	s2 =	sld [smem:$0x3FAD]  }
0x29: {  	s4 =	sld [smem:$0x3FAF]  }
0x2a: {  	p0 =	seq.s32 s5, $0x0;
	s5 =	sld [smem:$0x3FB0]  }
0x2b: {  	s6 =	sld [smem:$0x3FB1]  }
0x2c: {  	s7 =	sld [smem:$0x3FB2]  }
0x2d: {  	s3 =	simm.s32 $0x108;
	s8 =	sld [smem:$0x3FB3]  }
0x2e: {  	s3 =	simm.s32 @!p0 $0x1082;
	s9 =	sld [smem:$0x3FB4]  }
0x2f: {  	lr =	sadd.s32 s0, s3;
	s0 =	sld [smem:$0x3FAB]  }
0x30: {  	s3 =	sld [smem:$0x3FAE]  }
0x31: {  	[smem:$0x3FB7] =	sst s10  }
0x32: {  	s10 =	sld [smem:$0x3FB5];
	_ =	sdelay $0x3  }
0x33: {  	p0 =	seq.s32 s10, $0x1;
	s10 =	sld [smem:$0x3FB7];
	_ =	sdelay $0x3  }
0x34: {  	[smem:$0x3FB7] =	sst s10  }
0x35: {  	s10 =	sld [smem:$0x3FB6];
	_ =	sdelay $0x3  }
0x36: {  	p1 =	seq.s32 s10, $0x1;
	s10 =	sld [smem:$0x3FB7];
	_ =	sdelay $0x3  }
0x37: {  	[smem:$0x3FB7] =	sst s10  }
0x38: {  	s10 =	sld [smem:$0x3FB8]  }
0x39: {  	_ = 	snop;
	(pc) =	sbr.ind lr, $3  }
0x3a: {  	_ = 	snop  }
0x3b: {  	_ = 	snop  }
0x3c: {  	p2 =	seq.s32 s10, $0x1;
	s10 =	sld [smem:$0x3FB7]  }
0x3d: {  	_ =	shalt  }
0x3e: {  	_ =	shalt  }
0x3f: {  	_ =	shalt  }
0x40: {  	_ =	shalt  }
0x41: {  	_ =	shalt  }
0x42: {  	_ =	shalt  }
0x43: {  	_ =	shalt  }
0x44: {  	_ =	shalt  }
0x45: {  	_ =	shalt  }
0x46: {  	_ =	shalt  }
0x47: {  	_ =	shalt  }
0x48: {  	_ =	shalt  }
0x49: {  	_ =	shalt  }
0x4a: {  	_ =	shalt  }
0x4b: {  	_ =	shalt  }
0x4c: {  	_ =	shalt  }
0x4d: {  	_ =	shalt  }
0x4e: {  	_ =	shalt  }
0x4f: {  	_ =	shalt  }
0x50: {  	_ =	shalt  }
0x51: {  	_ =	shalt  }
0x52: {  	_ =	shalt  }
0x53: {  	_ =	shalt  }
0x54: {  	_ =	shalt  }
0x55: {  	_ =	shalt  }
0x56: {  	_ =	shalt  }
0x57: {  	_ =	shalt  }
0x58: {  	_ =	shalt  }
0x59: {  	_ =	shalt  }
0x5a: {  	_ =	shalt  }
0x5b: {  	_ =	shalt  }
0x5c: {  	_ =	shalt  }
0x5d: {  	_ =	shalt  }
0x5e: {  	_ =	shalt  }
0x5f: {  	_ =	shalt  }
0x60: {  	_ =	shalt  }
0x61: {  	_ =	shalt  }
0x62: {  	_ =	shalt  }
0x63: {  	_ =	shalt  }
0x64: {  	_ =	shalt  }
0x65: {  	_ =	shalt  }
0x66: {  	_ =	shalt  }
0x67: {  	_ =	shalt  }
0x68: {  	_ =	shalt  }
0x69: {  	_ =	shalt  }
0x6a: {  	_ =	shalt  }
0x6b: {  	_ =	shalt  }
0x6c: {  	_ =	shalt  }
0x6d: {  	_ =	shalt  }
0x6e: {  	_ =	shalt  }
0x6f: {  	_ =	shalt  }
0x70: {  	_ =	shalt  }
0x71: {  	_ =	shalt  }
0x72: {  	_ =	shalt  }
0x73: {  	_ =	shalt  }
0x74: {  	_ =	shalt  }
0x75: {  	_ =	shalt  }
0x76: {  	_ =	shalt  }
0x77: {  	_ =	shalt  }
0x78: {  	_ =	shalt  }
0x79: {  	_ =	shalt  }
0x7a: {  	_ =	shalt  }
0x7b: {  	_ =	shalt  }
0x7c: {  	_ =	shalt  }
0x7d: {  	_ =	shalt  }
0x7e: {  	_ =	shalt  }
0x7f: {  	_ =	shalt  }
0x80: {  	_ =	shalt  }
0x81: {  	_ =	shalt  }
0x82: {  	_ =	shalt  }
0x83: {  	_ =	shalt  }
0x84: {  	_ =	shalt  }
0x85: {  	_ =	shalt  }
0x86: {  	_ =	shalt  }
0x87: {  	_ =	shalt  }
.Lfunc_end0:
.L_simem_size_0:
called_computation.1_lowered:
.L_overlay_start_0:
0x88: {  	s2 =	sld [smem:$0x3FD9]  }
0x89: {  	s3 =	sld [smem:$0x3FFE];
	_ =	sdelay $0x1  }
0x8a: {  	s1 =	srdreg.scid  }
0x8b: {  	s0 =	sand.u32 $0x1, s1  }
0x8c: {  	s17 =	sshll.u32 s0, $0xA;
	s2 =	sadd.s32 s3, s2  }
0x8d: {  	s2 =	sadd.s32 s2, s17  }
0x8e: {  	[smem:$0x3FC3] =	sst s2  }
0x8f: {  	_ = 	snop  }
0x90: {  	s2 =	sld [smem:$0x3FC9]  }
0x91: {  	s18 =	sld [smem:$0x3FD0];
	(tm) =	ssettm $0x1  }
0x92: {  	s4 =	sld [smem:$0x3FFB];
	_ =	sdelay $0x3  }
0x93: {  	_ =	strace s4  }
0x94: {  	s4 =	sld [smem:$0x3FFC];
	_ =	sdelay $0x3  }
0x95: {  	_ =	strace s4  }
0x96: {  	s4 =	sld [smem:$0x3FFD];
	_ =	sdelay $0x3  }
0x97: {  	_ =	strace s4  }
0x98: {  	_ =	strace $0x8FFFFFFF  }
0x99: {  	s19 =	sld [smem:$0x3FDB];
	_ =	sdelay $0x1  }
0x9a: {  	s5 =	simm.s32 $_scs_section_size  }
0x9b: {  	s6 =	simm.s32 $_size__tile_overlayer_lowered;
	s7 =	simm.s32 $_tile_overlayer_lowered  }
0x9c: {  	s22 =	simm.s32 $0x1BFF;
	s21 =	sshll.u32 s7, $0x1;
	s4 =	sadd.s32 s5, s19  }
0x9d: {  	s8 =	simm.s32 $0x0;
	s20 =	sshll.u32 s6, $0x1;
	s6 =	sadd.s32 s21, s4  }
0x9e: {  	[timem:s8], [sflag:s22] =	dma.local [hbm:s6], s20  }
0x9f: {  	_ =	swait.ge [sflag:s22], s20  }
0xa0: {  	s5 =	ssub.s32 $0x0, s20;
	[sflag:s22] =	ssyncset.done $0x0  }
0xa1: {  	[sflag:s22] =	ssyncadd.s32 s5;
	_ =	sdelay $0x1  }
0xa2: {  	s23 =	simm.s32 $0x1B8B  }
0xa3: {  	_ =	swait.ge [sflag:s23], $0x1  }
0xa4: {  	[sflag:s23] =	ssyncset.done $0x0  }
0xa5: {  	s25 =	simm.s32 $0x1B8E;
	s24 =	sld [smem:$0x3FFE];
	[sflag:s23] =	ssyncadd.s32 $0xFFFFFFFF  }
0xa6: {  	s26 =	simm.s32 $execute0_lowered;
	[smem:$0x3FD2] =	sst s25  }
0xa7: {  	s6 =	sshll.u32 s26, $0x1;
	_ =	strace $0x80000049;
	[dreg:$0x1] =	wrdreg $0xFFFFFFFF  }
0xa8: {  	s28 =	simm.s32 $_size_execute0_lowered;
	s4 =	sadd.s32 s4, s6;
	[dreg:$0x0] =	wrdreg $0x0  }
0xa9: {  	s6 =	sshll.u32 s28, $0x1;
	[dreg:$0x2] =	wrdreg s4  }
0xaa: {  	[dreg:$0x3] =	wrdreg s6  }
0xab: {  	[dreg:$0x4] =	wrdreg $0xC0  }
0xac: {  	_ =	task [dreg:s8], $0x5FFFF  }
0xad: {  	[dreg:$0x1] =	wrdreg $0xFFFFFFFF  }
0xae: {  	[dreg:$0x0] =	wrdreg $0x60  }
0xaf: {  	[dreg:$0x2] =	wrdreg s2  }
0xb0: {  	[dreg:$0x3] =	wrdreg s24  }
0xb1: {  	[dreg:$0x4] =	wrdreg s18  }
0xb2: {  	[dreg:$0x5] =	wrdreg $0x9  }
0xb3: {  	_ =	task.clear_ibuf [dreg:s8], $0x6FFFF;
	_ =	strace $0x90000049  }
0xb4: {  	s29 =	simm.s32 $0x9;
	_ =	strace $0x8000004B  }
0xb5: {  	_ =	swait.ge [sflag:s29], $0x1  }
0xb6: {  	[sflag:s29] =	ssyncadd.s32 $0xFFFFFFFF  }
0xb7: {  	_ =	strace $0x9000004B  }
0xb8: {  	_ =	sfence  }
0xb9: {  	s30 =	sld [smem:$0x0];
	_ =	sdelay $0x2  }
0xba: {  	s31 =	sshll.u32 s1, $0xD;
	s1 =	sshrl.u32 s1, $0x2  }
0xbb: {  	s3 =	sand.u32 $0x4000, s31;
	s1 =	sadd.s32 s1, s30  }
0xbc: {  	s0 =	sor.u32 s3, s0;
	s1 =	sshll.u32 s1, $0x11  }
0xbd: {  	s0 =	sor.u32 s1, s0  }
0xbe: {  	s0 =	sadd.s32 $0x8F2B, s0  }
0xbf: {  	[sflag:s0] =	ssyncadd.remote.s32 $0x1  }
0xc0: {  	_ =	sfence.sel $0xFFFF  }
0xc1: {  	[dreg:$0x0] =	wrdreg $0xFFFFFFFF;
	(pc) =	sbr.abs _section_cstart, $3  }
0xc2: {  	[dreg:$0x1] =	wrdreg $0xFFFFFFFF  }
0xc3: {  	_ =	task.clear_ibuf [dreg:s8], $0x2FFFF;
	_ =	strace $0x9FFFFFFF  }
0xc4: {  	(tm) =	ssettm $0x7FFFFFFF  }
0xc5: {  	_ =	shalt  }
tec
execute0_lowered:
.L_overlay_start_1:
0x0: {  	(tag) =	ssettag $0x1  }
0x1: {  	s0 =	rddreg [dreg:$0x0]  }
0x2: {  	s2 =	rddreg [dreg:$0x1]  }
0x3: {  	s4 =	rddreg [dreg:$0x2];
	s1 =	simm.s32 $0x0;
	s5 =	srdreg.scid  }
0x4: {  	s9 =	stileid.u32;
	s15 =	simm.s32 $0x4;
	s16 =	simm.s32 $0x80  }
0x5: {  	s17 =	simm.s32 $0x100;
	s18 =	simm.s32 $0xB100;
	s19 =	simm.s32 $0xC100  }
0x6: {  	s20 =	simm.s32 $0x2;
	s13 =	simm.s32 $0x3;
	s21 =	simm.s32 $0x0  }
0x7: {  	[smem:$0x7FF] =	sst s1;
	s3 =	sadd.s32 $0x30C00, s2;
	s5 =	sand.u32 $0x1, s5  }
0x8: {  	s9 =	sshll.u32 s9, $0x4;
	s6 =	ssub.s32 $0x2, s5;
	s5 =	sshll.u32 s5, $0x3  }
0x9: {  	s8 =	sadd.s32 $0x30800, s2;
	s10 =	sadd.s32 $0x30A00, s2;
	s5 =	sor.u32 s5, s9  }
0xa: {  	_ =	strace $0x8000004A;
	s23 =	sadd.s32 s8, s5;
	s9 =	smul.u32 $0x300, s5  }
0xb: {  	s12 =	sor.u32 $0x4, s5;
	s5 =	sadd.s32 s10, s5;
	[dreg:$0x4] =	wrdreg s23  }
0xc: {  	s7 =	sshrl.u32 s6, $0x1;
	[dreg:$0x5] =	wrdreg s5;
	s28 =	sadd.s32 s8, s12  }
0xd: {  	s11 =	ssub.s32 s6, s7;
	s29 =	sadd.s32 s10, s12;
	[dreg:$0x8] =	wrdreg s28  }
0xe: {  	s6 =	sadd.s32 $0x30D00, s2;
	s31 =	smax.u32 s11, $0x1;
	[dreg:$0x9] =	wrdreg s29  }
0xf: {  	s24 =	smul.u32 $0x300, s12;
	s25 =	sadd.s32 s0, s9;
	[dreg:$0xc] =	wrdreg s31  }
0x10: {  	s7 =	sadd.s32 $0x30E00, s2;
	s26 =	sadd.s32 s4, s9;
	[dreg:$0x6] =	wrdreg s25  }
0x11: {  	v2 =	vlaneseq.u32;
	s10 =	simm.s32 $0xA900;
	[dreg:$0x7] =	wrdreg s26;
	s0 =	sadd.s32 s0, s24  }
0x12: {  	vm0 =	vmmov $0xffff;
	v1 =	vshrl.u32 v2, $0x3;
	s11 =	simm.s32 $0xB900;
	s30 =	sadd.s32 s4, s24;
	[dreg:$0xa] =	wrdreg s0  }
0x13: {  	v0 =	vand.u32 $0x7, v2;
	v2 =	vor.u32 $0x8, v2;
	v1 =	vmul.u32 $0x8, v1;
	s12 =	simm.s32 $0x1;
	s9 =	simm.s32 $0xA100;
	[dreg:$0xb] =	wrdreg s30  }
.LBB2_1:
0x14: {  	s0 =	rddreg [dreg:$0x4]  }
0x15: {  	[tilespmem:s1], [sflag:$0x4] =	stream.linear.gather [hbm4b:s0+s1], $0x20, $0x38;
	[tilespmem:$0x12100] =	vst v63  }
0x16: {  	_ =	swait.ge [sflag:s15], $0x20  }
0x17: {  	[sflag:s15] =	ssyncset.done $0x0  }
0x18: {  	s24 =	rddreg [dreg:$0x5];
	[sflag:s15] =	ssyncadd.s32 $0xFFFFFFE0  }
0x19: {  	[tilespmem:s16], [sflag:$0x4] =	stream.linear.gather [hbm4b:s24+s1], $0x20, $0x38;
	[tilespmem:$0x12100] =	vst v63  }
0x1a: {  	_ =	swait.ge [sflag:s15], $0x20  }
0x1b: {  	[sflag:s15] =	ssyncset.done $0x0  }
0x1c: {  	[sflag:s15] =	ssyncadd.s32 $0xFFFFFFE0  }
0x1d: {  	v3 =	vld [tilespmem:$0x0];
	_ =	sdelay $0x4  }
0x1e: {  	v4 =	vshrl.u32 v3, $0x3  }
0x1f: {  	v4 =	vmul.u32 $0x30, v4  }
0x20: {  	v3 =	vand.u32 $0x7, v3  }
0x21: {  	v3 =	vor.u32 v3, v4  }
0x22: {  	v4 =	vperm.xlane v3, v0;
	_ =	sdelay $0x1  }
0x23: {  	v4 =	vadd.s32 v1, v4;
	_ =	sdelay $0x3  }
0x24: {  	v3 =	vperm.xlane v3, v2  }
0x25: {  	[tilespmem:s17], [sflag:$0x1] =	stream.indirect_vreg.gather [hbm4b:s3+s1], $0x80, v4, vm0, $0xb8;
	[tilespmem:$0x12100] =	vst v63  }
0x26: {  	s25 =	simm.s32 $0x900;
	v3 =	vadd.s32 v1, v3  }
0x27: {  	[tilespmem:s25], [sflag:$0x1] =	stream.indirect_vreg.gather [hbm4b:s6+s1], $0x80, v4, vm0, $0xb8;
	[tilespmem:$0x12100] =	vst v63  }
0x28: {  	s26 =	simm.s32 $0x1100  }
0x29: {  	[tilespmem:s26], [sflag:$0x1] =	stream.indirect_vreg.gather [hbm4b:s7+s1], $0x80, v4, vm0, $0xb8;
	[tilespmem:$0x12100] =	vst v63  }
0x2a: {  	s28 =	simm.s32 $0x1900  }
0x2b: {  	[tilespmem:s28], [sflag:$0x1] =	stream.indirect_vreg.gather [hbm4b:s3+s1], $0x80, v3, vm0, $0xb8;
	[tilespmem:$0x12100] =	vst v63  }
0x2c: {  	s29 =	simm.s32 $0x2100  }
0x2d: {  	[tilespmem:s29], [sflag:$0x1] =	stream.indirect_vreg.gather [hbm4b:s6+s1], $0x80, v3, vm0, $0xb8;
	[tilespmem:$0x12100] =	vst v63  }
0x2e: {  	s30 =	simm.s32 $0x2900  }
0x2f: {  	[tilespmem:s30], [sflag:$0x1] =	stream.indirect_vreg.gather [hbm4b:s7+s1], $0x80, v3, vm0, $0xb8;
	[tilespmem:$0x12100] =	vst v63  }
0x30: {  	v3 =	vld [tilespmem:$0x10];
	_ =	sdelay $0x4  }
0x31: {  	v61 =	vshrl.u32 v3, $0x3  }
0x32: {  	v4 =	vmul.u32 $0x30, v61  }
0x33: {  	v3 =	vand.u32 $0x7, v3  }
0x34: {  	v3 =	vor.u32 v3, v4  }
0x35: {  	v4 =	vperm.xlane v3, v0;
	_ =	sdelay $0x1  }
0x36: {  	v4 =	vadd.s32 v1, v4;
	_ =	sdelay $0x3  }
0x37: {  	s31 =	simm.s32 $0x3100;
	v3 =	vperm.xlane v3, v2  }
0x38: {  	[tilespmem:s31], [sflag:$0x1] =	stream.indirect_vreg.gather [hbm4b:s3+s1], $0x80, v4, vm0, $0xb8;
	[tilespmem:$0x12100] =	vst v63  }
0x39: {  	s2 =	simm.s32 $0x3900;
	v3 =	vadd.s32 v1, v3  }
0x3a: {  	[tilespmem:s2], [sflag:$0x1] =	stream.indirect_vreg.gather [hbm4b:s6+s1], $0x80, v4, vm0, $0xb8;
	[tilespmem:$0x12100] =	vst v63  }
0x3b: {  	s4 =	simm.s32 $0x4100  }
0x3c: {  	[tilespmem:s4], [sflag:$0x1] =	stream.indirect_vreg.gather [hbm4b:s7+s1], $0x80, v4, vm0, $0xb8;
	[tilespmem:$0x12100] =	vst v63  }
0x3d: {  	s5 =	simm.s32 $0x4900  }
0x3e: {  	[tilespmem:s5], [sflag:$0x1] =	stream.indirect_vreg.gather [hbm4b:s3+s1], $0x80, v3, vm0, $0xb8;
	[tilespmem:$0x12100] =	vst v63  }
0x3f: {  	s8 =	simm.s32 $0x5100  }
0x40: {  	[tilespmem:s8], [sflag:$0x1] =	stream.indirect_vreg.gather [hbm4b:s6+s1], $0x80, v3, vm0, $0xb8;
	[tilespmem:$0x12100] =	vst v63  }
0x41: {  	s14 =	simm.s32 $0x5900  }
0x42: {  	[tilespmem:s14], [sflag:$0x1] =	stream.indirect_vreg.gather [hbm4b:s7+s1], $0x80, v3, vm0, $0xb8;
	[tilespmem:$0x12100] =	vst v63  }
0x43: {  	v3 =	vld [tilespmem:$0x80];
	_ =	sdelay $0x4  }
0x44: {  	v62 =	vshrl.u32 v3, $0x3  }
0x45: {  	v4 =	vmul.u32 $0x30, v62  }
0x46: {  	v3 =	vand.u32 $0x7, v3  }
0x47: {  	v3 =	vor.u32 v3, v4  }
0x48: {  	v4 =	vperm.xlane v3, v0;
	_ =	sdelay $0x1  }
0x49: {  	v4 =	vadd.s32 v1, v4;
	_ =	sdelay $0x3  }
0x4a: {  	s22 =	simm.s32 $0x6100;
	v3 =	vperm.xlane v3, v2  }
0x4b: {  	[tilespmem:s22], [sflag:$0x2] =	stream.indirect_vreg.gather [hbm4b:s3+s1], $0x80, v4, vm0, $0xb8;
	[tilespmem:$0x12100] =	vst v63  }
0x4c: {  	s23 =	simm.s32 $0x6900;
	v3 =	vadd.s32 v1, v3  }
0x4d: {  	[tilespmem:s23], [sflag:$0x2] =	stream.indirect_vreg.gather [hbm4b:s6+s1], $0x80, v4, vm0, $0xb8;
	[tilespmem:$0x12100] =	vst v63  }
0x4e: {  	s24 =	simm.s32 $0x7100  }
0x4f: {  	[tilespmem:s24], [sflag:$0x2] =	stream.indirect_vreg.gather [hbm4b:s7+s1], $0x80, v4, vm0, $0xb8;
	[tilespmem:$0x12100] =	vst v63  }
0x50: {  	s25 =	simm.s32 $0x7900  }
0x51: {  	[tilespmem:s25], [sflag:$0x2] =	stream.indirect_vreg.gather [hbm4b:s3+s1], $0x80, v3, vm0, $0xb8;
	[tilespmem:$0x12100] =	vst v63  }
0x52: {  	s26 =	simm.s32 $0x8100  }
0x53: {  	[tilespmem:s26], [sflag:$0x2] =	stream.indirect_vreg.gather [hbm4b:s6+s1], $0x80, v3, vm0, $0xb8;
	[tilespmem:$0x12100] =	vst v63  }
0x54: {  	s28 =	simm.s32 $0x8900  }
0x55: {  	[tilespmem:s28], [sflag:$0x2] =	stream.indirect_vreg.gather [hbm4b:s7+s1], $0x80, v3, vm0, $0xb8;
	[tilespmem:$0x12100] =	vst v63  }
0x56: {  	v3 =	vld [tilespmem:$0x90];
	_ =	sdelay $0x4  }
0x57: {  	v63 =	vshrl.u32 v3, $0x3  }
0x58: {  	v4 =	vmul.u32 $0x30, v63  }
0x59: {  	v3 =	vand.u32 $0x7, v3  }
0x5a: {  	v3 =	vor.u32 v3, v4  }
0x5b: {  	v4 =	vperm.xlane v3, v0;
	_ =	sdelay $0x1  }
0x5c: {  	v4 =	vadd.s32 v1, v4;
	_ =	sdelay $0x3  }
0x5d: {  	s29 =	simm.s32 $0x9100;
	v3 =	vperm.xlane v3, v2  }
0x5e: {  	[tilespmem:s29], [sflag:$0x2] =	stream.indirect_vreg.gather [hbm4b:s3+s1], $0x80, v4, vm0, $0xb8;
	[tilespmem:$0x12100] =	vst v63  }
0x5f: {  	s30 =	simm.s32 $0x9900;
	v3 =	vadd.s32 v1, v3  }
0x60: {  	[tilespmem:s30], [sflag:$0x2] =	stream.indirect_vreg.gather [hbm4b:s6+s1], $0x80, v4, vm0, $0xb8;
	[tilespmem:$0x12100] =	vst v63  }
0x61: {  	_ = 	snop  }
0x62: {  	[tilespmem:s9], [sflag:$0x2] =	stream.indirect_vreg.gather [hbm4b:s7+s1], $0x80, v4, vm0, $0xb8;
	[tilespmem:$0x12100] =	vst v63  }
0x63: {  	_ = 	snop  }
0x64: {  	[tilespmem:s10], [sflag:$0x2] =	stream.indirect_vreg.gather [hbm4b:s3+s1], $0x80, v3, vm0, $0xb8;
	[tilespmem:$0x12100] =	vst v63  }
0x65: {  	_ = 	snop  }
0x66: {  	[tilespmem:s18], [sflag:$0x2] =	stream.indirect_vreg.gather [hbm4b:s6+s1], $0x80, v3, vm0, $0xb8;
	[tilespmem:$0x12100] =	vst v63  }
0x67: {  	_ = 	snop  }
0x68: {  	[tilespmem:s11], [sflag:$0x2] =	stream.indirect_vreg.gather [hbm4b:s7+s1], $0x80, v3, vm0, $0xb8;
	[tilespmem:$0x12100] =	vst v63  }
0x69: {  	s31 =	rddreg [dreg:$0x6]  }
0x6a: {  	[tilespmem:s19], [sflag:$0x3] =	stream.linear.gather [hbm4b:s31+s1], $0x6000, $0x38;
	[tilespmem:$0x12100] =	vst v63  }
0x6b: {  	_ =	swait.ge [sflag:s12], $0x6000  }
0x6c: {  	[sflag:s12] =	ssyncset.done $0x0  }
0x6d: {  	[sflag:s12] =	ssyncadd.s32 $0xFFFFA000  }
0x6e: {  	_ =	swait.ge [sflag:s20], $0x6000  }
0x6f: {  	[sflag:s20] =	ssyncset.done $0x0  }
0x70: {  	[sflag:s20] =	ssyncadd.s32 $0xFFFFA000  }
0x71: {  	_ =	swait.ge [sflag:s13], $0x6000  }
0x72: {  	[sflag:s13] =	ssyncset.done $0x0  }
0x73: {  	s14 =	simm.s32 $0x0;
	[sflag:s13] =	ssyncadd.s32 $0xFFFFA000  }
.LBB2_2:
0x74: {  	s0 =	sshrl.u32 s14, $0x3  }
0x75: {  	s26 =	sshll.u32 s14, $0x7;
	s23 =	simm.s32 $0x0;
	s22 =	smul.u32 $0x1800, s0  }
0x76: {  	s24 =	sand.u32 $0x380, s26;
	s31 =	sand.u32 $0x40, s23;
	s2 =	sand.u32 $0x1C00, s23  }
0x77: {  	s25 =	sor.u32 s24, s31;
	s2 =	sadd.s32 s22, s2  }
0x78: {  	s26 =	sor.u32 s2, s25  }
0x79: {  	v3 =	vld [tilespmem:s26+$0x100]  }
0x7a: {  	v4 =	vld [tilespmem:s26+$0x6100];
	_ =	sdelay $0x1  }
0x7b: {  	v5 =	vld [tilespmem:s26+$0xC100];
	_ =	sdelay $0x2  }
0x7c: {  	v3 =	vadd.f32 v4, v3;
	_ =	sdelay $0x1  }
0x7d: {  	s25 =	sor.u32 $0x10, s24;
	v3 =	vadd.f32 v5, v3  }
0x7e: {  	s28 =	sor.u32 s25, s31  }
0x7f: {  	s28 =	sor.u32 s2, s28;
	[tilespmem:s26+$0x100] =	vst v3  }
0x80: {  	v3 =	vld [tilespmem:s28+$0x100]  }
0x81: {  	v4 =	vld [tilespmem:s28+$0x6100];
	_ =	sdelay $0x1  }
0x82: {  	v5 =	vld [tilespmem:s28+$0xC100];
	_ =	sdelay $0x2  }
0x83: {  	v3 =	vadd.f32 v4, v3;
	_ =	sdelay $0x1  }
0x84: {  	s26 =	sor.u32 $0x20, s24;
	v3 =	vadd.f32 v5, v3  }
0x85: {  	s29 =	sor.u32 s26, s31  }
0x86: {  	s29 =	sor.u32 s2, s29;
	[tilespmem:s28+$0x100] =	vst v3  }
0x87: {  	v3 =	vld [tilespmem:s29+$0x100]  }
0x88: {  	v4 =	vld [tilespmem:s29+$0x6100];
	_ =	sdelay $0x1  }
0x89: {  	v5 =	vld [tilespmem:s29+$0xC100];
	_ =	sdelay $0x2  }
0x8a: {  	v3 =	vadd.f32 v4, v3;
	_ =	sdelay $0x1  }
0x8b: {  	s28 =	sor.u32 $0x30, s24;
	v3 =	vadd.f32 v5, v3  }
0x8c: {  	s0 =	sor.u32 s28, s31  }
0x8d: {  	s0 =	sor.u32 s2, s0;
	[tilespmem:s29+$0x100] =	vst v3  }
0x8e: {  	v4 =	vld [tilespmem:s0+$0x100]  }
0x8f: {  	v5 =	vld [tilespmem:s0+$0x6100]  }
0x90: {  	s30 =	simm.s32 $0x0;
	s29 =	simm.s32 $0x0;
	v3 =	vld [tilespmem:s0+$0xC100]  }
.LBB2_3:
0x91: {  	_ =	sdelay $0x1  }
0x92: {  	s29 =	sadd.s32 $0x4, s29;
	s23 =	sadd.s32 $0x200, s23;
	s30 =	sadd.s32 $0x40, s30  }
0x93: {  	p0 =	slt.u32 s29, $0x2C;
	v4 =	vadd.f32 v5, v4  }
0x94: {  	s2 =	sand.u32 $0x40, s30;
	s31 =	sand.u32 $0x1C00, s23  }
0x95: {  	s31 =	sadd.s32 s22, s31;
	s4 =	sor.u32 s24, s2;
	s5 =	sor.u32 s25, s2;
	v3 =	vadd.f32 v3, v4  }
0x96: {  	s8 =	sor.u32 s26, s2;
	s2 =	sor.u32 s28, s2;
	s4 =	sor.u32 s31, s4  }
0x97: {  	[tilespmem:s0+$0x100] =	vst v3  }
0x98: {  	v3 =	vld [tilespmem:s4+$0x100]  }
0x99: {  	v4 =	vld [tilespmem:s4+$0x6100];
	_ =	sdelay $0x1  }
0x9a: {  	v5 =	vld [tilespmem:s4+$0xC100];
	_ =	sdelay $0x2  }
0x9b: {  	v3 =	vadd.f32 v4, v3;
	_ =	sdelay $0x1  }
0x9c: {  	v3 =	vadd.f32 v5, v3;
	_ =	sdelay $0x1  }
0x9d: {  	s0 =	sor.u32 s31, s5;
	[tilespmem:s4+$0x100] =	vst v3  }
0x9e: {  	v3 =	vld [tilespmem:s0+$0x100]  }
0x9f: {  	v4 =	vld [tilespmem:s0+$0x6100];
	_ =	sdelay $0x1  }
0xa0: {  	v5 =	vld [tilespmem:s0+$0xC100];
	_ =	sdelay $0x2  }
0xa1: {  	v3 =	vadd.f32 v4, v3;
	_ =	sdelay $0x1  }
0xa2: {  	v3 =	vadd.f32 v5, v3;
	_ =	sdelay $0x1  }
0xa3: {  	[tilespmem:s0+$0x100] =	vst v3;
	s0 =	sor.u32 s31, s8  }
0xa4: {  	v3 =	vld [tilespmem:s0+$0x100]  }
0xa5: {  	v4 =	vld [tilespmem:s0+$0x6100];
	_ =	sdelay $0x1  }
0xa6: {  	v5 =	vld [tilespmem:s0+$0xC100];
	_ =	sdelay $0x2  }
0xa7: {  	v3 =	vadd.f32 v4, v3;
	_ =	sdelay $0x1  }
0xa8: {  	v3 =	vadd.f32 v5, v3  }
.Ltmp0:
0xa9: {  	(pc) =	sbr.rel @p0 .LBB2_3-.Ltmp0, $4  }
0xaa: {  	[tilespmem:s0+$0x100] =	vst v3;
	s0 =	sor.u32 s31, s2  }
0xab: {  	v4 =	vld [tilespmem:s0+$0x100]  }
0xac: {  	v5 =	vld [tilespmem:s0+$0x6100]  }
0xad: {  	v3 =	vld [tilespmem:s0+$0xC100]  }
0xae: {  	_ = 	snop  }
0xaf: {  	s14 =	sadd.s32 $0x1, s14  }
0xb0: {  	p0 =	sne.s32 s14, $0x20  }
.Ltmp1:
0xb1: {  	v4 =	vadd.f32 v5, v4;
	(pc) =	sbr.rel @p0 .LBB2_2-.Ltmp1, $3  }
0xb2: {  	_ = 	snop  }
0xb3: {  	v3 =	vadd.f32 v3, v4;
	_ =	sdelay $0x1  }
0xb4: {  	[tilespmem:s0+$0x100] =	vst v3  }
0xb5: {  	s14 =	simm.s32 $0x0;
	s0 =	rddreg [dreg:$0x7]  }
0xb6: {  	[hbm4b:s0+s14] =	stream.linear.scatter [tilespmem:s17], [sflag:$0x4], $0x6000, $0x38;
	[tilespmem:$0x12100] =	vst v63  }
0xb7: {  	_ =	swait.ge [sflag:s15], $0x6000  }
0xb8: {  	[sflag:s15] =	ssyncset.done $0x0  }
0xb9: {  	s23 =	rddreg [dreg:$0x8];
	[sflag:s15] =	ssyncadd.s32 $0xFFFFA000  }
0xba: {  	[tilespmem:s14], [sflag:$0x4] =	stream.linear.gather [hbm4b:s23+s14], $0x20, $0x38;
	[tilespmem:$0x12100] =	vst v63  }
0xbb: {  	_ =	swait.ge [sflag:s15], $0x20  }
0xbc: {  	[sflag:s15] =	ssyncset.done $0x0  }
0xbd: {  	s24 =	rddreg [dreg:$0x9];
	[sflag:s15] =	ssyncadd.s32 $0xFFFFFFE0  }
0xbe: {  	[tilespmem:s16], [sflag:$0x4] =	stream.linear.gather [hbm4b:s24+s14], $0x20, $0x38;
	[tilespmem:$0x12100] =	vst v63  }
0xbf: {  	_ =	swait.ge [sflag:s15], $0x20  }
0xc0: {  	[sflag:s15] =	ssyncset.done $0x0  }
0xc1: {  	[sflag:s15] =	ssyncadd.s32 $0xFFFFFFE0  }
0xc2: {  	v3 =	vld [tilespmem:$0x0];
	_ =	sdelay $0x4  }
0xc3: {  	v4 =	vshrl.u32 v3, $0x3  }
0xc4: {  	v4 =	vmul.u32 $0x30, v4  }
0xc5: {  	v3 =	vand.u32 $0x7, v3  }
0xc6: {  	v3 =	vor.u32 v3, v4  }
0xc7: {  	v4 =	vperm.xlane v3, v0;
	_ =	sdelay $0x1  }
0xc8: {  	v4 =	vadd.s32 v1, v4;
	_ =	sdelay $0x3  }
0xc9: {  	v3 =	vperm.xlane v3, v2  }
0xca: {  	[tilespmem:s17], [sflag:$0x1] =	stream.indirect_vreg.gather [hbm4b:s3+s14], $0x80, v4, vm0, $0xb8;
	[tilespmem:$0x12100] =	vst v63  }
0xcb: {  	s25 =	simm.s32 $0x900;
	v3 =	vadd.s32 v1, v3  }
0xcc: {  	[tilespmem:s25], [sflag:$0x1] =	stream.indirect_vreg.gather [hbm4b:s6+s14], $0x80, v4, vm0, $0xb8;
	[tilespmem:$0x12100] =	vst v63  }
0xcd: {  	s26 =	simm.s32 $0x1100  }
0xce: {  	[tilespmem:s26], [sflag:$0x1] =	stream.indirect_vreg.gather [hbm4b:s7+s14], $0x80, v4, vm0, $0xb8;
	[tilespmem:$0x12100] =	vst v63  }
0xcf: {  	s28 =	simm.s32 $0x1900  }
0xd0: {  	[tilespmem:s28], [sflag:$0x1] =	stream.indirect_vreg.gather [hbm4b:s3+s14], $0x80, v3, vm0, $0xb8;
	[tilespmem:$0x12100] =	vst v63  }
0xd1: {  	s29 =	simm.s32 $0x2100  }
0xd2: {  	[tilespmem:s29], [sflag:$0x1] =	stream.indirect_vreg.gather [hbm4b:s6+s14], $0x80, v3, vm0, $0xb8;
	[tilespmem:$0x12100] =	vst v63  }
0xd3: {  	s30 =	simm.s32 $0x2900  }
0xd4: {  	[tilespmem:s30], [sflag:$0x1] =	stream.indirect_vreg.gather [hbm4b:s7+s14], $0x80, v3, vm0, $0xb8;
	[tilespmem:$0x12100] =	vst v63  }
0xd5: {  	v3 =	vld [tilespmem:$0x10];
	_ =	sdelay $0x4  }
0xd6: {  	v61 =	vshrl.u32 v3, $0x3  }
0xd7: {  	v4 =	vmul.u32 $0x30, v61  }
0xd8: {  	v3 =	vand.u32 $0x7, v3  }
0xd9: {  	v3 =	vor.u32 v3, v4  }
0xda: {  	v4 =	vperm.xlane v3, v0;
	_ =	sdelay $0x1  }
0xdb: {  	v4 =	vadd.s32 v1, v4;
	_ =	sdelay $0x3  }
0xdc: {  	s31 =	simm.s32 $0x3100;
	v3 =	vperm.xlane v3, v2  }
0xdd: {  	[tilespmem:s31], [sflag:$0x1] =	stream.indirect_vreg.gather [hbm4b:s3+s14], $0x80, v4, vm0, $0xb8;
	[tilespmem:$0x12100] =	vst v63  }
0xde: {  	s2 =	simm.s32 $0x3900;
	v3 =	vadd.s32 v1, v3  }
0xdf: {  	[tilespmem:s2], [sflag:$0x1] =	stream.indirect_vreg.gather [hbm4b:s6+s14], $0x80, v4, vm0, $0xb8;
	[tilespmem:$0x12100] =	vst v63  }
0xe0: {  	s4 =	simm.s32 $0x4100  }
0xe1: {  	[tilespmem:s4], [sflag:$0x1] =	stream.indirect_vreg.gather [hbm4b:s7+s14], $0x80, v4, vm0, $0xb8;
	[tilespmem:$0x12100] =	vst v63  }
0xe2: {  	s5 =	simm.s32 $0x4900  }
0xe3: {  	[tilespmem:s5], [sflag:$0x1] =	stream.indirect_vreg.gather [hbm4b:s3+s14], $0x80, v3, vm0, $0xb8;
	[tilespmem:$0x12100] =	vst v63  }
0xe4: {  	s8 =	simm.s32 $0x5100  }
0xe5: {  	[tilespmem:s8], [sflag:$0x1] =	stream.indirect_vreg.gather [hbm4b:s6+s14], $0x80, v3, vm0, $0xb8;
	[tilespmem:$0x12100] =	vst v63  }
0xe6: {  	s16 =	simm.s32 $0x5900  }
0xe7: {  	[tilespmem:s16], [sflag:$0x1] =	stream.indirect_vreg.gather [hbm4b:s7+s14], $0x80, v3, vm0, $0xb8;
	[tilespmem:$0x12100] =	vst v63  }
0xe8: {  	v3 =	vld [tilespmem:$0x80];
	_ =	sdelay $0x4  }
0xe9: {  	v62 =	vshrl.u32 v3, $0x3  }
0xea: {  	v4 =	vmul.u32 $0x30, v62  }
0xeb: {  	v3 =	vand.u32 $0x7, v3  }
0xec: {  	v3 =	vor.u32 v3, v4  }
0xed: {  	v4 =	vperm.xlane v3, v0;
	_ =	sdelay $0x1  }
0xee: {  	v4 =	vadd.s32 v1, v4;
	_ =	sdelay $0x3  }
0xef: {  	s22 =	simm.s32 $0x6100;
	v3 =	vperm.xlane v3, v2  }
0xf0: {  	[tilespmem:s22], [sflag:$0x2] =	stream.indirect_vreg.gather [hbm4b:s3+s14], $0x80, v4, vm0, $0xb8;
	[tilespmem:$0x12100] =	vst v63  }
0xf1: {  	s23 =	simm.s32 $0x6900;
	v3 =	vadd.s32 v1, v3  }
0xf2: {  	[tilespmem:s23], [sflag:$0x2] =	stream.indirect_vreg.gather [hbm4b:s6+s14], $0x80, v4, vm0, $0xb8;
	[tilespmem:$0x12100] =	vst v63  }
0xf3: {  	s24 =	simm.s32 $0x7100  }
0xf4: {  	[tilespmem:s24], [sflag:$0x2] =	stream.indirect_vreg.gather [hbm4b:s7+s14], $0x80, v4, vm0, $0xb8;
	[tilespmem:$0x12100] =	vst v63  }
0xf5: {  	s25 =	simm.s32 $0x7900  }
0xf6: {  	[tilespmem:s25], [sflag:$0x2] =	stream.indirect_vreg.gather [hbm4b:s3+s14], $0x80, v3, vm0, $0xb8;
	[tilespmem:$0x12100] =	vst v63  }
0xf7: {  	s26 =	simm.s32 $0x8100  }
0xf8: {  	[tilespmem:s26], [sflag:$0x2] =	stream.indirect_vreg.gather [hbm4b:s6+s14], $0x80, v3, vm0, $0xb8;
	[tilespmem:$0x12100] =	vst v63  }
0xf9: {  	s28 =	simm.s32 $0x8900  }
0xfa: {  	[tilespmem:s28], [sflag:$0x2] =	stream.indirect_vreg.gather [hbm4b:s7+s14], $0x80, v3, vm0, $0xb8;
	[tilespmem:$0x12100] =	vst v63  }
0xfb: {  	v3 =	vld [tilespmem:$0x90];
	_ =	sdelay $0x4  }
0xfc: {  	v63 =	vshrl.u32 v3, $0x3  }
0xfd: {  	v4 =	vmul.u32 $0x30, v63  }
0xfe: {  	v3 =	vand.u32 $0x7, v3  }
0xff: {  	v3 =	vor.u32 v3, v4  }
0x100: {  	v4 =	vperm.xlane v3, v0;
	_ =	sdelay $0x1  }
0x101: {  	v4 =	vadd.s32 v1, v4;
	_ =	sdelay $0x3  }
0x102: {  	s29 =	simm.s32 $0x9100;
	v3 =	vperm.xlane v3, v2  }
0x103: {  	[tilespmem:s29], [sflag:$0x2] =	stream.indirect_vreg.gather [hbm4b:s3+s14], $0x80, v4, vm0, $0xb8;
	[tilespmem:$0x12100] =	vst v63  }
0x104: {  	s30 =	simm.s32 $0x9900;
	v3 =	vadd.s32 v1, v3  }
0x105: {  	[tilespmem:s30], [sflag:$0x2] =	stream.indirect_vreg.gather [hbm4b:s6+s14], $0x80, v4, vm0, $0xb8;
	[tilespmem:$0x12100] =	vst v63  }
0x106: {  	_ = 	snop  }
0x107: {  	[tilespmem:s9], [sflag:$0x2] =	stream.indirect_vreg.gather [hbm4b:s7+s14], $0x80, v4, vm0, $0xb8;
	[tilespmem:$0x12100] =	vst v63  }
0x108: {  	_ = 	snop  }
0x109: {  	[tilespmem:s10], [sflag:$0x2] =	stream.indirect_vreg.gather [hbm4b:s3+s14], $0x80, v3, vm0, $0xb8;
	[tilespmem:$0x12100] =	vst v63  }
0x10a: {  	_ = 	snop  }
0x10b: {  	[tilespmem:s18], [sflag:$0x2] =	stream.indirect_vreg.gather [hbm4b:s6+s14], $0x80, v3, vm0, $0xb8;
	[tilespmem:$0x12100] =	vst v63  }
0x10c: {  	_ = 	snop  }
0x10d: {  	[tilespmem:s11], [sflag:$0x2] =	stream.indirect_vreg.gather [hbm4b:s7+s14], $0x80, v3, vm0, $0xb8;
	[tilespmem:$0x12100] =	vst v63  }
0x10e: {  	s31 =	rddreg [dreg:$0xa]  }
0x10f: {  	[tilespmem:s19], [sflag:$0x3] =	stream.linear.gather [hbm4b:s31+s14], $0x6000, $0x38;
	[tilespmem:$0x12100] =	vst v63  }
0x110: {  	_ =	swait.ge [sflag:s12], $0x6000  }
0x111: {  	[sflag:s12] =	ssyncset.done $0x0  }
0x112: {  	[sflag:s12] =	ssyncadd.s32 $0xFFFFA000  }
0x113: {  	_ =	swait.ge [sflag:s20], $0x6000  }
0x114: {  	[sflag:s20] =	ssyncset.done $0x0  }
0x115: {  	[sflag:s20] =	ssyncadd.s32 $0xFFFFA000  }
0x116: {  	_ =	swait.ge [sflag:s13], $0x6000  }
0x117: {  	[sflag:s13] =	ssyncset.done $0x0  }
0x118: {  	s22 =	simm.s32 $0x0;
	[sflag:s13] =	ssyncadd.s32 $0xFFFFA000  }
.LBB2_6:
0x119: {  	s0 =	sshrl.u32 s22, $0x3  }
0x11a: {  	s4 =	sshll.u32 s22, $0x7;
	s23 =	smul.u32 $0x1800, s0  }
0x11b: {  	s2 =	sand.u32 $0x1C00, s14;
	s24 =	sand.u32 $0x380, s4;
	s0 =	sand.u32 $0x40, s14  }
0x11c: {  	s4 =	sor.u32 s24, s0;
	s2 =	sadd.s32 s23, s2  }
0x11d: {  	s4 =	sor.u32 s2, s4  }
0x11e: {  	v3 =	vld [tilespmem:s4+$0x100]  }
0x11f: {  	v4 =	vld [tilespmem:s4+$0x6100];
	_ =	sdelay $0x1  }
0x120: {  	v5 =	vld [tilespmem:s4+$0xC100];
	_ =	sdelay $0x2  }
0x121: {  	v3 =	vadd.f32 v4, v3;
	_ =	sdelay $0x1  }
0x122: {  	s25 =	sor.u32 $0x10, s24;
	v3 =	vadd.f32 v5, v3  }
0x123: {  	s5 =	sor.u32 s25, s0  }
0x124: {  	s5 =	sor.u32 s2, s5;
	[tilespmem:s4+$0x100] =	vst v3  }
0x125: {  	v3 =	vld [tilespmem:s5+$0x100]  }
0x126: {  	v4 =	vld [tilespmem:s5+$0x6100];
	_ =	sdelay $0x1  }
0x127: {  	v5 =	vld [tilespmem:s5+$0xC100];
	_ =	sdelay $0x2  }
0x128: {  	v3 =	vadd.f32 v4, v3;
	_ =	sdelay $0x1  }
0x129: {  	s26 =	sor.u32 $0x20, s24;
	v3 =	vadd.f32 v5, v3  }
0x12a: {  	s8 =	sor.u32 s26, s0  }
0x12b: {  	s16 =	sor.u32 s2, s8;
	[tilespmem:s5+$0x100] =	vst v3  }
0x12c: {  	v3 =	vld [tilespmem:s16+$0x100]  }
0x12d: {  	v4 =	vld [tilespmem:s16+$0x6100];
	_ =	sdelay $0x1  }
0x12e: {  	v5 =	vld [tilespmem:s16+$0xC100];
	_ =	sdelay $0x2  }
0x12f: {  	v3 =	vadd.f32 v4, v3;
	_ =	sdelay $0x1  }
0x130: {  	s28 =	sor.u32 $0x30, s24;
	v3 =	vadd.f32 v5, v3  }
0x131: {  	s0 =	sor.u32 s28, s0  }
0x132: {  	s2 =	sor.u32 s2, s0;
	[tilespmem:s16+$0x100] =	vst v3  }
0x133: {  	v4 =	vld [tilespmem:s2+$0x100]  }
0x134: {  	v5 =	vld [tilespmem:s2+$0x6100]  }
0x135: {  	s29 =	simm.s32 $0x0;
	s30 =	simm.s32 $0x0;
	s31 =	simm.s32 $0x0;
	v3 =	vld [tilespmem:s2+$0xC100]  }
.LBB2_7:
0x136: {  	_ =	sdelay $0x1  }
0x137: {  	s29 =	sadd.s32 $0x4, s29;
	s30 =	sadd.s32 $0x200, s30;
	s31 =	sadd.s32 $0x40, s31  }
0x138: {  	p0 =	slt.u32 s29, $0x2C;
	v4 =	vadd.f32 v5, v4  }
0x139: {  	s4 =	sand.u32 $0x40, s31;
	s0 =	sand.u32 $0x1C00, s30  }
0x13a: {  	s0 =	sadd.s32 s23, s0;
	s5 =	sor.u32 s24, s4;
	s8 =	sor.u32 s25, s4;
	v3 =	vadd.f32 v3, v4  }
0x13b: {  	s16 =	sor.u32 s26, s4;
	s4 =	sor.u32 s28, s4;
	s5 =	sor.u32 s0, s5  }
0x13c: {  	[tilespmem:s2+$0x100] =	vst v3  }
0x13d: {  	v3 =	vld [tilespmem:s5+$0x100]  }
0x13e: {  	v4 =	vld [tilespmem:s5+$0x6100];
	_ =	sdelay $0x1  }
0x13f: {  	v5 =	vld [tilespmem:s5+$0xC100];
	_ =	sdelay $0x2  }
0x140: {  	v3 =	vadd.f32 v4, v3;
	_ =	sdelay $0x1  }
0x141: {  	v3 =	vadd.f32 v5, v3;
	_ =	sdelay $0x1  }
0x142: {  	s2 =	sor.u32 s0, s8;
	[tilespmem:s5+$0x100] =	vst v3  }
0x143: {  	v3 =	vld [tilespmem:s2+$0x100]  }
0x144: {  	v4 =	vld [tilespmem:s2+$0x6100];
	_ =	sdelay $0x1  }
0x145: {  	v5 =	vld [tilespmem:s2+$0xC100];
	_ =	sdelay $0x2  }
0x146: {  	v3 =	vadd.f32 v4, v3;
	_ =	sdelay $0x1  }
0x147: {  	v3 =	vadd.f32 v5, v3;
	_ =	sdelay $0x1  }
0x148: {  	[tilespmem:s2+$0x100] =	vst v3;
	s2 =	sor.u32 s0, s16  }
0x149: {  	v3 =	vld [tilespmem:s2+$0x100]  }
0x14a: {  	v4 =	vld [tilespmem:s2+$0x6100];
	_ =	sdelay $0x1  }
0x14b: {  	v5 =	vld [tilespmem:s2+$0xC100];
	_ =	sdelay $0x2  }
0x14c: {  	v3 =	vadd.f32 v4, v3;
	_ =	sdelay $0x1  }
0x14d: {  	v3 =	vadd.f32 v5, v3  }
.Ltmp2:
0x14e: {  	(pc) =	sbr.rel @p0 .LBB2_7-.Ltmp2, $4  }
0x14f: {  	[tilespmem:s2+$0x100] =	vst v3;
	s2 =	sor.u32 s0, s4  }
0x150: {  	v4 =	vld [tilespmem:s2+$0x100]  }
0x151: {  	v5 =	vld [tilespmem:s2+$0x6100]  }
0x152: {  	v3 =	vld [tilespmem:s2+$0xC100]  }
0x153: {  	_ = 	snop  }
0x154: {  	s22 =	sadd.s32 $0x1, s22  }
0x155: {  	p0 =	sne.s32 s22, $0x20  }
.Ltmp3:
0x156: {  	v4 =	vadd.f32 v5, v4;
	(pc) =	sbr.rel @p0 .LBB2_6-.Ltmp3, $3  }
0x157: {  	_ = 	snop  }
0x158: {  	v3 =	vadd.f32 v3, v4;
	_ =	sdelay $0x1  }
0x159: {  	[tilespmem:s2+$0x100] =	vst v3  }
0x15a: {  	s0 =	rddreg [dreg:$0xb]  }
0x15b: {  	[hbm4b:s0+s1] =	stream.linear.scatter [tilespmem:s17], [sflag:$0x4], $0x6000, $0x38;
	[tilespmem:$0x12100] =	vst v63  }
0x15c: {  	_ =	swait.ge [sflag:s15], $0x6000  }
0x15d: {  	s21 =	sadd.s32 $0x1, s21;
	s31 =	rddreg [dreg:$0xc]  }
0x15e: {  	p0 =	sne.s32 s21, s31  }
.Ltmp4:
0x15f: {  	_ = 	snop;
	(pc) =	sbr.rel @p0 .LBB2_1-.Ltmp4, $3  }
0x160: {  	_ =	sdelay $0x1  }
0x161: {  	[sflag:s15] =	ssyncset.done $0x0  }
0x162: {  	s16 =	simm.s32 $0x80;
	[sflag:s15] =	ssyncadd.s32 $0xFFFFA000  }
0x163: {  	_ =	sfence.sel $0x180000  }
0x164: {  	[bflag:$0x0] =	sbarrier.arrive $0xFFFF  }
0x165: {  	_ =	strace $0x9000004A  }
0x166: {  	s0 =	stileid.u32;
	[bflag:$0x2] =	sbarrier.arrive $0xFFFF  }
0x167: {  	p0 =	sne.s32 s0, $0x0;
	s0 =	rddreg [dreg:$0x3]  }
0x168: {  	s0 =	sadd.s32 @!p0 $0x100000, s0  }
0x169: {  	[sflag:s0] =	ssyncadd.tile.s32 @!p0 $0x1;
	_ =	shalt  }
.Lfunc_end2:
_tile_overlayer_lowered:
.L_overlay_start_2:
0x16a: {  	(tag) =	ssettag $0x2  }
0x16b: {  	s0 =	rddreg [dreg:$0x0];
	s2 =	stileid.u32  }
0x16c: {  	s1 =	rddreg [dreg:$0x1];
	p0 =	sne.s32 s2, $0x0  }
0x16d: {  	s3 =	rddreg [dreg:$0x2];
	[bflag:$0x3] =	sbarrier.arrive $0xFFFF;
	s2 =	simm.s32 @!p0 $0x1C04  }
0x16e: {  	[timem:s3], [sflag:s2] =	dma.local @!p0 [hbm:s0], s1  }
0x16f: {  	s0 =	simm.s32 @!p0 $0x4  }
0x170: {  	_ =	swait.ge @!p0 [sflag:s0], s1  }
0x171: {  	s1 =	ssub.s32 @!p0 $0x0, s1;
	[sflag:s0] =	ssyncset.done @!p0 $0x0  }
0x172: {  	[sflag:s0] =	ssyncadd.s32 @!p0 s1  }
0x173: {  	[bflag:$0x3] =	sbarrier.arrive $0xFFFF  }
0x174: {  	_ =	shalt  }

</sc_bundles>
